<compile_context>
chip_gen: v7x
topology: tpu7x:2x2x1
jax: 0.10.2.dev20260603
libtpu: 0.0.44.dev20260713+nightly
codegen_flags: <defaults>
</compile_context>

<pallas_src>
import dataclasses
import functools

import jax
import jax.numpy as jnp
from jax import lax
from jax.experimental import pallas as pl
from jax.experimental.pallas import tpu as pltpu
from jax.experimental.pallas import tpu_sc as plsc

B = 16384
F = 64
NC = 2
NS = 16
NW = NC * NS
BPW = B // NW
L = 16
RND = 2
CPR = BPW // RND
PBLK = 8192
PSH_HI = 14
PSH_LO = 13
PMASK = PBLK - 1


def _compiler_params():
    cp = pltpu.CompilerParams(use_tc_tiling_on_sc=True)
    if "needs_layout_passes" in pltpu.CompilerParams.__dataclass_fields__:
        cp = dataclasses.replace(cp, needs_layout_passes=False)
    return cp


def _pack_pairs(table_t):
    n = table_t.shape[1]
    blk = PBLK
    grid = (n + 2 * blk - 1) // (2 * blk)

    def body(in_ref, out_ref):
        row = lax.broadcasted_iota(jnp.int32, (F, F), 0)
        col = lax.broadcasted_iota(jnp.int32, (F, F), 1)
        eye = (row == col).astype(jnp.bfloat16)
        dn = (((0,), (0,)), ((), ()))
        x = in_ref[...].astype(jnp.bfloat16)
        out_ref[:, 0:F] = lax.dot_general(
            x[:, 0:blk], eye, dn, preferred_element_type=jnp.float32)
        out_ref[:, F:2 * F] = lax.dot_general(
            x[:, blk:2 * blk], eye, dn, preferred_element_type=jnp.float32)

    return pl.pallas_call(
        body,
        grid=(grid,),
        in_specs=[pl.BlockSpec((F, 2 * blk), lambda i: (0, i))],
        out_specs=pl.BlockSpec((blk, 2 * F), lambda i: (i, 0)),
        out_shape=jax.ShapeDtypeStruct((grid * blk, 2 * F), jnp.float32),
    )(table_t)


def kernel(cell_indices, drug_indices, cell_factors, drug_factors,
           cell_bias, drug_bias, global_bias):
    cfp = _pack_pairs(cell_factors.T)
    dfp = _pack_pairs(drug_factors.T)
    cell_bias_flat = cell_bias.reshape(-1)
    drug_bias_flat = drug_bias.reshape(-1)
    global_bias16 = jnp.broadcast_to(global_bias, (L,))
    mesh = plsc.VectorSubcoreMesh(core_axis_name="c", subcore_axis_name="s")

    @functools.partial(
        pl.kernel,
        out_type=jax.ShapeDtypeStruct((B,), jnp.float32),
        mesh=mesh,
        compiler_params=_compiler_params(),
        scratch_types=[
            pltpu.VMEM((BPW,), jnp.int32),
            pltpu.VMEM((BPW,), jnp.int32),
            pltpu.VMEM((CPR,), jnp.int32),
            pltpu.VMEM((CPR,), jnp.int32),
            pltpu.VMEM((CPR, 2 * F), jnp.float32),
            pltpu.VMEM((CPR, 2 * F), jnp.float32),
            pltpu.VMEM((BPW,), jnp.float32),
            pltpu.VMEM((BPW,), jnp.float32),
            pltpu.VMEM((BPW,), jnp.float32),
            pltpu.VMEM((L,), jnp.float32),
            pltpu.SemaphoreType.DMA,
            pltpu.SemaphoreType.DMA,
            pltpu.SemaphoreType.DMA,
        ],
    )
    def sc_kernel(ci_hbm, di_hbm, cfp_hbm, dfp_hbm, cb_hbm, db_hbm, gb_hbm,
                  out_hbm, ci_v, di_v, pci_v, pdi_v, cr_v, dr_v, cb_v, db_v,
                  out_v, gb_v, sem_c, sem_d, sem_m):
        wid = lax.axis_index("s") * NC + lax.axis_index("c")
        base = wid * BPW

        pltpu.sync_copy(ci_hbm.at[pl.ds(base, BPW)], ci_v)
        pltpu.sync_copy(di_hbm.at[pl.ds(base, BPW)], di_v)
        pltpu.sync_copy(gb_hbm, gb_v)

        h_cb = pltpu.async_copy(cb_hbm.at[ci_v], cb_v, sem_m)
        h_db = pltpu.async_copy(db_hbm.at[di_v], db_v, sem_m)
        h_cb.wait()
        h_db.wait()

        g = gb_v[...]
        lanes = lax.iota(jnp.int32, L)

        for rnd in range(RND):
            r_off = rnd * CPR

            @pl.loop(0, CPR, step=L)
            def _(j):
                ci = ci_v[pl.ds(r_off + j, L)]
                di = di_v[pl.ds(r_off + j, L)]
                pci_v[pl.ds(j, L)] = (
                    lax.shift_left(lax.shift_right_logical(ci, PSH_HI),
                                   PSH_LO) + (ci & PMASK))
                pdi_v[pl.ds(j, L)] = (
                    lax.shift_left(lax.shift_right_logical(di, PSH_HI),
                                   PSH_LO) + (di & PMASK))

            h_c = pltpu.async_copy(cfp_hbm.at[pci_v], cr_v, sem_c)
            h_d = pltpu.async_copy(dfp_hbm.at[pdi_v], dr_v, sem_d)
            h_c.wait()
            h_d.wait()

            @pl.loop(0, CPR, step=L)
            def _(j):
                rows = j + lanes
                colc = lax.shift_left(
                    lax.shift_right_logical(
                        ci_v[pl.ds(r_off + j, L)], PSH_LO) & 1, 6)
                cold = lax.shift_left(
                    lax.shift_right_logical(
                        di_v[pl.ds(r_off + j, L)], PSH_LO) & 1, 6)
                acc0 = (cb_v[pl.ds(r_off + j, L)] +
                        db_v[pl.ds(r_off + j, L)] + g)
                acc1 = jnp.zeros((L,), jnp.float32)
                acc2 = jnp.zeros((L,), jnp.float32)
                acc3 = jnp.zeros((L,), jnp.float32)
                accs = [acc0, acc1, acc2, acc3]
                for f in range(F):
                    cg = plsc.load_gather(cr_v, [rows, colc + f])
                    dg = plsc.load_gather(dr_v, [rows, cold + f])
                    accs[f % 4] = accs[f % 4] + cg * dg
                out_v[pl.ds(r_off + j, L)] = ((accs[0] + accs[1]) +
                                              (accs[2] + accs[3]))

        pltpu.sync_copy(out_v, out_hbm.at[pl.ds(base, BPW)])

    return sc_kernel(cell_indices, drug_indices, cfp, dfp,
                     cell_bias_flat, drug_bias_flat, global_bias16)

# --- scband reference (transcript-rebuilt; emitter-appended) ---
"""Pipeline reference for scband-matrix-factorization-31550829756458 (READ-ONLY COPY).

The authoritative reference and input builder live on the scoring server;
editing this copy changes nothing except your own understanding.
"""

import jax, jax.numpy as jnp
import numpy as np

N_CELLS = 1000000
N_DRUGS = 100000
N_FACTORS = 64
BATCH = 16384

def setup_inputs(seed: int = 0) -> dict:
    key = jax.random.key(seed)
    k1, k2, k3, k4 = jax.random.split(key, 4)
    cell_indices = jax.random.randint(k1, (BATCH,), 0, N_CELLS, dtype=jnp.int64 if jax.config.jax_enable_x64 else jnp.int32)
    drug_indices = jax.random.randint(k2, (BATCH,), 0, N_DRUGS, dtype=jnp.int64 if jax.config.jax_enable_x64 else jnp.int32)
    cell_factors = jax.random.normal(k3, (N_CELLS, N_FACTORS), dtype=jnp.float32) * 0.1
    drug_factors = jax.random.normal(k4, (N_DRUGS, N_FACTORS), dtype=jnp.float32) * 0.1
    cell_bias = jnp.zeros((N_CELLS, 1), dtype=jnp.float32)
    drug_bias = jnp.zeros((N_DRUGS, 1), dtype=jnp.float32)
    global_bias = jnp.zeros((1,), dtype=jnp.float32)
    return {
        "cell_indices": cell_indices,
        "drug_indices": drug_indices,
        "cell_factors": cell_factors,
        "drug_factors": drug_factors,
        "cell_bias": cell_bias,
        "drug_bias": drug_bias,
        "global_bias": global_bias,
    }

def reference(cell_indices, drug_indices, cell_factors, drug_factors, cell_bias, drug_bias, global_bias):
    cell_emb = jnp.take(cell_factors, cell_indices, axis=0)           # [B, F]
    drug_emb = jnp.take(drug_factors, drug_indices, axis=0)           # [B, F]
    cell_b = jnp.take(cell_bias, cell_indices, axis=0).squeeze()      # [B]
    drug_b = jnp.take(drug_bias, drug_indices, axis=0).squeeze()      # [B]
    interaction = jnp.sum(cell_emb * drug_emb, axis=1)                # [B]
    pred = interaction + cell_b + drug_b + global_bias
    return pred

if __name__ == "__main__":
    import jax
    _d = setup_inputs()
    print(jax.jit(kernel)(*tuple(_d.values())))

</pallas_src>

<mosaic_0001>
#map = affine_map<(d0, d1) -> (0)>
#map1 = affine_map<(d0, d1) -> (0, 0)>
module attributes {stable_mosaic.version = 14 : i64} {
  func.func @sc_kernel(%arg0: i32, %arg1: i32, %arg2: memref<16384xi32, #tpu.memory_space<hbm>>, %arg3: memref<16384xi32, #tpu.memory_space<hbm>>, %arg4: memref<507904x128xf32, #tpu.memory_space<hbm>>, %arg5: memref<57344x128xf32, #tpu.memory_space<hbm>>, %arg6: memref<1000000xf32, #tpu.memory_space<hbm>>, %arg7: memref<100000xf32, #tpu.memory_space<hbm>>, %arg8: memref<16xf32, #tpu.memory_space<hbm>>, %arg9: memref<16384xf32, #tpu.memory_space<hbm>>, %arg10: memref<512xi32, #tpu.memory_space<vmem>>, %arg11: memref<512xi32, #tpu.memory_space<vmem>>, %arg12: memref<256xi32, #tpu.memory_space<vmem>>, %arg13: memref<256xi32, #tpu.memory_space<vmem>>, %arg14: memref<256x128xf32, #tpu.memory_space<vmem>>, %arg15: memref<256x128xf32, #tpu.memory_space<vmem>>, %arg16: memref<512xf32, #tpu.memory_space<vmem>>, %arg17: memref<512xf32, #tpu.memory_space<vmem>>, %arg18: memref<512xf32, #tpu.memory_space<vmem>>, %arg19: memref<16xf32, #tpu.memory_space<vmem>>, %arg20: memref<!tpu.dma_semaphore, #tpu.memory_space<semaphore_mem>>, %arg21: memref<!tpu.dma_semaphore, #tpu.memory_space<semaphore_mem>>, %arg22: memref<!tpu.dma_semaphore, #tpu.memory_space<semaphore_mem>>) attributes {dimension_semantics = [#tpu.dimension_semantics<core_parallel>, #tpu.dimension_semantics<subcore_parallel>], iteration_bounds = array<i64: 2, 16>, scalar_prefetch = 0 : i64, scratch_operands = 13 : i64, tpu.core_type = #tpu.core_type<sc_vector_subcore>, window_params = [{transform_indices = #map}, {transform_indices = #map}, {transform_indices = #map1}, {transform_indices = #map1}, {transform_indices = #map}, {transform_indices = #map}, {transform_indices = #map}, {transform_indices = #map}]} {
    %mul3A = arith.constant 2 : i32
    %mul3A_0 = arith.muli %arg1, %mul3A : i32
    %add3A = arith.addi %mul3A_0, %arg0 : i32
    %mul3A_1 = arith.constant 512 : i32
    %mul3A_2 = arith.muli %add3A, %mul3A_1 : i32
    "tpu.region"() ({
      %run_scoped3A = tpu.sem_alloc : memref<!tpu.dma_semaphore, #tpu.memory_space<semaphore_mem>>
      %dma_start3A_53 = tpu.memref_slice %arg2[%mul3A_2] : memref<16384xi32, #tpu.memory_space<hbm>> -> memref<512xi32, #tpu.memory_space<hbm>>
      %dma_start3A_54 = tpu.memref_slice %arg2[%mul3A_2] : memref<16384xi32, #tpu.memory_space<hbm>> -> memref<512xi32, #tpu.memory_space<hbm>>
      tpu.enqueue_dma source(%dma_start3A_54 : memref<512xi32, #tpu.memory_space<hbm>>) target(%arg10 : memref<512xi32, #tpu.memory_space<vmem>>) target_semaphore(%run_scoped3A : memref<!tpu.dma_semaphore, #tpu.memory_space<semaphore_mem>>)
      %dma_wait3A_55 = tpu.memref_slice %arg2[%mul3A_2] : memref<16384xi32, #tpu.memory_space<hbm>> -> memref<512xi32, #tpu.memory_space<hbm>>
      %dma_wait3A_56 = tpu.memref_slice %arg2[%mul3A_2] : memref<16384xi32, #tpu.memory_space<hbm>> -> memref<512xi32, #tpu.memory_space<hbm>>
      tpu.wait_dma2 semaphore(%run_scoped3A : memref<!tpu.dma_semaphore, #tpu.memory_space<semaphore_mem>>) src(%dma_wait3A_56 : memref<512xi32, #tpu.memory_space<hbm>>) dst(%arg10 : memref<512xi32, #tpu.memory_space<vmem>>)
      tpu.yield
    }) : () -> ()
    "tpu.region"() ({
      %run_scoped3A = tpu.sem_alloc : memref<!tpu.dma_semaphore, #tpu.memory_space<semaphore_mem>>
      %dma_start3A_53 = tpu.memref_slice %arg3[%mul3A_2] : memref<16384xi32, #tpu.memory_space<hbm>> -> memref<512xi32, #tpu.memory_space<hbm>>
      %dma_start3A_54 = tpu.memref_slice %arg3[%mul3A_2] : memref<16384xi32, #tpu.memory_space<hbm>> -> memref<512xi32, #tpu.memory_space<hbm>>
      tpu.enqueue_dma source(%dma_start3A_54 : memref<512xi32, #tpu.memory_space<hbm>>) target(%arg11 : memref<512xi32, #tpu.memory_space<vmem>>) target_semaphore(%run_scoped3A : memref<!tpu.dma_semaphore, #tpu.memory_space<semaphore_mem>>)
      %dma_wait3A_55 = tpu.memref_slice %arg3[%mul3A_2] : memref<16384xi32, #tpu.memory_space<hbm>> -> memref<512xi32, #tpu.memory_space<hbm>>
      %dma_wait3A_56 = tpu.memref_slice %arg3[%mul3A_2] : memref<16384xi32, #tpu.memory_space<hbm>> -> memref<512xi32, #tpu.memory_space<hbm>>
      tpu.wait_dma2 semaphore(%run_scoped3A : memref<!tpu.dma_semaphore, #tpu.memory_space<semaphore_mem>>) src(%dma_wait3A_56 : memref<512xi32, #tpu.memory_space<hbm>>) dst(%arg11 : memref<512xi32, #tpu.memory_space<vmem>>)
      tpu.yield
    }) : () -> ()
    "tpu.region"() ({
      %run_scoped3A = tpu.sem_alloc : memref<!tpu.dma_semaphore, #tpu.memory_space<semaphore_mem>>
      tpu.enqueue_dma source(%arg8 : memref<16xf32, #tpu.memory_space<hbm>>) target(%arg19 : memref<16xf32, #tpu.memory_space<vmem>>) target_semaphore(%run_scoped3A : memref<!tpu.dma_semaphore, #tpu.memory_space<semaphore_mem>>)
      tpu.wait_dma2 semaphore(%run_scoped3A : memref<!tpu.dma_semaphore, #tpu.memory_space<semaphore_mem>>) src(%arg8 : memref<16xf32, #tpu.memory_space<hbm>>) dst(%arg19 : memref<16xf32, #tpu.memory_space<vmem>>)
      tpu.yield
    }) : () -> ()
    %dma_start3A = arith.constant 0 : i32
    %dma_start3A_3 = tpu.memref_slice %arg6[%dma_start3A] : memref<1000000xf32, #tpu.memory_space<hbm>> -> memref<1000000xf32, #tpu.memory_space<hbm>>
    tpu.enqueue_indirect_dma source(%dma_start3A_3 : memref<1000000xf32, #tpu.memory_space<hbm>>) target(%arg16 : memref<512xf32, #tpu.memory_space<vmem>>) offsets(%arg10 : memref<512xi32, #tpu.memory_space<vmem>>) semaphore(%arg22 : memref<!tpu.dma_semaphore, #tpu.memory_space<semaphore_mem>>)
    %dma_start3A_4 = arith.constant 0 : i32
    %dma_start3A_5 = tpu.memref_slice %arg7[%dma_start3A_4] : memref<100000xf32, #tpu.memory_space<hbm>> -> memref<100000xf32, #tpu.memory_space<hbm>>
    tpu.enqueue_indirect_dma source(%dma_start3A_5 : memref<100000xf32, #tpu.memory_space<hbm>>) target(%arg17 : memref<512xf32, #tpu.memory_space<vmem>>) offsets(%arg11 : memref<512xi32, #tpu.memory_space<vmem>>) semaphore(%arg22 : memref<!tpu.dma_semaphore, #tpu.memory_space<semaphore_mem>>)
    %dma_wait3A = arith.constant 0 : i32
    %dma_wait3A_6 = tpu.memref_slice %arg6[%dma_wait3A] : memref<1000000xf32, #tpu.memory_space<hbm>> -> memref<1000000xf32, #tpu.memory_space<hbm>>
    tpu.wait_indirect_dma semaphore(%arg22 : memref<!tpu.dma_semaphore, #tpu.memory_space<semaphore_mem>>) src(%dma_wait3A_6 : memref<1000000xf32, #tpu.memory_space<hbm>>) dst(%arg16 : memref<512xf32, #tpu.memory_space<vmem>>)
    %dma_wait3A_7 = arith.constant 0 : i32
    %dma_wait3A_8 = tpu.memref_slice %arg7[%dma_wait3A_7] : memref<100000xf32, #tpu.memory_space<hbm>> -> memref<100000xf32, #tpu.memory_space<hbm>>
    tpu.wait_indirect_dma semaphore(%arg22 : memref<!tpu.dma_semaphore, #tpu.memory_space<semaphore_mem>>) src(%dma_wait3A_8 : memref<100000xf32, #tpu.memory_space<hbm>>) dst(%arg17 : memref<512xf32, #tpu.memory_space<vmem>>)
    %get3A = arith.constant 0 : index
    %get3A_9 = tpu.vector_load %arg19[%get3A] {strides = array<i32>} : memref<16xf32, #tpu.memory_space<vmem>>, vector<16xf32>,
    %iota3A = tpu.iota {dimensions = array<i32: 0>} : vector<16xi32>
    %scan3A = arith.constant 0 : i32
    %scan3A_10 = arith.constant 16 : i32
    %scan3A_11 = arith.addi %scan3A, %scan3A_10 : i32
    %scan3A_12 = arith.constant 1 : i32
    scf.for %scan3A_53 = %scan3A to %scan3A_11 step %scan3A_12  : i32 {
      %mul3A_54 = arith.constant 16 : i32
      %mul3A_55 = arith.muli %scan3A_53, %mul3A_54 : i32
      %add3A_56 = arith.constant 0 : i32
      %add3A_57 = arith.addi %add3A_56, %mul3A_55 : i32
      %add3A_58 = arith.constant 0 : i32
      %add3A_59 = arith.addi %add3A_58, %add3A_57 : i32
      %get3A_60 = arith.index_cast %add3A_59 : i32 to index
      %get3A_61 = tpu.vector_load %arg10[%get3A_60] {strides = array<i32>} : memref<512xi32, #tpu.memory_space<vmem>>, vector<16xi32>,
      %add3A_62 = arith.constant 0 : i32
      %add3A_63 = arith.addi %add3A_62, %add3A_57 : i32
      %get3A_64 = arith.index_cast %add3A_63 : i32 to index
      %get3A_65 = tpu.vector_load %arg11[%get3A_64] {strides = array<i32>} : memref<512xi32, #tpu.memory_space<vmem>>, vector<16xi32>,
      %shift_right_logical3A = arith.constant 14 : i32
      %shift_right_logical3A_66 = vector.broadcast %shift_right_logical3A : i32 to vector<16xi32>
      %shift_right_logical3A_67 = arith.shrui %get3A_61, %shift_right_logical3A_66 : vector<16xi32>
      %shift_left3A = arith.constant 13 : i32
      %shift_left3A_68 = vector.broadcast %shift_left3A : i32 to vector<16xi32>
      %shift_left3A_69 = arith.shli %shift_right_logical3A_67, %shift_left3A_68 : vector<16xi32>
      %and3A = arith.constant 8191 : i32
      %and3A_70 = vector.broadcast %and3A : i32 to vector<16xi32>
      %and3A_71 = arith.andi %get3A_61, %and3A_70 : vector<16xi32>
      %add3A_72 = arith.addi %shift_left3A_69, %and3A_71 : vector<16xi32>
      %swap3A = arith.index_cast %add3A_57 : i32 to index
      %swap3A_73 = tpu.vector_load %arg12[%swap3A] {strides = array<i32>} : memref<256xi32, #tpu.memory_space<vmem>>, vector<16xi32>,
      tpu.vector_store %arg12[%swap3A], %add3A_72 {strides = array<i32>} : memref<256xi32, #tpu.memory_space<vmem>>, vector<16xi32>,
      %shift_right_logical3A_74 = arith.constant 14 : i32
      %shift_right_logical3A_75 = vector.broadcast %shift_right_logical3A_74 : i32 to vector<16xi32>
      %shift_right_logical3A_76 = arith.shrui %get3A_65, %shift_right_logical3A_75 : vector<16xi32>
      %shift_left3A_77 = arith.constant 13 : i32
      %shift_left3A_78 = vector.broadcast %shift_left3A_77 : i32 to vector<16xi32>
      %shift_left3A_79 = arith.shli %shift_right_logical3A_76, %shift_left3A_78 : vector<16xi32>
      %and3A_80 = arith.constant 8191 : i32
      %and3A_81 = vector.broadcast %and3A_80 : i32 to vector<16xi32>
      %and3A_82 = arith.andi %get3A_65, %and3A_81 : vector<16xi32>
      %add3A_83 = arith.addi %shift_left3A_79, %and3A_82 : vector<16xi32>
      %swap3A_84 = arith.index_cast %add3A_57 : i32 to index
      %swap3A_85 = tpu.vector_load %arg13[%swap3A_84] {strides = array<i32>} : memref<256xi32, #tpu.memory_space<vmem>>, vector<16xi32>,
      tpu.vector_store %arg13[%swap3A_84], %add3A_83 {strides = array<i32>} : memref<256xi32, #tpu.memory_space<vmem>>, vector<16xi32>,
    }
    %scan3A_13 = arith.constant 16 : i32
    %dma_start3A_14 = arith.constant 0 : i32
    %dma_start3A_15 = arith.constant 0 : i32
    %dma_start3A_16 = tpu.memref_slice %arg4[%dma_start3A_14, %dma_start3A_15] : memref<507904x128xf32, #tpu.memory_space<hbm>> -> memref<507904x128xf32, #tpu.memory_space<hbm>>
    tpu.enqueue_indirect_dma source(%dma_start3A_16 : memref<507904x128xf32, #tpu.memory_space<hbm>>) target(%arg14 : memref<256x128xf32, #tpu.memory_space<vmem>>) offsets(%arg12 : memref<256xi32, #tpu.memory_space<vmem>>) semaphore(%arg20 : memref<!tpu.dma_semaphore, #tpu.memory_space<semaphore_mem>>)
    %dma_start3A_17 = arith.constant 0 : i32
    %dma_start3A_18 = arith.constant 0 : i32
    %dma_start3A_19 = tpu.memref_slice %arg5[%dma_start3A_17, %dma_start3A_18] : memref<57344x128xf32, #tpu.memory_space<hbm>> -> memref<57344x128xf32, #tpu.memory_space<hbm>>
    tpu.enqueue_indirect_dma source(%dma_start3A_19 : memref<57344x128xf32, #tpu.memory_space<hbm>>) target(%arg15 : memref<256x128xf32, #tpu.memory_space<vmem>>) offsets(%arg13 : memref<256xi32, #tpu.memory_space<vmem>>) semaphore(%arg21 : memref<!tpu.dma_semaphore, #tpu.memory_space<semaphore_mem>>)
    %dma_wait3A_20 = arith.constant 0 : i32
    %dma_wait3A_21 = arith.constant 0 : i32
    %dma_wait3A_22 = tpu.memref_slice %arg4[%dma_wait3A_20, %dma_wait3A_21] : memref<507904x128xf32, #tpu.memory_space<hbm>> -> memref<507904x128xf32, #tpu.memory_space<hbm>>
    tpu.wait_indirect_dma semaphore(%arg20 : memref<!tpu.dma_semaphore, #tpu.memory_space<semaphore_mem>>) src(%dma_wait3A_22 : memref<507904x128xf32, #tpu.memory_space<hbm>>) dst(%arg14 : memref<256x128xf32, #tpu.memory_space<vmem>>)
    %dma_wait3A_23 = arith.constant 0 : i32
    %dma_wait3A_24 = arith.constant 0 : i32
    %dma_wait3A_25 = tpu.memref_slice %arg5[%dma_wait3A_23, %dma_wait3A_24] : memref<57344x128xf32, #tpu.memory_space<hbm>> -> memref<57344x128xf32, #tpu.memory_space<hbm>>
    tpu.wait_indirect_dma semaphore(%arg21 : memref<!tpu.dma_semaphore, #tpu.memory_space<semaphore_mem>>) src(%dma_wait3A_25 : memref<57344x128xf32, #tpu.memory_space<hbm>>) dst(%arg15 : memref<256x128xf32, #tpu.memory_space<vmem>>)
    %scan3A_26 = arith.constant 0 : i32
    %scan3A_27 = arith.constant 16 : i32
    %scan3A_28 = arith.addi %scan3A_26, %scan3A_27 : i32
    %scan3A_29 = arith.constant 1 : i32
    scf.for %scan3A_53 = %scan3A_26 to %scan3A_28 step %scan3A_29  : i32 {
      %mul3A_54 = arith.constant 16 : i32
      %mul3A_55 = arith.muli %scan3A_53, %mul3A_54 : i32
      %add3A_56 = arith.constant 0 : i32
      %add3A_57 = arith.addi %add3A_56, %mul3A_55 : i32
      %add3A_58 = vector.broadcast %add3A_57 : i32 to vector<16xi32>
      %add3A_59 = arith.addi %add3A_58, %iota3A : vector<16xi32>
      %add3A_60 = arith.constant 0 : i32
      %add3A_61 = arith.addi %add3A_60, %add3A_57 : i32
      %get3A_62 = arith.index_cast %add3A_61 : i32 to index
      %get3A_63 = tpu.vector_load %arg10[%get3A_62] {strides = array<i32>} : memref<512xi32, #tpu.memory_space<vmem>>, vector<16xi32>,
      %shift_right_logical3A = arith.constant 13 : i32
      %shift_right_logical3A_64 = vector.broadcast %shift_right_logical3A : i32 to vector<16xi32>
      %shift_right_logical3A_65 = arith.shrui %get3A_63, %shift_right_logical3A_64 : vector<16xi32>
      %and3A = arith.constant 1 : i32
      %and3A_66 = vector.broadcast %and3A : i32 to vector<16xi32>
      %and3A_67 = arith.andi %shift_right_logical3A_65, %and3A_66 : vector<16xi32>
      %shift_left3A = arith.constant 6 : i32
      %shift_left3A_68 = vector.broadcast %shift_left3A : i32 to vector<16xi32>
      %shift_left3A_69 = arith.shli %and3A_67, %shift_left3A_68 : vector<16xi32>
      %add3A_70 = arith.constant 0 : i32
      %add3A_71 = arith.addi %add3A_70, %add3A_57 : i32
      %get3A_72 = arith.index_cast %add3A_71 : i32 to index
      %get3A_73 = tpu.vector_load %arg11[%get3A_72] {strides = array<i32>} : memref<512xi32, #tpu.memory_space<vmem>>, vector<16xi32>,
      %shift_right_logical3A_74 = arith.constant 13 : i32
      %shift_right_logical3A_75 = vector.broadcast %shift_right_logical3A_74 : i32 to vector<16xi32>
      %shift_right_logical3A_76 = arith.shrui %get3A_73, %shift_right_logical3A_75 : vector<16xi32>
      %and3A_77 = arith.constant 1 : i32
      %and3A_78 = vector.broadcast %and3A_77 : i32 to vector<16xi32>
      %and3A_79 = arith.andi %shift_right_logical3A_76, %and3A_78 : vector<16xi32>
      %shift_left3A_80 = arith.constant 6 : i32
      %shift_left3A_81 = vector.broadcast %shift_left3A_80 : i32 to vector<16xi32>
      %shift_left3A_82 = arith.shli %and3A_79, %shift_left3A_81 : vector<16xi32>
      %add3A_83 = arith.constant 0 : i32
      %add3A_84 = arith.addi %add3A_83, %add3A_57 : i32
      %get3A_85 = arith.index_cast %add3A_84 : i32 to index
      %get3A_86 = tpu.vector_load %arg16[%get3A_85] {strides = array<i32>} : memref<512xf32, #tpu.memory_space<vmem>>, vector<16xf32>,
      %add3A_87 = arith.constant 0 : i32
      %add3A_88 = arith.addi %add3A_87, %add3A_57 : i32
      %get3A_89 = arith.index_cast %add3A_88 : i32 to index
      %get3A_90 = tpu.vector_load %arg17[%get3A_89] {strides = array<i32>} : memref<512xf32, #tpu.memory_space<vmem>>, vector<16xf32>,
      %add3A_91 = arith.addf %get3A_86, %get3A_90 : vector<16xf32>
      %add3A_92 = arith.addf %add3A_91, %get3A_9 : vector<16xf32>
      %broadcast_in_dim3A = arith.constant 0.000000e+00 : f32
      %broadcast_in_dim3A_93 = vector.broadcast %broadcast_in_dim3A : f32 to vector<16xf32>
      %broadcast_in_dim3A_94 = arith.constant 0.000000e+00 : f32
      %broadcast_in_dim3A_95 = vector.broadcast %broadcast_in_dim3A_94 : f32 to vector<16xf32>
      %broadcast_in_dim3A_96 = arith.constant 0.000000e+00 : f32
      %broadcast_in_dim3A_97 = vector.broadcast %broadcast_in_dim3A_96 : f32 to vector<16xf32>
      %add3A_98 = arith.constant 0 : i32
      %add3A_99 = vector.broadcast %add3A_98 : i32 to vector<16xi32>
      %add3A_100 = arith.addi %shift_left3A_69, %add3A_99 : vector<16xi32>
      %gather3A = tpu.vector_load_idx %arg14[%add3A_59, %add3A_100] : memref<256x128xf32, #tpu.memory_space<vmem>>[vector<16xi32>, vector<16xi32>], vector<16xf32>,
      %add3A_101 = arith.constant 0 : i32
      %add3A_102 = vector.broadcast %add3A_101 : i32 to vector<16xi32>
      %add3A_103 = arith.addi %shift_left3A_82, %add3A_102 : vector<16xi32>
      %gather3A_104 = tpu.vector_load_idx %arg15[%add3A_59, %add3A_103] : memref<256x128xf32, #tpu.memory_space<vmem>>[vector<16xi32>, vector<16xi32>], vector<16xf32>,
      %mul3A_105 = arith.mulf %gather3A, %gather3A_104 : vector<16xf32>
      %add3A_106 = arith.addf %add3A_92, %mul3A_105 : vector<16xf32>
      %add3A_107 = arith.constant 1 : i32
      %add3A_108 = vector.broadcast %add3A_107 : i32 to vector<16xi32>
      %add3A_109 = arith.addi %shift_left3A_69, %add3A_108 : vector<16xi32>
      %gather3A_110 = tpu.vector_load_idx %arg14[%add3A_59, %add3A_109] : memref<256x128xf32, #tpu.memory_space<vmem>>[vector<16xi32>, vector<16xi32>], vector<16xf32>,
      %add3A_111 = arith.constant 1 : i32
      %add3A_112 = vector.broadcast %add3A_111 : i32 to vector<16xi32>
      %add3A_113 = arith.addi %shift_left3A_82, %add3A_112 : vector<16xi32>
      %gather3A_114 = tpu.vector_load_idx %arg15[%add3A_59, %add3A_113] : memref<256x128xf32, #tpu.memory_space<vmem>>[vector<16xi32>, vector<16xi32>], vector<16xf32>,
      %mul3A_115 = arith.mulf %gather3A_110, %gather3A_114 : vector<16xf32>
      %add3A_116 = arith.addf %broadcast_in_dim3A_93, %mul3A_115 : vector<16xf32>
      %add3A_117 = arith.constant 2 : i32
      %add3A_118 = vector.broadcast %add3A_117 : i32 to vector<16xi32>
      %add3A_119 = arith.addi %shift_left3A_69, %add3A_118 : vector<16xi32>
      %gather3A_120 = tpu.vector_load_idx %arg14[%add3A_59, %add3A_119] : memref<256x128xf32, #tpu.memory_space<vmem>>[vector<16xi32>, vector<16xi32>], vector<16xf32>,
      %add3A_121 = arith.constant 2 : i32
      %add3A_122 = vector.broadcast %add3A_121 : i32 to vector<16xi32>
      %add3A_123 = arith.addi %shift_left3A_82, %add3A_122 : vector<16xi32>
      %gather3A_124 = tpu.vector_load_idx %arg15[%add3A_59, %add3A_123] : memref<256x128xf32, #tpu.memory_space<vmem>>[vector<16xi32>, vector<16xi32>], vector<16xf32>,
      %mul3A_125 = arith.mulf %gather3A_120, %gather3A_124 : vector<16xf32>
      %add3A_126 = arith.addf %broadcast_in_dim3A_95, %mul3A_125 : vector<16xf32>
      %add3A_127 = arith.constant 3 : i32
      %add3A_128 = vector.broadcast %add3A_127 : i32 to vector<16xi32>
      %add3A_129 = arith.addi %shift_left3A_69, %add3A_128 : vector<16xi32>
      %gather3A_130 = tpu.vector_load_idx %arg14[%add3A_59, %add3A_129] : memref<256x128xf32, #tpu.memory_space<vmem>>[vector<16xi32>, vector<16xi32>], vector<16xf32>,
      %add3A_131 = arith.constant 3 : i32
      %add3A_132 = vector.broadcast %add3A_131 : i32 to vector<16xi32>
      %add3A_133 = arith.addi %shift_left3A_82, %add3A_132 : vector<16xi32>
      %gather3A_134 = tpu.vector_load_idx %arg15[%add3A_59, %add3A_133] : memref<256x128xf32, #tpu.memory_space<vmem>>[vector<16xi32>, vector<16xi32>], vector<16xf32>,
      %mul3A_135 = arith.mulf %gather3A_130, %gather3A_134 : vector<16xf32>
      %add3A_136 = arith.addf %broadcast_in_dim3A_97, %mul3A_135 : vector<16xf32>
      %add3A_137 = arith.constant 4 : i32
      %add3A_138 = vector.broadcast %add3A_137 : i32 to vector<16xi32>
      %add3A_139 = arith.addi %shift_left3A_69, %add3A_138 : vector<16xi32>
      %gather3A_140 = tpu.vector_load_idx %arg14[%add3A_59, %add3A_139] : memref<256x128xf32, #tpu.memory_space<vmem>>[vector<16xi32>, vector<16xi32>], vector<16xf32>,
      %add3A_141 = arith.constant 4 : i32
      %add3A_142 = vector.broadcast %add3A_141 : i32 to vector<16xi32>
      %add3A_143 = arith.addi %shift_left3A_82, %add3A_142 : vector<16xi32>
      %gather3A_144 = tpu.vector_load_idx %arg15[%add3A_59, %add3A_143] : memref<256x128xf32, #tpu.memory_space<vmem>>[vector<16xi32>, vector<16xi32>], vector<16xf32>,
      %mul3A_145 = arith.mulf %gather3A_140, %gather3A_144 : vector<16xf32>
      %add3A_146 = arith.addf %add3A_106, %mul3A_145 : vector<16xf32>
      %add3A_147 = arith.constant 5 : i32
      %add3A_148 = vector.broadcast %add3A_147 : i32 to vector<16xi32>
      %add3A_149 = arith.addi %shift_left3A_69, %add3A_148 : vector<16xi32>
      %gather3A_150 = tpu.vector_load_idx %arg14[%add3A_59, %add3A_149] : memref<256x128xf32, #tpu.memory_space<vmem>>[vector<16xi32>, vector<16xi32>], vector<16xf32>,
      %add3A_151 = arith.constant 5 : i32
      %add3A_152 = vector.broadcast %add3A_151 : i32 to vector<16xi32>
      %add3A_153 = arith.addi %shift_left3A_82, %add3A_152 : vector<16xi32>
      %gather3A_154 = tpu.vector_load_idx %arg15[%add3A_59, %add3A_153] : memref<256x128xf32, #tpu.memory_space<vmem>>[vector<16xi32>, vector<16xi32>], vector<16xf32>,
      %mul3A_155 = arith.mulf %gather3A_150, %gather3A_154 : vector<16xf32>
      %add3A_156 = arith.addf %add3A_116, %mul3A_155 : vector<16xf32>
      %add3A_157 = arith.constant 6 : i32
      %add3A_158 = vector.broadcast %add3A_157 : i32 to vector<16xi32>
      %add3A_159 = arith.addi %shift_left3A_69, %add3A_158 : vector<16xi32>
      %gather3A_160 = tpu.vector_load_idx %arg14[%add3A_59, %add3A_159] : memref<256x128xf32, #tpu.memory_space<vmem>>[vector<16xi32>, vector<16xi32>], vector<16xf32>,
      %add3A_161 = arith.constant 6 : i32
      %add3A_162 = vector.broadcast %add3A_161 : i32 to vector<16xi32>
      %add3A_163 = arith.addi %shift_left3A_82, %add3A_162 : vector<16xi32>
      %gather3A_164 = tpu.vector_load_idx %arg15[%add3A_59, %add3A_163] : memref<256x128xf32, #tpu.memory_space<vmem>>[vector<16xi32>, vector<16xi32>], vector<16xf32>,
      %mul3A_165 = arith.mulf %gather3A_160, %gather3A_164 : vector<16xf32>
      %add3A_166 = arith.addf %add3A_126, %mul3A_165 : vector<16xf32>
      %add3A_167 = arith.constant 7 : i32
      %add3A_168 = vector.broadcast %add3A_167 : i32 to vector<16xi32>
      %add3A_169 = arith.addi %shift_left3A_69, %add3A_168 : vector<16xi32>
      %gather3A_170 = tpu.vector_load_idx %arg14[%add3A_59, %add3A_169] : memref<256x128xf32, #tpu.memory_space<vmem>>[vector<16xi32>, vector<16xi32>], vector<16xf32>,
      %add3A_171 = arith.constant 7 : i32
      %add3A_172 = vector.broadcast %add3A_171 : i32 to vector<16xi32>
      %add3A_173 = arith.addi %shift_left3A_82, %add3A_172 : vector<16xi32>
      %gather3A_174 = tpu.vector_load_idx %arg15[%add3A_59, %add3A_173] : memref<256x128xf32, #tpu.memory_space<vmem>>[vector<16xi32>, vector<16xi32>], vector<16xf32>,
      %mul3A_175 = arith.mulf %gather3A_170, %gather3A_174 : vector<16xf32>
      %add3A_176 = arith.addf %add3A_136, %mul3A_175 : vector<16xf32>
      %add3A_177 = arith.constant 8 : i32
      %add3A_178 = vector.broadcast %add3A_177 : i32 to vector<16xi32>
      %add3A_179 = arith.addi %shift_left3A_69, %add3A_178 : vector<16xi32>
      %gather3A_180 = tpu.vector_load_idx %arg14[%add3A_59, %add3A_179] : memref<256x128xf32, #tpu.memory_space<vmem>>[vector<16xi32>, vector<16xi32>], vector<16xf32>,
      %add3A_181 = arith.constant 8 : i32
      %add3A_182 = vector.broadcast %add3A_181 : i32 to vector<16xi32>
      %add3A_183 = arith.addi %shift_left3A_82, %add3A_182 : vector<16xi32>
      %gather3A_184 = tpu.vector_load_idx %arg15[%add3A_59, %add3A_183] : memref<256x128xf32, #tpu.memory_space<vmem>>[vector<16xi32>, vector<16xi32>], vector<16xf32>,
      %mul3A_185 = arith.mulf %gather3A_180, %gather3A_184 : vector<16xf32>
      %add3A_186 = arith.addf %add3A_146, %mul3A_185 : vector<16xf32>
      %add3A_187 = arith.constant 9 : i32
      %add3A_188 = vector.broadcast %add3A_187 : i32 to vector<16xi32>
      %add3A_189 = arith.addi %shift_left3A_69, %add3A_188 : vector<16xi32>
      %gather3A_190 = tpu.vector_load_idx %arg14[%add3A_59, %add3A_189] : memref<256x128xf32, #tpu.memory_space<vmem>>[vector<16xi32>, vector<16xi32>], vector<16xf32>,
      %add3A_191 = arith.constant 9 : i32
      %add3A_192 = vector.broadcast %add3A_191 : i32 to vector<16xi32>
      %add3A_193 = arith.addi %shift_left3A_82, %add3A_192 : vector<16xi32>
      %gather3A_194 = tpu.vector_load_idx %arg15[%add3A_59, %add3A_193] : memref<256x128xf32, #tpu.memory_space<vmem>>[vector<16xi32>, vector<16xi32>], vector<16xf32>,
      %mul3A_195 = arith.mulf %gather3A_190, %gather3A_194 : vector<16xf32>
      %add3A_196 = arith.addf %add3A_156, %mul3A_195 : vector<16xf32>
      %add3A_197 = arith.constant 10 : i32
      %add3A_198 = vector.broadcast %add3A_197 : i32 to vector<16xi32>
      %add3A_199 = arith.addi %shift_left3A_69, %add3A_198 : vector<16xi32>
      %gather3A_200 = tpu.vector_load_idx %arg14[%add3A_59, %add3A_199] : memref<256x128xf32, #tpu.memory_space<vmem>>[vector<16xi32>, vector<16xi32>], vector<16xf32>,
      %add3A_201 = arith.constant 10 : i32
      %add3A_202 = vector.broadcast %add3A_201 : i32 to vector<16xi32>
      %add3A_203 = arith.addi %shift_left3A_82, %add3A_202 : vector<16xi32>
      %gather3A_204 = tpu.vector_load_idx %arg15[%add3A_59, %add3A_203] : memref<256x128xf32, #tpu.memory_space<vmem>>[vector<16xi32>, vector<16xi32>], vector<16xf32>,
      %mul3A_205 = arith.mulf %gather3A_200, %gather3A_204 : vector<16xf32>
      %add3A_206 = arith.addf %add3A_166, %mul3A_205 : vector<16xf32>
      %add3A_207 = arith.constant 11 : i32
      %add3A_208 = vector.broadcast %add3A_207 : i32 to vector<16xi32>
      %add3A_209 = arith.addi %shift_left3A_69, %add3A_208 : vector<16xi32>
      %gather3A_210 = tpu.vector_load_idx %arg14[%add3A_59, %add3A_209] : memref<256x128xf32, #tpu.memory_space<vmem>>[vector<16xi32>, vector<16xi32>], vector<16xf32>,
      %add3A_211 = arith.constant 11 : i32
      %add3A_212 = vector.broadcast %add3A_211 : i32 to vector<16xi32>
      %add3A_213 = arith.addi %shift_left3A_82, %add3A_212 : vector<16xi32>
      %gather3A_214 = tpu.vector_load_idx %arg15[%add3A_59, %add3A_213] : memref<256x128xf32, #tpu.memory_space<vmem>>[vector<16xi32>, vector<16xi32>], vector<16xf32>,
      %mul3A_215 = arith.mulf %gather3A_210, %gather3A_214 : vector<16xf32>
      %add3A_216 = arith.addf %add3A_176, %mul3A_215 : vector<16xf32>
      %add3A_217 = arith.constant 12 : i32
      %add3A_218 = vector.broadcast %add3A_217 : i32 to vector<16xi32>
      %add3A_219 = arith.addi %shift_left3A_69, %add3A_218 : vector<16xi32>
      %gather3A_220 = tpu.vector_load_idx %arg14[%add3A_59, %add3A_219] : memref<256x128xf32, #tpu.memory_space<vmem>>[vector<16xi32>, vector<16xi32>], vector<16xf32>,
      %add3A_221 = arith.constant 12 : i32
      %add3A_222 = vector.broadcast %add3A_221 : i32 to vector<16xi32>
      %add3A_223 = arith.addi %shift_left3A_82, %add3A_222 : vector<16xi32>
      %gather3A_224 = tpu.vector_load_idx %arg15[%add3A_59, %add3A_223] : memref<256x128xf32, #tpu.memory_space<vmem>>[vector<16xi32>, vector<16xi32>], vector<16xf32>,
      %mul3A_225 = arith.mulf %gather3A_220, %gather3A_224 : vector<16xf32>
      %add3A_226 = arith.addf %add3A_186, %mul3A_225 : vector<16xf32>
      %add3A_227 = arith.constant 13 : i32
      %add3A_228 = vector.broadcast %add3A_227 : i32 to vector<16xi32>
      %add3A_229 = arith.addi %shift_left3A_69, %add3A_228 : vector<16xi32>
      %gather3A_230 = tpu.vector_load_idx %arg14[%add3A_59, %add3A_229] : memref<256x128xf32, #tpu.memory_space<vmem>>[vector<16xi32>, vector<16xi32>], vector<16xf32>,
      %add3A_231 = arith.constant 13 : i32
      %add3A_232 = vector.broadcast %add3A_231 : i32 to vector<16xi32>
      %add3A_233 = arith.addi %shift_left3A_82, %add3A_232 : vector<16xi32>
      %gather3A_234 = tpu.vector_load_idx %arg15[%add3A_59, %add3A_233] : memref<256x128xf32, #tpu.memory_space<vmem>>[vector<16xi32>, vector<16xi32>], vector<16xf32>,
      %mul3A_235 = arith.mulf %gather3A_230, %gather3A_234 : vector<16xf32>
      %add3A_236 = arith.addf %add3A_196, %mul3A_235 : vector<16xf32>
      %add3A_237 = arith.constant 14 : i32
      %add3A_238 = vector.broadcast %add3A_237 : i32 to vector<16xi32>
      %add3A_239 = arith.addi %shift_left3A_69, %add3A_238 : vector<16xi32>
      %gather3A_240 = tpu.vector_load_idx %arg14[%add3A_59, %add3A_239] : memref<256x128xf32, #tpu.memory_space<vmem>>[vector<16xi32>, vector<16xi32>], vector<16xf32>,
      %add3A_241 = arith.constant 14 : i32
      %add3A_242 = vector.broadcast %add3A_241 : i32 to vector<16xi32>
      %add3A_243 = arith.addi %shift_left3A_82, %add3A_242 : vector<16xi32>
      %gather3A_244 = tpu.vector_load_idx %arg15[%add3A_59, %add3A_243] : memref<256x128xf32, #tpu.memory_space<vmem>>[vector<16xi32>, vector<16xi32>], vector<16xf32>,
      %mul3A_245 = arith.mulf %gather3A_240, %gather3A_244 : vector<16xf32>
      %add3A_246 = arith.addf %add3A_206, %mul3A_245 : vector<16xf32>
      %add3A_247 = arith.constant 15 : i32
      %add3A_248 = vector.broadcast %add3A_247 : i32 to vector<16xi32>
      %add3A_249 = arith.addi %shift_left3A_69, %add3A_248 : vector<16xi32>
      %gather3A_250 = tpu.vector_load_idx %arg14[%add3A_59, %add3A_249] : memref<256x128xf32, #tpu.memory_space<vmem>>[vector<16xi32>, vector<16xi32>], vector<16xf32>,
      %add3A_251 = arith.constant 15 : i32
      %add3A_252 = vector.broadcast %add3A_251 : i32 to vector<16xi32>
      %add3A_253 = arith.addi %shift_left3A_82, %add3A_252 : vector<16xi32>
      %gather3A_254 = tpu.vector_load_idx %arg15[%add3A_59, %add3A_253] : memref<256x128xf32, #tpu.memory_space<vmem>>[vector<16xi32>, vector<16xi32>], vector<16xf32>,
      %mul3A_255 = arith.mulf %gather3A_250, %gather3A_254 : vector<16xf32>
      %add3A_256 = arith.addf %add3A_216, %mul3A_255 : vector<16xf32>
      %add3A_257 = arith.constant 16 : i32
      %add3A_258 = vector.broadcast %add3A_257 : i32 to vector<16xi32>
      %add3A_259 = arith.addi %shift_left3A_69, %add3A_258 : vector<16xi32>
      %gather3A_260 = tpu.vector_load_idx %arg14[%add3A_59, %add3A_259] : memref<256x128xf32, #tpu.memory_space<vmem>>[vector<16xi32>, vector<16xi32>], vector<16xf32>,
      %add3A_261 = arith.constant 16 : i32
      %add3A_262 = vector.broadcast %add3A_261 : i32 to vector<16xi32>
      %add3A_263 = arith.addi %shift_left3A_82, %add3A_262 : vector<16xi32>
      %gather3A_264 = tpu.vector_load_idx %arg15[%add3A_59, %add3A_263] : memref<256x128xf32, #tpu.memory_space<vmem>>[vector<16xi32>, vector<16xi32>], vector<16xf32>,
      %mul3A_265 = arith.mulf %gather3A_260, %gather3A_264 : vector<16xf32>
      %add3A_266 = arith.addf %add3A_226, %mul3A_265 : vector<16xf32>
      %add3A_267 = arith.constant 17 : i32
      %add3A_268 = vector.broadcast %add3A_267 : i32 to vector<16xi32>
      %add3A_269 = arith.addi %shift_left3A_69, %add3A_268 : vector<16xi32>
      %gather3A_270 = tpu.vector_load_idx %arg14[%add3A_59, %add3A_269] : memref<256x128xf32, #tpu.memory_space<vmem>>[vector<16xi32>, vector<16xi32>], vector<16xf32>,
      %add3A_271 = arith.constant 17 : i32
      %add3A_272 = vector.broadcast %add3A_271 : i32 to vector<16xi32>
      %add3A_273 = arith.addi %shift_left3A_82, %add3A_272 : vector<16xi32>
      %gather3A_274 = tpu.vector_load_idx %arg15[%add3A_59, %add3A_273] : memref<256x128xf32, #tpu.memory_space<vmem>>[vector<16xi32>, vector<16xi32>], vector<16xf32>,
      %mul3A_275 = arith.mulf %gather3A_270, %gather3A_274 : vector<16xf32>
      %add3A_276 = arith.addf %add3A_236, %mul3A_275 : vector<16xf32>
      %add3A_277 = arith.constant 18 : i32
      %add3A_278 = vector.broadcast %add3A_277 : i32 to vector<16xi32>
      %add3A_279 = arith.addi %shift_left3A_69, %add3A_278 : vector<16xi32>
      %gather3A_280 = tpu.vector_load_idx %arg14[%add3A_59, %add3A_279] : memref<256x128xf32, #tpu.memory_space<vmem>>[vector<16xi32>, vector<16xi32>], vector<16xf32>,
      %add3A_281 = arith.constant 18 : i32
      %add3A_282 = vector.broadcast %add3A_281 : i32 to vector<16xi32>
      %add3A_283 = arith.addi %shift_left3A_82, %add3A_282 : vector<16xi32>
      %gather3A_284 = tpu.vector_load_idx %arg15[%add3A_59, %add3A_283] : memref<256x128xf32, #tpu.memory_space<vmem>>[vector<16xi32>, vector<16xi32>], vector<16xf32>,
      %mul3A_285 = arith.mulf %gather3A_280, %gather3A_284 : vector<16xf32>
      %add3A_286 = arith.addf %add3A_246, %mul3A_285 : vector<16xf32>
      %add3A_287 = arith.constant 19 : i32
      %add3A_288 = vector.broadcast %add3A_287 : i32 to vector<16xi32>
      %add3A_289 = arith.addi %shift_left3A_69, %add3A_288 : vector<16xi32>
      %gather3A_290 = tpu.vector_load_idx %arg14[%add3A_59, %add3A_289] : memref<256x128xf32, #tpu.memory_space<vmem>>[vector<16xi32>, vector<16xi32>], vector<16xf32>,
      %add3A_291 = arith.constant 19 : i32
      %add3A_292 = vector.broadcast %add3A_291 : i32 to vector<16xi32>
      %add3A_293 = arith.addi %shift_left3A_82, %add3A_292 : vector<16xi32>
      %gather3A_294 = tpu.vector_load_idx %arg15[%add3A_59, %add3A_293] : memref<256x128xf32, #tpu.memory_space<vmem>>[vector<16xi32>, vector<16xi32>], vector<16xf32>,
      %mul3A_295 = arith.mulf %gather3A_290, %gather3A_294 : vector<16xf32>
      %add3A_296 = arith.addf %add3A_256, %mul3A_295 : vector<16xf32>
      %add3A_297 = arith.constant 20 : i32
      %add3A_298 = vector.broadcast %add3A_297 : i32 to vector<16xi32>
      %add3A_299 = arith.addi %shift_left3A_69, %add3A_298 : vector<16xi32>
      %gather3A_300 = tpu.vector_load_idx %arg14[%add3A_59, %add3A_299] : memref<256x128xf32, #tpu.memory_space<vmem>>[vector<16xi32>, vector<16xi32>], vector<16xf32>,
      %add3A_301 = arith.constant 20 : i32
      %add3A_302 = vector.broadcast %add3A_301 : i32 to vector<16xi32>
      %add3A_303 = arith.addi %shift_left3A_82, %add3A_302 : vector<16xi32>
      %gather3A_304 = tpu.vector_load_idx %arg15[%add3A_59, %add3A_303] : memref<256x128xf32, #tpu.memory_space<vmem>>[vector<16xi32>, vector<16xi32>], vector<16xf32>,
      %mul3A_305 = arith.mulf %gather3A_300, %gather3A_304 : vector<16xf32>
      %add3A_306 = arith.addf %add3A_266, %mul3A_305 : vector<16xf32>
      %add3A_307 = arith.constant 21 : i32
      %add3A_308 = vector.broadcast %add3A_307 : i32 to vector<16xi32>
      %add3A_309 = arith.addi %shift_left3A_69, %add3A_308 : vector<16xi32>
      %gather3A_310 = tpu.vector_load_idx %arg14[%add3A_59, %add3A_309] : memref<256x128xf32, #tpu.memory_space<vmem>>[vector<16xi32>, vector<16xi32>], vector<16xf32>,
      %add3A_311 = arith.constant 21 : i32
      %add3A_312 = vector.broadcast %add3A_311 : i32 to vector<16xi32>
      %add3A_313 = arith.addi %shift_left3A_82, %add3A_312 : vector<16xi32>
      %gather3A_314 = tpu.vector_load_idx %arg15[%add3A_59, %add3A_313] : memref<256x128xf32, #tpu.memory_space<vmem>>[vector<16xi32>, vector<16xi32>], vector<16xf32>,
      %mul3A_315 = arith.mulf %gather3A_310, %gather3A_314 : vector<16xf32>
      %add3A_316 = arith.addf %add3A_276, %mul3A_315 : vector<16xf32>
      %add3A_317 = arith.constant 22 : i32
      %add3A_318 = vector.broadcast %add3A_317 : i32 to vector<16xi32>
      %add3A_319 = arith.addi %shift_left3A_69, %add3A_318 : vector<16xi32>
      %gather3A_320 = tpu.vector_load_idx %arg14[%add3A_59, %add3A_319] : memref<256x128xf32, #tpu.memory_space<vmem>>[vector<16xi32>, vector<16xi32>], vector<16xf32>,
      %add3A_321 = arith.constant 22 : i32
      %add3A_322 = vector.broadcast %add3A_321 : i32 to vector<16xi32>
      %add3A_323 = arith.addi %shift_left3A_82, %add3A_322 : vector<16xi32>
      %gather3A_324 = tpu.vector_load_idx %arg15[%add3A_59, %add3A_323] : memref<256x128xf32, #tpu.memory_space<vmem>>[vector<16xi32>, vector<16xi32>], vector<16xf32>,
      %mul3A_325 = arith.mulf %gather3A_320, %gather3A_324 : vector<16xf32>
      %add3A_326 = arith.addf %add3A_286, %mul3A_325 : vector<16xf32>
      %add3A_327 = arith.constant 23 : i32
      %add3A_328 = vector.broadcast %add3A_327 : i32 to vector<16xi32>
      %add3A_329 = arith.addi %shift_left3A_69, %add3A_328 : vector<16xi32>
      %gather3A_330 = tpu.vector_load_idx %arg14[%add3A_59, %add3A_329] : memref<256x128xf32, #tpu.memory_space<vmem>>[vector<16xi32>, vector<16xi32>], vector<16xf32>,
      %add3A_331 = arith.constant 23 : i32
      %add3A_332 = vector.broadcast %add3A_331 : i32 to vector<16xi32>
      %add3A_333 = arith.addi %shift_left3A_82, %add3A_332 : vector<16xi32>
      %gather3A_334 = tpu.vector_load_idx %arg15[%add3A_59, %add3A_333] : memref<256x128xf32, #tpu.memory_space<vmem>>[vector<16xi32>, vector<16xi32>], vector<16xf32>,
      %mul3A_335 = arith.mulf %gather3A_330, %gather3A_334 : vector<16xf32>
      %add3A_336 = arith.addf %add3A_296, %mul3A_335 : vector<16xf32>
      %add3A_337 = arith.constant 24 : i32
      %add3A_338 = vector.broadcast %add3A_337 : i32 to vector<16xi32>
      %add3A_339 = arith.addi %shift_left3A_69, %add3A_338 : vector<16xi32>
      %gather3A_340 = tpu.vector_load_idx %arg14[%add3A_59, %add3A_339] : memref<256x128xf32, #tpu.memory_space<vmem>>[vector<16xi32>, vector<16xi32>], vector<16xf32>,
      %add3A_341 = arith.constant 24 : i32
      %add3A_342 = vector.broadcast %add3A_341 : i32 to vector<16xi32>
      %add3A_343 = arith.addi %shift_left3A_82, %add3A_342 : vector<16xi32>
      %gather3A_344 = tpu.vector_load_idx %arg15[%add3A_59, %add3A_343] : memref<256x128xf32, #tpu.memory_space<vmem>>[vector<16xi32>, vector<16xi32>], vector<16xf32>,
      %mul3A_345 = arith.mulf %gather3A_340, %gather3A_344 : vector<16xf32>
      %add3A_346 = arith.addf %add3A_306, %mul3A_345 : vector<16xf32>
      %add3A_347 = arith.constant 25 : i32
      %add3A_348 = vector.broadcast %add3A_347 : i32 to vector<16xi32>
      %add3A_349 = arith.addi %shift_left3A_69, %add3A_348 : vector<16xi32>
      %gather3A_350 = tpu.vector_load_idx %arg14[%add3A_59, %add3A_349] : memref<256x128xf32, #tpu.memory_space<vmem>>[vector<16xi32>, vector<16xi32>], vector<16xf32>,
      %add3A_351 = arith.constant 25 : i32
      %add3A_352 = vector.broadcast %add3A_351 : i32 to vector<16xi32>
      %add3A_353 = arith.addi %shift_left3A_82, %add3A_352 : vector<16xi32>
      %gather3A_354 = tpu.vector_load_idx %arg15[%add3A_59, %add3A_353] : memref<256x128xf32, #tpu.memory_space<vmem>>[vector<16xi32>, vector<16xi32>], vector<16xf32>,
      %mul3A_355 = arith.mulf %gather3A_350, %gather3A_354 : vector<16xf32>
      %add3A_356 = arith.addf %add3A_316, %mul3A_355 : vector<16xf32>
      %add3A_357 = arith.constant 26 : i32
      %add3A_358 = vector.broadcast %add3A_357 : i32 to vector<16xi32>
      %add3A_359 = arith.addi %shift_left3A_69, %add3A_358 : vector<16xi32>
      %gather3A_360 = tpu.vector_load_idx %arg14[%add3A_59, %add3A_359] : memref<256x128xf32, #tpu.memory_space<vmem>>[vector<16xi32>, vector<16xi32>], vector<16xf32>,
      %add3A_361 = arith.constant 26 : i32
      %add3A_362 = vector.broadcast %add3A_361 : i32 to vector<16xi32>
      %add3A_363 = arith.addi %shift_left3A_82, %add3A_362 : vector<16xi32>
      %gather3A_364 = tpu.vector_load_idx %arg15[%add3A_59, %add3A_363] : memref<256x128xf32, #tpu.memory_space<vmem>>[vector<16xi32>, vector<16xi32>], vector<16xf32>,
      %mul3A_365 = arith.mulf %gather3A_360, %gather3A_364 : vector<16xf32>
      %add3A_366 = arith.addf %add3A_326, %mul3A_365 : vector<16xf32>
      %add3A_367 = arith.constant 27 : i32
      %add3A_368 = vector.broadcast %add3A_367 : i32 to vector<16xi32>
      %add3A_369 = arith.addi %shift_left3A_69, %add3A_368 : vector<16xi32>
      %gather3A_370 = tpu.vector_load_idx %arg14[%add3A_59, %add3A_369] : memref<256x128xf32, #tpu.memory_space<vmem>>[vector<16xi32>, vector<16xi32>], vector<16xf32>,
      %add3A_371 = arith.constant 27 : i32
      %add3A_372 = vector.broadcast %add3A_371 : i32 to vector<16xi32>
      %add3A_373 = arith.addi %shift_left3A_82, %add3A_372 : vector<16xi32>
      %gather3A_374 = tpu.vector_load_idx %arg15[%add3A_59, %add3A_373] : memref<256x128xf32, #tpu.memory_space<vmem>>[vector<16xi32>, vector<16xi32>], vector<16xf32>,
      %mul3A_375 = arith.mulf %gather3A_370, %gather3A_374 : vector<16xf32>
      %add3A_376 = arith.addf %add3A_336, %mul3A_375 : vector<16xf32>
      %add3A_377 = arith.constant 28 : i32
      %add3A_378 = vector.broadcast %add3A_377 : i32 to vector<16xi32>
      %add3A_379 = arith.addi %shift_left3A_69, %add3A_378 : vector<16xi32>
      %gather3A_380 = tpu.vector_load_idx %arg14[%add3A_59, %add3A_379] : memref<256x128xf32, #tpu.memory_space<vmem>>[vector<16xi32>, vector<16xi32>], vector<16xf32>,
      %add3A_381 = arith.constant 28 : i32
      %add3A_382 = vector.broadcast %add3A_381 : i32 to vector<16xi32>
      %add3A_383 = arith.addi %shift_left3A_82, %add3A_382 : vector<16xi32>
      %gather3A_384 = tpu.vector_load_idx %arg15[%add3A_59, %add3A_383] : memref<256x128xf32, #tpu.memory_space<vmem>>[vector<16xi32>, vector<16xi32>], vector<16xf32>,
      %mul3A_385 = arith.mulf %gather3A_380, %gather3A_384 : vector<16xf32>
      %add3A_386 = arith.addf %add3A_346, %mul3A_385 : vector<16xf32>
      %add3A_387 = arith.constant 29 : i32
      %add3A_388 = vector.broadcast %add3A_387 : i32 to vector<16xi32>
      %add3A_389 = arith.addi %shift_left3A_69, %add3A_388 : vector<16xi32>
      %gather3A_390 = tpu.vector_load_idx %arg14[%add3A_59, %add3A_389] : memref<256x128xf32, #tpu.memory_space<vmem>>[vector<16xi32>, vector<16xi32>], vector<16xf32>,
      %add3A_391 = arith.constant 29 : i32
      %add3A_392 = vector.broadcast %add3A_391 : i32 to vector<16xi32>
      %add3A_393 = arith.addi %shift_left3A_82, %add3A_392 : vector<16xi32>
      %gather3A_394 = tpu.vector_load_idx %arg15[%add3A_59, %add3A_393] : memref<256x128xf32, #tpu.memory_space<vmem>>[vector<16xi32>, vector<16xi32>], vector<16xf32>,
      %mul3A_395 = arith.mulf %gather3A_390, %gather3A_394 : vector<16xf32>
      %add3A_396 = arith.addf %add3A_356, %mul3A_395 : vector<16xf32>
      %add3A_397 = arith.constant 30 : i32
      %add3A_398 = vector.broadcast %add3A_397 : i32 to vector<16xi32>
      %add3A_399 = arith.addi %shift_left3A_69, %add3A_398 : vector<16xi32>
      %gather3A_400 = tpu.vector_load_idx %arg14[%add3A_59, %add3A_399] : memref<256x128xf32, #tpu.memory_space<vmem>>[vector<16xi32>, vector<16xi32>], vector<16xf32>,
      %add3A_401 = arith.constant 30 : i32
      %add3A_402 = vector.broadcast %add3A_401 : i32 to vector<16xi32>
      %add3A_403 = arith.addi %shift_left3A_82, %add3A_402 : vector<16xi32>
      %gather3A_404 = tpu.vector_load_idx %arg15[%add3A_59, %add3A_403] : memref<256x128xf32, #tpu.memory_space<vmem>>[vector<16xi32>, vector<16xi32>], vector<16xf32>,
      %mul3A_405 = arith.mulf %gather3A_400, %gather3A_404 : vector<16xf32>
      %add3A_406 = arith.addf %add3A_366, %mul3A_405 : vector<16xf32>
      %add3A_407 = arith.constant 31 : i32
      %add3A_408 = vector.broadcast %add3A_407 : i32 to vector<16xi32>
      %add3A_409 = arith.addi %shift_left3A_69, %add3A_408 : vector<16xi32>
      %gather3A_410 = tpu.vector_load_idx %arg14[%add3A_59, %add3A_409] : memref<256x128xf32, #tpu.memory_space<vmem>>[vector<16xi32>, vector<16xi32>], vector<16xf32>,
      %add3A_411 = arith.constant 31 : i32
      %add3A_412 = vector.broadcast %add3A_411 : i32 to vector<16xi32>
      %add3A_413 = arith.addi %shift_left3A_82, %add3A_412 : vector<16xi32>
      %gather3A_414 = tpu.vector_load_idx %arg15[%add3A_59, %add3A_413] : memref<256x128xf32, #tpu.memory_space<vmem>>[vector<16xi32>, vector<16xi32>], vector<16xf32>,
      %mul3A_415 = arith.mulf %gather3A_410, %gather3A_414 : vector<16xf32>
      %add3A_416 = arith.addf %add3A_376, %mul3A_415 : vector<16xf32>
      %add3A_417 = arith.constant 32 : i32
      %add3A_418 = vector.broadcast %add3A_417 : i32 to vector<16xi32>
      %add3A_419 = arith.addi %shift_left3A_69, %add3A_418 : vector<16xi32>
      %gather3A_420 = tpu.vector_load_idx %arg14[%add3A_59, %add3A_419] : memref<256x128xf32, #tpu.memory_space<vmem>>[vector<16xi32>, vector<16xi32>], vector<16xf32>,
      %add3A_421 = arith.constant 32 : i32
      %add3A_422 = vector.broadcast %add3A_421 : i32 to vector<16xi32>
      %add3A_423 = arith.addi %shift_left3A_82, %add3A_422 : vector<16xi32>
      %gather3A_424 = tpu.vector_load_idx %arg15[%add3A_59, %add3A_423] : memref<256x128xf32, #tpu.memory_space<vmem>>[vector<16xi32>, vector<16xi32>], vector<16xf32>,
      %mul3A_425 = arith.mulf %gather3A_420, %gather3A_424 : vector<16xf32>
      %add3A_426 = arith.addf %add3A_386, %mul3A_425 : vector<16xf32>
      %add3A_427 = arith.constant 33 : i32
      %add3A_428 = vector.broadcast %add3A_427 : i32 to vector<16xi32>
      %add3A_429 = arith.addi %shift_left3A_69, %add3A_428 : vector<16xi32>
      %gather3A_430 = tpu.vector_load_idx %arg14[%add3A_59, %add3A_429] : memref<256x128xf32, #tpu.memory_space<vmem>>[vector<16xi32>, vector<16xi32>], vector<16xf32>,
      %add3A_431 = arith.constant 33 : i32
      %add3A_432 = vector.broadcast %add3A_431 : i32 to vector<16xi32>
      %add3A_433 = arith.addi %shift_left3A_82, %add3A_432 : vector<16xi32>
      %gather3A_434 = tpu.vector_load_idx %arg15[%add3A_59, %add3A_433] : memref<256x128xf32, #tpu.memory_space<vmem>>[vector<16xi32>, vector<16xi32>], vector<16xf32>,
      %mul3A_435 = arith.mulf %gather3A_430, %gather3A_434 : vector<16xf32>
      %add3A_436 = arith.addf %add3A_396, %mul3A_435 : vector<16xf32>
      %add3A_437 = arith.constant 34 : i32
      %add3A_438 = vector.broadcast %add3A_437 : i32 to vector<16xi32>
      %add3A_439 = arith.addi %shift_left3A_69, %add3A_438 : vector<16xi32>
      %gather3A_440 = tpu.vector_load_idx %arg14[%add3A_59, %add3A_439] : memref<256x128xf32, #tpu.memory_space<vmem>>[vector<16xi32>, vector<16xi32>], vector<16xf32>,
      %add3A_441 = arith.constant 34 : i32
      %add3A_442 = vector.broadcast %add3A_441 : i32 to vector<16xi32>
      %add3A_443 = arith.addi %shift_left3A_82, %add3A_442 : vector<16xi32>
      %gather3A_444 = tpu.vector_load_idx %arg15[%add3A_59, %add3A_443] : memref<256x128xf32, #tpu.memory_space<vmem>>[vector<16xi32>, vector<16xi32>], vector<16xf32>,
      %mul3A_445 = arith.mulf %gather3A_440, %gather3A_444 : vector<16xf32>
      %add3A_446 = arith.addf %add3A_406, %mul3A_445 : vector<16xf32>
      %add3A_447 = arith.constant 35 : i32
      %add3A_448 = vector.broadcast %add3A_447 : i32 to vector<16xi32>
      %add3A_449 = arith.addi %shift_left3A_69, %add3A_448 : vector<16xi32>
      %gather3A_450 = tpu.vector_load_idx %arg14[%add3A_59, %add3A_449] : memref<256x128xf32, #tpu.memory_space<vmem>>[vector<16xi32>, vector<16xi32>], vector<16xf32>,
      %add3A_451 = arith.constant 35 : i32
      %add3A_452 = vector.broadcast %add3A_451 : i32 to vector<16xi32>
      %add3A_453 = arith.addi %shift_left3A_82, %add3A_452 : vector<16xi32>
      %gather3A_454 = tpu.vector_load_idx %arg15[%add3A_59, %add3A_453] : memref<256x128xf32, #tpu.memory_space<vmem>>[vector<16xi32>, vector<16xi32>], vector<16xf32>,
      %mul3A_455 = arith.mulf %gather3A_450, %gather3A_454 : vector<16xf32>
      %add3A_456 = arith.addf %add3A_416, %mul3A_455 : vector<16xf32>
      %add3A_457 = arith.constant 36 : i32
      %add3A_458 = vector.broadcast %add3A_457 : i32 to vector<16xi32>
      %add3A_459 = arith.addi %shift_left3A_69, %add3A_458 : vector<16xi32>
      %gather3A_460 = tpu.vector_load_idx %arg14[%add3A_59, %add3A_459] : memref<256x128xf32, #tpu.memory_space<vmem>>[vector<16xi32>, vector<16xi32>], vector<16xf32>,
      %add3A_461 = arith.constant 36 : i32
      %add3A_462 = vector.broadcast %add3A_461 : i32 to vector<16xi32>
      %add3A_463 = arith.addi %shift_left3A_82, %add3A_462 : vector<16xi32>
      %gather3A_464 = tpu.vector_load_idx %arg15[%add3A_59, %add3A_463] : memref<256x128xf32, #tpu.memory_space<vmem>>[vector<16xi32>, vector<16xi32>], vector<16xf32>,
      %mul3A_465 = arith.mulf %gather3A_460, %gather3A_464 : vector<16xf32>
      %add3A_466 = arith.addf %add3A_426, %mul3A_465 : vector<16xf32>
      %add3A_467 = arith.constant 37 : i32
      %add3A_468 = vector.broadcast %add3A_467 : i32 to vector<16xi32>
      %add3A_469 = arith.addi %shift_left3A_69, %add3A_468 : vector<16xi32>
      %gather3A_470 = tpu.vector_load_idx %arg14[%add3A_59, %add3A_469] : memref<256x128xf32, #tpu.memory_space<vmem>>[vector<16xi32>, vector<16xi32>], vector<16xf32>,
      %add3A_471 = arith.constant 37 : i32
      %add3A_472 = vector.broadcast %add3A_471 : i32 to vector<16xi32>
      %add3A_473 = arith.addi %shift_left3A_82, %add3A_472 : vector<16xi32>
      %gather3A_474 = tpu.vector_load_idx %arg15[%add3A_59, %add3A_473] : memref<256x128xf32, #tpu.memory_space<vmem>>[vector<16xi32>, vector<16xi32>], vector<16xf32>,
      %mul3A_475 = arith.mulf %gather3A_470, %gather3A_474 : vector<16xf32>
      %add3A_476 = arith.addf %add3A_436, %mul3A_475 : vector<16xf32>
      %add3A_477 = arith.constant 38 : i32
      %add3A_478 = vector.broadcast %add3A_477 : i32 to vector<16xi32>
      %add3A_479 = arith.addi %shift_left3A_69, %add3A_478 : vector<16xi32>
      %gather3A_480 = tpu.vector_load_idx %arg14[%add3A_59, %add3A_479] : memref<256x128xf32, #tpu.memory_space<vmem>>[vector<16xi32>, vector<16xi32>], vector<16xf32>,
      %add3A_481 = arith.constant 38 : i32
      %add3A_482 = vector.broadcast %add3A_481 : i32 to vector<16xi32>
      %add3A_483 = arith.addi %shift_left3A_82, %add3A_482 : vector<16xi32>
      %gather3A_484 = tpu.vector_load_idx %arg15[%add3A_59, %add3A_483] : memref<256x128xf32, #tpu.memory_space<vmem>>[vector<16xi32>, vector<16xi32>], vector<16xf32>,
      %mul3A_485 = arith.mulf %gather3A_480, %gather3A_484 : vector<16xf32>
      %add3A_486 = arith.addf %add3A_446, %mul3A_485 : vector<16xf32>
      %add3A_487 = arith.constant 39 : i32
      %add3A_488 = vector.broadcast %add3A_487 : i32 to vector<16xi32>
      %add3A_489 = arith.addi %shift_left3A_69, %add3A_488 : vector<16xi32>
      %gather3A_490 = tpu.vector_load_idx %arg14[%add3A_59, %add3A_489] : memref<256x128xf32, #tpu.memory_space<vmem>>[vector<16xi32>, vector<16xi32>], vector<16xf32>,
      %add3A_491 = arith.constant 39 : i32
      %add3A_492 = vector.broadcast %add3A_491 : i32 to vector<16xi32>
      %add3A_493 = arith.addi %shift_left3A_82, %add3A_492 : vector<16xi32>
      %gather3A_494 = tpu.vector_load_idx %arg15[%add3A_59, %add3A_493] : memref<256x128xf32, #tpu.memory_space<vmem>>[vector<16xi32>, vector<16xi32>], vector<16xf32>,
      %mul3A_495 = arith.mulf %gather3A_490, %gather3A_494 : vector<16xf32>
      %add3A_496 = arith.addf %add3A_456, %mul3A_495 : vector<16xf32>
      %add3A_497 = arith.constant 40 : i32
      %add3A_498 = vector.broadcast %add3A_497 : i32 to vector<16xi32>
      %add3A_499 = arith.addi %shift_left3A_69, %add3A_498 : vector<16xi32>
      %gather3A_500 = tpu.vector_load_idx %arg14[%add3A_59, %add3A_499] : memref<256x128xf32, #tpu.memory_space<vmem>>[vector<16xi32>, vector<16xi32>], vector<16xf32>,
      %add3A_501 = arith.constant 40 : i32
      %add3A_502 = vector.broadcast %add3A_501 : i32 to vector<16xi32>
      %add3A_503 = arith.addi %shift_left3A_82, %add3A_502 : vector<16xi32>
      %gather3A_504 = tpu.vector_load_idx %arg15[%add3A_59, %add3A_503] : memref<256x128xf32, #tpu.memory_space<vmem>>[vector<16xi32>, vector<16xi32>], vector<16xf32>,
      %mul3A_505 = arith.mulf %gather3A_500, %gather3A_504 : vector<16xf32>
      %add3A_506 = arith.addf %add3A_466, %mul3A_505 : vector<16xf32>
      %add3A_507 = arith.constant 41 : i32
      %add3A_508 = vector.broadcast %add3A_507 : i32 to vector<16xi32>
      %add3A_509 = arith.addi %shift_left3A_69, %add3A_508 : vector<16xi32>
      %gather3A_510 = tpu.vector_load_idx %arg14[%add3A_59, %add3A_509] : memref<256x128xf32, #tpu.memory_space<vmem>>[vector<16xi32>, vector<16xi32>], vector<16xf32>,
      %add3A_511 = arith.constant 41 : i32
      %add3A_512 = vector.broadcast %add3A_511 : i32 to vector<16xi32>
      %add3A_513 = arith.addi %shift_left3A_82, %add3A_512 : vector<16xi32>
      %gather3A_514 = tpu.vector_load_idx %arg15[%add3A_59, %add3A_513] : memref<256x128xf32, #tpu.memory_space<vmem>>[vector<16xi32>, vector<16xi32>], vector<16xf32>,
      %mul3A_515 = arith.mulf %gather3A_510, %gather3A_514 : vector<16xf32>
      %add3A_516 = arith.addf %add3A_476, %mul3A_515 : vector<16xf32>
      %add3A_517 = arith.constant 42 : i32
      %add3A_518 = vector.broadcast %add3A_517 : i32 to vector<16xi32>
      %add3A_519 = arith.addi %shift_left3A_69, %add3A_518 : vector<16xi32>
      %gather3A_520 = tpu.vector_load_idx %arg14[%add3A_59, %add3A_519] : memref<256x128xf32, #tpu.memory_space<vmem>>[vector<16xi32>, vector<16xi32>], vector<16xf32>,
      %add3A_521 = arith.constant 42 : i32
      %add3A_522 = vector.broadcast %add3A_521 : i32 to vector<16xi32>
      %add3A_523 = arith.addi %shift_left3A_82, %add3A_522 : vector<16xi32>
      %gather3A_524 = tpu.vector_load_idx %arg15[%add3A_59, %add3A_523] : memref<256x128xf32, #tpu.memory_space<vmem>>[vector<16xi32>, vector<16xi32>], vector<16xf32>,
      %mul3A_525 = arith.mulf %gather3A_520, %gather3A_524 : vector<16xf32>
      %add3A_526 = arith.addf %add3A_486, %mul3A_525 : vector<16xf32>
      %add3A_527 = arith.constant 43 : i32
      %add3A_528 = vector.broadcast %add3A_527 : i32 to vector<16xi32>
      %add3A_529 = arith.addi %shift_left3A_69, %add3A_528 : vector<16xi32>
      %gather3A_530 = tpu.vector_load_idx %arg14[%add3A_59, %add3A_529] : memref<256x128xf32, #tpu.memory_space<vmem>>[vector<16xi32>, vector<16xi32>], vector<16xf32>,
      %add3A_531 = arith.constant 43 : i32
      %add3A_532 = vector.broadcast %add3A_531 : i32 to vector<16xi32>
      %add3A_533 = arith.addi %shift_left3A_82, %add3A_532 : vector<16xi32>
      %gather3A_534 = tpu.vector_load_idx %arg15[%add3A_59, %add3A_533] : memref<256x128xf32, #tpu.memory_space<vmem>>[vector<16xi32>, vector<16xi32>], vector<16xf32>,
      %mul3A_535 = arith.mulf %gather3A_530, %gather3A_534 : vector<16xf32>
      %add3A_536 = arith.addf %add3A_496, %mul3A_535 : vector<16xf32>
      %add3A_537 = arith.constant 44 : i32
      %add3A_538 = vector.broadcast %add3A_537 : i32 to vector<16xi32>
      %add3A_539 = arith.addi %shift_left3A_69, %add3A_538 : vector<16xi32>
      %gather3A_540 = tpu.vector_load_idx %arg14[%add3A_59, %add3A_539] : memref<256x128xf32, #tpu.memory_space<vmem>>[vector<16xi32>, vector<16xi32>], vector<16xf32>,
      %add3A_541 = arith.constant 44 : i32
      %add3A_542 = vector.broadcast %add3A_541 : i32 to vector<16xi32>
      %add3A_543 = arith.addi %shift_left3A_82, %add3A_542 : vector<16xi32>
      %gather3A_544 = tpu.vector_load_idx %arg15[%add3A_59, %add3A_543] : memref<256x128xf32, #tpu.memory_space<vmem>>[vector<16xi32>, vector<16xi32>], vector<16xf32>,
      %mul3A_545 = arith.mulf %gather3A_540, %gather3A_544 : vector<16xf32>
      %add3A_546 = arith.addf %add3A_506, %mul3A_545 : vector<16xf32>
      %add3A_547 = arith.constant 45 : i32
      %add3A_548 = vector.broadcast %add3A_547 : i32 to vector<16xi32>
      %add3A_549 = arith.addi %shift_left3A_69, %add3A_548 : vector<16xi32>
      %gather3A_550 = tpu.vector_load_idx %arg14[%add3A_59, %add3A_549] : memref<256x128xf32, #tpu.memory_space<vmem>>[vector<16xi32>, vector<16xi32>], vector<16xf32>,
      %add3A_551 = arith.constant 45 : i32
      %add3A_552 = vector.broadcast %add3A_551 : i32 to vector<16xi32>
      %add3A_553 = arith.addi %shift_left3A_82, %add3A_552 : vector<16xi32>
      %gather3A_554 = tpu.vector_load_idx %arg15[%add3A_59, %add3A_553] : memref<256x128xf32, #tpu.memory_space<vmem>>[vector<16xi32>, vector<16xi32>], vector<16xf32>,
      %mul3A_555 = arith.mulf %gather3A_550, %gather3A_554 : vector<16xf32>
      %add3A_556 = arith.addf %add3A_516, %mul3A_555 : vector<16xf32>
      %add3A_557 = arith.constant 46 : i32
      %add3A_558 = vector.broadcast %add3A_557 : i32 to vector<16xi32>
      %add3A_559 = arith.addi %shift_left3A_69, %add3A_558 : vector<16xi32>
      %gather3A_560 = tpu.vector_load_idx %arg14[%add3A_59, %add3A_559] : memref<256x128xf32, #tpu.memory_space<vmem>>[vector<16xi32>, vector<16xi32>], vector<16xf32>,
      %add3A_561 = arith.constant 46 : i32
      %add3A_562 = vector.broadcast %add3A_561 : i32 to vector<16xi32>
      %add3A_563 = arith.addi %shift_left3A_82, %add3A_562 : vector<16xi32>
      %gather3A_564 = tpu.vector_load_idx %arg15[%add3A_59, %add3A_563] : memref<256x128xf32, #tpu.memory_space<vmem>>[vector<16xi32>, vector<16xi32>], vector<16xf32>,
      %mul3A_565 = arith.mulf %gather3A_560, %gather3A_564 : vector<16xf32>
      %add3A_566 = arith.addf %add3A_526, %mul3A_565 : vector<16xf32>
      %add3A_567 = arith.constant 47 : i32
      %add3A_568 = vector.broadcast %add3A_567 : i32 to vector<16xi32>
      %add3A_569 = arith.addi %shift_left3A_69, %add3A_568 : vector<16xi32>
      %gather3A_570 = tpu.vector_load_idx %arg14[%add3A_59, %add3A_569] : memref<256x128xf32, #tpu.memory_space<vmem>>[vector<16xi32>, vector<16xi32>], vector<16xf32>,
      %add3A_571 = arith.constant 47 : i32
      %add3A_572 = vector.broadcast %add3A_571 : i32 to vector<16xi32>
      %add3A_573 = arith.addi %shift_left3A_82, %add3A_572 : vector<16xi32>
      %gather3A_574 = tpu.vector_load_idx %arg15[%add3A_59, %add3A_573] : memref<256x128xf32, #tpu.memory_space<vmem>>[vector<16xi32>, vector<16xi32>], vector<16xf32>,
      %mul3A_575 = arith.mulf %gather3A_570, %gather3A_574 : vector<16xf32>
      %add3A_576 = arith.addf %add3A_536, %mul3A_575 : vector<16xf32>
      %add3A_577 = arith.constant 48 : i32
      %add3A_578 = vector.broadcast %add3A_577 : i32 to vector<16xi32>
      %add3A_579 = arith.addi %shift_left3A_69, %add3A_578 : vector<16xi32>
      %gather3A_580 = tpu.vector_load_idx %arg14[%add3A_59, %add3A_579] : memref<256x128xf32, #tpu.memory_space<vmem>>[vector<16xi32>, vector<16xi32>], vector<16xf32>,
      %add3A_581 = arith.constant 48 : i32
      %add3A_582 = vector.broadcast %add3A_581 : i32 to vector<16xi32>
      %add3A_583 = arith.addi %shift_left3A_82, %add3A_582 : vector<16xi32>
      %gather3A_584 = tpu.vector_load_idx %arg15[%add3A_59, %add3A_583] : memref<256x128xf32, #tpu.memory_space<vmem>>[vector<16xi32>, vector<16xi32>], vector<16xf32>,
      %mul3A_585 = arith.mulf %gather3A_580, %gather3A_584 : vector<16xf32>
      %add3A_586 = arith.addf %add3A_546, %mul3A_585 : vector<16xf32>
      %add3A_587 = arith.constant 49 : i32
      %add3A_588 = vector.broadcast %add3A_587 : i32 to vector<16xi32>
      %add3A_589 = arith.addi %shift_left3A_69, %add3A_588 : vector<16xi32>
      %gather3A_590 = tpu.vector_load_idx %arg14[%add3A_59, %add3A_589] : memref<256x128xf32, #tpu.memory_space<vmem>>[vector<16xi32>, vector<16xi32>], vector<16xf32>,
      %add3A_591 = arith.constant 49 : i32
      %add3A_592 = vector.broadcast %add3A_591 : i32 to vector<16xi32>
      %add3A_593 = arith.addi %shift_left3A_82, %add3A_592 : vector<16xi32>
      %gather3A_594 = tpu.vector_load_idx %arg15[%add3A_59, %add3A_593] : memref<256x128xf32, #tpu.memory_space<vmem>>[vector<16xi32>, vector<16xi32>], vector<16xf32>,
      %mul3A_595 = arith.mulf %gather3A_590, %gather3A_594 : vector<16xf32>
      %add3A_596 = arith.addf %add3A_556, %mul3A_595 : vector<16xf32>
      %add3A_597 = arith.constant 50 : i32
      %add3A_598 = vector.broadcast %add3A_597 : i32 to vector<16xi32>
      %add3A_599 = arith.addi %shift_left3A_69, %add3A_598 : vector<16xi32>
      %gather3A_600 = tpu.vector_load_idx %arg14[%add3A_59, %add3A_599] : memref<256x128xf32, #tpu.memory_space<vmem>>[vector<16xi32>, vector<16xi32>], vector<16xf32>,
      %add3A_601 = arith.constant 50 : i32
      %add3A_602 = vector.broadcast %add3A_601 : i32 to vector<16xi32>
      %add3A_603 = arith.addi %shift_left3A_82, %add3A_602 : vector<16xi32>
      %gather3A_604 = tpu.vector_load_idx %arg15[%add3A_59, %add3A_603] : memref<256x128xf32, #tpu.memory_space<vmem>>[vector<16xi32>, vector<16xi32>], vector<16xf32>,
      %mul3A_605 = arith.mulf %gather3A_600, %gather3A_604 : vector<16xf32>
      %add3A_606 = arith.addf %add3A_566, %mul3A_605 : vector<16xf32>
      %add3A_607 = arith.constant 51 : i32
      %add3A_608 = vector.broadcast %add3A_607 : i32 to vector<16xi32>
      %add3A_609 = arith.addi %shift_left3A_69, %add3A_608 : vector<16xi32>
      %gather3A_610 = tpu.vector_load_idx %arg14[%add3A_59, %add3A_609] : memref<256x128xf32, #tpu.memory_space<vmem>>[vector<16xi32>, vector<16xi32>], vector<16xf32>,
      %add3A_611 = arith.constant 51 : i32
      %add3A_612 = vector.broadcast %add3A_611 : i32 to vector<16xi32>
      %add3A_613 = arith.addi %shift_left3A_82, %add3A_612 : vector<16xi32>
      %gather3A_614 = tpu.vector_load_idx %arg15[%add3A_59, %add3A_613] : memref<256x128xf32, #tpu.memory_space<vmem>>[vector<16xi32>, vector<16xi32>], vector<16xf32>,
      %mul3A_615 = arith.mulf %gather3A_610, %gather3A_614 : vector<16xf32>
      %add3A_616 = arith.addf %add3A_576, %mul3A_615 : vector<16xf32>
      %add3A_617 = arith.constant 52 : i32
      %add3A_618 = vector.broadcast %add3A_617 : i32 to vector<16xi32>
      %add3A_619 = arith.addi %shift_left3A_69, %add3A_618 : vector<16xi32>
      %gather3A_620 = tpu.vector_load_idx %arg14[%add3A_59, %add3A_619] : memref<256x128xf32, #tpu.memory_space<vmem>>[vector<16xi32>, vector<16xi32>], vector<16xf32>,
      %add3A_621 = arith.constant 52 : i32
      %add3A_622 = vector.broadcast %add3A_621 : i32 to vector<16xi32>
      %add3A_623 = arith.addi %shift_left3A_82, %add3A_622 : vector<16xi32>
      %gather3A_624 = tpu.vector_load_idx %arg15[%add3A_59, %add3A_623] : memref<256x128xf32, #tpu.memory_space<vmem>>[vector<16xi32>, vector<16xi32>], vector<16xf32>,
      %mul3A_625 = arith.mulf %gather3A_620, %gather3A_624 : vector<16xf32>
      %add3A_626 = arith.addf %add3A_586, %mul3A_625 : vector<16xf32>
      %add3A_627 = arith.constant 53 : i32
      %add3A_628 = vector.broadcast %add3A_627 : i32 to vector<16xi32>
      %add3A_629 = arith.addi %shift_left3A_69, %add3A_628 : vector<16xi32>
      %gather3A_630 = tpu.vector_load_idx %arg14[%add3A_59, %add3A_629] : memref<256x128xf32, #tpu.memory_space<vmem>>[vector<16xi32>, vector<16xi32>], vector<16xf32>,
      %add3A_631 = arith.constant 53 : i32
      %add3A_632 = vector.broadcast %add3A_631 : i32 to vector<16xi32>
      %add3A_633 = arith.addi %shift_left3A_82, %add3A_632 : vector<16xi32>
      %gather3A_634 = tpu.vector_load_idx %arg15[%add3A_59, %add3A_633] : memref<256x128xf32, #tpu.memory_space<vmem>>[vector<16xi32>, vector<16xi32>], vector<16xf32>,
      %mul3A_635 = arith.mulf %gather3A_630, %gather3A_634 : vector<16xf32>
      %add3A_636 = arith.addf %add3A_596, %mul3A_635 : vector<16xf32>
      %add3A_637 = arith.constant 54 : i32
      %add3A_638 = vector.broadcast %add3A_637 : i32 to vector<16xi32>
      %add3A_639 = arith.addi %shift_left3A_69, %add3A_638 : vector<16xi32>
      %gather3A_640 = tpu.vector_load_idx %arg14[%add3A_59, %add3A_639] : memref<256x128xf32, #tpu.memory_space<vmem>>[vector<16xi32>, vector<16xi32>], vector<16xf32>,
      %add3A_641 = arith.constant 54 : i32
      %add3A_642 = vector.broadcast %add3A_641 : i32 to vector<16xi32>
      %add3A_643 = arith.addi %shift_left3A_82, %add3A_642 : vector<16xi32>
      %gather3A_644 = tpu.vector_load_idx %arg15[%add3A_59, %add3A_643] : memref<256x128xf32, #tpu.memory_space<vmem>>[vector<16xi32>, vector<16xi32>], vector<16xf32>,
      %mul3A_645 = arith.mulf %gather3A_640, %gather3A_644 : vector<16xf32>
      %add3A_646 = arith.addf %add3A_606, %mul3A_645 : vector<16xf32>
      %add3A_647 = arith.constant 55 : i32
      %add3A_648 = vector.broadcast %add3A_647 : i32 to vector<16xi32>
      %add3A_649 = arith.addi %shift_left3A_69, %add3A_648 : vector<16xi32>
      %gather3A_650 = tpu.vector_load_idx %arg14[%add3A_59, %add3A_649] : memref<256x128xf32, #tpu.memory_space<vmem>>[vector<16xi32>, vector<16xi32>], vector<16xf32>,
      %add3A_651 = arith.constant 55 : i32
      %add3A_652 = vector.broadcast %add3A_651 : i32 to vector<16xi32>
      %add3A_653 = arith.addi %shift_left3A_82, %add3A_652 : vector<16xi32>
      %gather3A_654 = tpu.vector_load_idx %arg15[%add3A_59, %add3A_653] : memref<256x128xf32, #tpu.memory_space<vmem>>[vector<16xi32>, vector<16xi32>], vector<16xf32>,
      %mul3A_655 = arith.mulf %gather3A_650, %gather3A_654 : vector<16xf32>
      %add3A_656 = arith.addf %add3A_616, %mul3A_655 : vector<16xf32>
      %add3A_657 = arith.constant 56 : i32
      %add3A_658 = vector.broadcast %add3A_657 : i32 to vector<16xi32>
      %add3A_659 = arith.addi %shift_left3A_69, %add3A_658 : vector<16xi32>
      %gather3A_660 = tpu.vector_load_idx %arg14[%add3A_59, %add3A_659] : memref<256x128xf32, #tpu.memory_space<vmem>>[vector<16xi32>, vector<16xi32>], vector<16xf32>,
      %add3A_661 = arith.constant 56 : i32
      %add3A_662 = vector.broadcast %add3A_661 : i32 to vector<16xi32>
      %add3A_663 = arith.addi %shift_left3A_82, %add3A_662 : vector<16xi32>
      %gather3A_664 = tpu.vector_load_idx %arg15[%add3A_59, %add3A_663] : memref<256x128xf32, #tpu.memory_space<vmem>>[vector<16xi32>, vector<16xi32>], vector<16xf32>,
      %mul3A_665 = arith.mulf %gather3A_660, %gather3A_664 : vector<16xf32>
      %add3A_666 = arith.addf %add3A_626, %mul3A_665 : vector<16xf32>
      %add3A_667 = arith.constant 57 : i32
      %add3A_668 = vector.broadcast %add3A_667 : i32 to vector<16xi32>
      %add3A_669 = arith.addi %shift_left3A_69, %add3A_668 : vector<16xi32>
      %gather3A_670 = tpu.vector_load_idx %arg14[%add3A_59, %add3A_669] : memref<256x128xf32, #tpu.memory_space<vmem>>[vector<16xi32>, vector<16xi32>], vector<16xf32>,
      %add3A_671 = arith.constant 57 : i32
      %add3A_672 = vector.broadcast %add3A_671 : i32 to vector<16xi32>
      %add3A_673 = arith.addi %shift_left3A_82, %add3A_672 : vector<16xi32>
      %gather3A_674 = tpu.vector_load_idx %arg15[%add3A_59, %add3A_673] : memref<256x128xf32, #tpu.memory_space<vmem>>[vector<16xi32>, vector<16xi32>], vector<16xf32>,
      %mul3A_675 = arith.mulf %gather3A_670, %gather3A_674 : vector<16xf32>
      %add3A_676 = arith.addf %add3A_636, %mul3A_675 : vector<16xf32>
      %add3A_677 = arith.constant 58 : i32
      %add3A_678 = vector.broadcast %add3A_677 : i32 to vector<16xi32>
      %add3A_679 = arith.addi %shift_left3A_69, %add3A_678 : vector<16xi32>
      %gather3A_680 = tpu.vector_load_idx %arg14[%add3A_59, %add3A_679] : memref<256x128xf32, #tpu.memory_space<vmem>>[vector<16xi32>, vector<16xi32>], vector<16xf32>,
      %add3A_681 = arith.constant 58 : i32
      %add3A_682 = vector.broadcast %add3A_681 : i32 to vector<16xi32>
      %add3A_683 = arith.addi %shift_left3A_82, %add3A_682 : vector<16xi32>
      %gather3A_684 = tpu.vector_load_idx %arg15[%add3A_59, %add3A_683] : memref<256x128xf32, #tpu.memory_space<vmem>>[vector<16xi32>, vector<16xi32>], vector<16xf32>,
      %mul3A_685 = arith.mulf %gather3A_680, %gather3A_684 : vector<16xf32>
      %add3A_686 = arith.addf %add3A_646, %mul3A_685 : vector<16xf32>
      %add3A_687 = arith.constant 59 : i32
      %add3A_688 = vector.broadcast %add3A_687 : i32 to vector<16xi32>
      %add3A_689 = arith.addi %shift_left3A_69, %add3A_688 : vector<16xi32>
      %gather3A_690 = tpu.vector_load_idx %arg14[%add3A_59, %add3A_689] : memref<256x128xf32, #tpu.memory_space<vmem>>[vector<16xi32>, vector<16xi32>], vector<16xf32>,
      %add3A_691 = arith.constant 59 : i32
      %add3A_692 = vector.broadcast %add3A_691 : i32 to vector<16xi32>
      %add3A_693 = arith.addi %shift_left3A_82, %add3A_692 : vector<16xi32>
      %gather3A_694 = tpu.vector_load_idx %arg15[%add3A_59, %add3A_693] : memref<256x128xf32, #tpu.memory_space<vmem>>[vector<16xi32>, vector<16xi32>], vector<16xf32>,
      %mul3A_695 = arith.mulf %gather3A_690, %gather3A_694 : vector<16xf32>
      %add3A_696 = arith.addf %add3A_656, %mul3A_695 : vector<16xf32>
      %add3A_697 = arith.constant 60 : i32
      %add3A_698 = vector.broadcast %add3A_697 : i32 to vector<16xi32>
      %add3A_699 = arith.addi %shift_left3A_69, %add3A_698 : vector<16xi32>
      %gather3A_700 = tpu.vector_load_idx %arg14[%add3A_59, %add3A_699] : memref<256x128xf32, #tpu.memory_space<vmem>>[vector<16xi32>, vector<16xi32>], vector<16xf32>,
      %add3A_701 = arith.constant 60 : i32
      %add3A_702 = vector.broadcast %add3A_701 : i32 to vector<16xi32>
      %add3A_703 = arith.addi %shift_left3A_82, %add3A_702 : vector<16xi32>
      %gather3A_704 = tpu.vector_load_idx %arg15[%add3A_59, %add3A_703] : memref<256x128xf32, #tpu.memory_space<vmem>>[vector<16xi32>, vector<16xi32>], vector<16xf32>,
      %mul3A_705 = arith.mulf %gather3A_700, %gather3A_704 : vector<16xf32>
      %add3A_706 = arith.addf %add3A_666, %mul3A_705 : vector<16xf32>
      %add3A_707 = arith.constant 61 : i32
      %add3A_708 = vector.broadcast %add3A_707 : i32 to vector<16xi32>
      %add3A_709 = arith.addi %shift_left3A_69, %add3A_708 : vector<16xi32>
      %gather3A_710 = tpu.vector_load_idx %arg14[%add3A_59, %add3A_709] : memref<256x128xf32, #tpu.memory_space<vmem>>[vector<16xi32>, vector<16xi32>], vector<16xf32>,
      %add3A_711 = arith.constant 61 : i32
      %add3A_712 = vector.broadcast %add3A_711 : i32 to vector<16xi32>
      %add3A_713 = arith.addi %shift_left3A_82, %add3A_712 : vector<16xi32>
      %gather3A_714 = tpu.vector_load_idx %arg15[%add3A_59, %add3A_713] : memref<256x128xf32, #tpu.memory_space<vmem>>[vector<16xi32>, vector<16xi32>], vector<16xf32>,
      %mul3A_715 = arith.mulf %gather3A_710, %gather3A_714 : vector<16xf32>
      %add3A_716 = arith.addf %add3A_676, %mul3A_715 : vector<16xf32>
      %add3A_717 = arith.constant 62 : i32
      %add3A_718 = vector.broadcast %add3A_717 : i32 to vector<16xi32>
      %add3A_719 = arith.addi %shift_left3A_69, %add3A_718 : vector<16xi32>
      %gather3A_720 = tpu.vector_load_idx %arg14[%add3A_59, %add3A_719] : memref<256x128xf32, #tpu.memory_space<vmem>>[vector<16xi32>, vector<16xi32>], vector<16xf32>,
      %add3A_721 = arith.constant 62 : i32
      %add3A_722 = vector.broadcast %add3A_721 : i32 to vector<16xi32>
      %add3A_723 = arith.addi %shift_left3A_82, %add3A_722 : vector<16xi32>
      %gather3A_724 = tpu.vector_load_idx %arg15[%add3A_59, %add3A_723] : memref<256x128xf32, #tpu.memory_space<vmem>>[vector<16xi32>, vector<16xi32>], vector<16xf32>,
      %mul3A_725 = arith.mulf %gather3A_720, %gather3A_724 : vector<16xf32>
      %add3A_726 = arith.addf %add3A_686, %mul3A_725 : vector<16xf32>
      %add3A_727 = arith.constant 63 : i32
      %add3A_728 = vector.broadcast %add3A_727 : i32 to vector<16xi32>
      %add3A_729 = arith.addi %shift_left3A_69, %add3A_728 : vector<16xi32>
      %gather3A_730 = tpu.vector_load_idx %arg14[%add3A_59, %add3A_729] : memref<256x128xf32, #tpu.memory_space<vmem>>[vector<16xi32>, vector<16xi32>], vector<16xf32>,
      %add3A_731 = arith.constant 63 : i32
      %add3A_732 = vector.broadcast %add3A_731 : i32 to vector<16xi32>
      %add3A_733 = arith.addi %shift_left3A_82, %add3A_732 : vector<16xi32>
      %gather3A_734 = tpu.vector_load_idx %arg15[%add3A_59, %add3A_733] : memref<256x128xf32, #tpu.memory_space<vmem>>[vector<16xi32>, vector<16xi32>], vector<16xf32>,
      %mul3A_735 = arith.mulf %gather3A_730, %gather3A_734 : vector<16xf32>
      %add3A_736 = arith.addf %add3A_696, %mul3A_735 : vector<16xf32>
      %add3A_737 = arith.addf %add3A_706, %add3A_716 : vector<16xf32>
      %add3A_738 = arith.addf %add3A_726, %add3A_736 : vector<16xf32>
      %add3A_739 = arith.addf %add3A_737, %add3A_738 : vector<16xf32>
      %add3A_740 = arith.constant 0 : i32
      %add3A_741 = arith.addi %add3A_740, %add3A_57 : i32
      %swap3A = arith.index_cast %add3A_741 : i32 to index
      %swap3A_742 = tpu.vector_load %arg18[%swap3A] {strides = array<i32>} : memref<512xf32, #tpu.memory_space<vmem>>, vector<16xf32>,
      tpu.vector_store %arg18[%swap3A], %add3A_739 {strides = array<i32>} : memref<512xf32, #tpu.memory_space<vmem>>, vector<16xf32>,
    }
    %scan3A_30 = arith.constant 16 : i32
    %scan3A_31 = arith.constant 0 : i32
    %scan3A_32 = arith.constant 16 : i32
    %scan3A_33 = arith.addi %scan3A_31, %scan3A_32 : i32
    %scan3A_34 = arith.constant 1 : i32
    scf.for %scan3A_53 = %scan3A_31 to %scan3A_33 step %scan3A_34  : i32 {
      %mul3A_54 = arith.constant 16 : i32
      %mul3A_55 = arith.muli %scan3A_53, %mul3A_54 : i32
      %add3A_56 = arith.constant 0 : i32
      %add3A_57 = arith.addi %add3A_56, %mul3A_55 : i32
      %add3A_58 = arith.constant 256 : i32
      %add3A_59 = arith.addi %add3A_58, %add3A_57 : i32
      %get3A_60 = arith.index_cast %add3A_59 : i32 to index
      %get3A_61 = tpu.vector_load %arg10[%get3A_60] {strides = array<i32>} : memref<512xi32, #tpu.memory_space<vmem>>, vector<16xi32>,
      %add3A_62 = arith.constant 256 : i32
      %add3A_63 = arith.addi %add3A_62, %add3A_57 : i32
      %get3A_64 = arith.index_cast %add3A_63 : i32 to index
      %get3A_65 = tpu.vector_load %arg11[%get3A_64] {strides = array<i32>} : memref<512xi32, #tpu.memory_space<vmem>>, vector<16xi32>,
      %shift_right_logical3A = arith.constant 14 : i32
      %shift_right_logical3A_66 = vector.broadcast %shift_right_logical3A : i32 to vector<16xi32>
      %shift_right_logical3A_67 = arith.shrui %get3A_61, %shift_right_logical3A_66 : vector<16xi32>
      %shift_left3A = arith.constant 13 : i32
      %shift_left3A_68 = vector.broadcast %shift_left3A : i32 to vector<16xi32>
      %shift_left3A_69 = arith.shli %shift_right_logical3A_67, %shift_left3A_68 : vector<16xi32>
      %and3A = arith.constant 8191 : i32
      %and3A_70 = vector.broadcast %and3A : i32 to vector<16xi32>
      %and3A_71 = arith.andi %get3A_61, %and3A_70 : vector<16xi32>
      %add3A_72 = arith.addi %shift_left3A_69, %and3A_71 : vector<16xi32>
      %swap3A = arith.index_cast %add3A_57 : i32 to index
      %swap3A_73 = tpu.vector_load %arg12[%swap3A] {strides = array<i32>} : memref<256xi32, #tpu.memory_space<vmem>>, vector<16xi32>,
      tpu.vector_store %arg12[%swap3A], %add3A_72 {strides = array<i32>} : memref<256xi32, #tpu.memory_space<vmem>>, vector<16xi32>,
      %shift_right_logical3A_74 = arith.constant 14 : i32
      %shift_right_logical3A_75 = vector.broadcast %shift_right_logical3A_74 : i32 to vector<16xi32>
      %shift_right_logical3A_76 = arith.shrui %get3A_65, %shift_right_logical3A_75 : vector<16xi32>
      %shift_left3A_77 = arith.constant 13 : i32
      %shift_left3A_78 = vector.broadcast %shift_left3A_77 : i32 to vector<16xi32>
      %shift_left3A_79 = arith.shli %shift_right_logical3A_76, %shift_left3A_78 : vector<16xi32>
      %and3A_80 = arith.constant 8191 : i32
      %and3A_81 = vector.broadcast %and3A_80 : i32 to vector<16xi32>
      %and3A_82 = arith.andi %get3A_65, %and3A_81 : vector<16xi32>
      %add3A_83 = arith.addi %shift_left3A_79, %and3A_82 : vector<16xi32>
      %swap3A_84 = arith.index_cast %add3A_57 : i32 to index
      %swap3A_85 = tpu.vector_load %arg13[%swap3A_84] {strides = array<i32>} : memref<256xi32, #tpu.memory_space<vmem>>, vector<16xi32>,
      tpu.vector_store %arg13[%swap3A_84], %add3A_83 {strides = array<i32>} : memref<256xi32, #tpu.memory_space<vmem>>, vector<16xi32>,
    }
    %scan3A_35 = arith.constant 16 : i32
    %dma_start3A_36 = arith.constant 0 : i32
    %dma_start3A_37 = arith.constant 0 : i32
    %dma_start3A_38 = tpu.memref_slice %arg4[%dma_start3A_36, %dma_start3A_37] : memref<507904x128xf32, #tpu.memory_space<hbm>> -> memref<507904x128xf32, #tpu.memory_space<hbm>>
    tpu.enqueue_indirect_dma source(%dma_start3A_38 : memref<507904x128xf32, #tpu.memory_space<hbm>>) target(%arg14 : memref<256x128xf32, #tpu.memory_space<vmem>>) offsets(%arg12 : memref<256xi32, #tpu.memory_space<vmem>>) semaphore(%arg20 : memref<!tpu.dma_semaphore, #tpu.memory_space<semaphore_mem>>)
    %dma_start3A_39 = arith.constant 0 : i32
    %dma_start3A_40 = arith.constant 0 : i32
    %dma_start3A_41 = tpu.memref_slice %arg5[%dma_start3A_39, %dma_start3A_40] : memref<57344x128xf32, #tpu.memory_space<hbm>> -> memref<57344x128xf32, #tpu.memory_space<hbm>>
    tpu.enqueue_indirect_dma source(%dma_start3A_41 : memref<57344x128xf32, #tpu.memory_space<hbm>>) target(%arg15 : memref<256x128xf32, #tpu.memory_space<vmem>>) offsets(%arg13 : memref<256xi32, #tpu.memory_space<vmem>>) semaphore(%arg21 : memref<!tpu.dma_semaphore, #tpu.memory_space<semaphore_mem>>)
    %dma_wait3A_42 = arith.constant 0 : i32
    %dma_wait3A_43 = arith.constant 0 : i32
    %dma_wait3A_44 = tpu.memref_slice %arg4[%dma_wait3A_42, %dma_wait3A_43] : memref<507904x128xf32, #tpu.memory_space<hbm>> -> memref<507904x128xf32, #tpu.memory_space<hbm>>
    tpu.wait_indirect_dma semaphore(%arg20 : memref<!tpu.dma_semaphore, #tpu.memory_space<semaphore_mem>>) src(%dma_wait3A_44 : memref<507904x128xf32, #tpu.memory_space<hbm>>) dst(%arg14 : memref<256x128xf32, #tpu.memory_space<vmem>>)
    %dma_wait3A_45 = arith.constant 0 : i32
    %dma_wait3A_46 = arith.constant 0 : i32
    %dma_wait3A_47 = tpu.memref_slice %arg5[%dma_wait3A_45, %dma_wait3A_46] : memref<57344x128xf32, #tpu.memory_space<hbm>> -> memref<57344x128xf32, #tpu.memory_space<hbm>>
    tpu.wait_indirect_dma semaphore(%arg21 : memref<!tpu.dma_semaphore, #tpu.memory_space<semaphore_mem>>) src(%dma_wait3A_47 : memref<57344x128xf32, #tpu.memory_space<hbm>>) dst(%arg15 : memref<256x128xf32, #tpu.memory_space<vmem>>)
    %scan3A_48 = arith.constant 0 : i32
    %scan3A_49 = arith.constant 16 : i32
    %scan3A_50 = arith.addi %scan3A_48, %scan3A_49 : i32
    %scan3A_51 = arith.constant 1 : i32
    scf.for %scan3A_53 = %scan3A_48 to %scan3A_50 step %scan3A_51  : i32 {
      %mul3A_54 = arith.constant 16 : i32
      %mul3A_55 = arith.muli %scan3A_53, %mul3A_54 : i32
      %add3A_56 = arith.constant 0 : i32
      %add3A_57 = arith.addi %add3A_56, %mul3A_55 : i32
      %add3A_58 = vector.broadcast %add3A_57 : i32 to vector<16xi32>
      %add3A_59 = arith.addi %add3A_58, %iota3A : vector<16xi32>
      %add3A_60 = arith.constant 256 : i32
      %add3A_61 = arith.addi %add3A_60, %add3A_57 : i32
      %get3A_62 = arith.index_cast %add3A_61 : i32 to index
      %get3A_63 = tpu.vector_load %arg10[%get3A_62] {strides = array<i32>} : memref<512xi32, #tpu.memory_space<vmem>>, vector<16xi32>,
      %shift_right_logical3A = arith.constant 13 : i32
      %shift_right_logical3A_64 = vector.broadcast %shift_right_logical3A : i32 to vector<16xi32>
      %shift_right_logical3A_65 = arith.shrui %get3A_63, %shift_right_logical3A_64 : vector<16xi32>
      %and3A = arith.constant 1 : i32
      %and3A_66 = vector.broadcast %and3A : i32 to vector<16xi32>
      %and3A_67 = arith.andi %shift_right_logical3A_65, %and3A_66 : vector<16xi32>
      %shift_left3A = arith.constant 6 : i32
      %shift_left3A_68 = vector.broadcast %shift_left3A : i32 to vector<16xi32>
      %shift_left3A_69 = arith.shli %and3A_67, %shift_left3A_68 : vector<16xi32>
      %add3A_70 = arith.constant 256 : i32
      %add3A_71 = arith.addi %add3A_70, %add3A_57 : i32
      %get3A_72 = arith.index_cast %add3A_71 : i32 to index
      %get3A_73 = tpu.vector_load %arg11[%get3A_72] {strides = array<i32>} : memref<512xi32, #tpu.memory_space<vmem>>, vector<16xi32>,
      %shift_right_logical3A_74 = arith.constant 13 : i32
      %shift_right_logical3A_75 = vector.broadcast %shift_right_logical3A_74 : i32 to vector<16xi32>
      %shift_right_logical3A_76 = arith.shrui %get3A_73, %shift_right_logical3A_75 : vector<16xi32>
      %and3A_77 = arith.constant 1 : i32
      %and3A_78 = vector.broadcast %and3A_77 : i32 to vector<16xi32>
      %and3A_79 = arith.andi %shift_right_logical3A_76, %and3A_78 : vector<16xi32>
      %shift_left3A_80 = arith.constant 6 : i32
      %shift_left3A_81 = vector.broadcast %shift_left3A_80 : i32 to vector<16xi32>
      %shift_left3A_82 = arith.shli %and3A_79, %shift_left3A_81 : vector<16xi32>
      %add3A_83 = arith.constant 256 : i32
      %add3A_84 = arith.addi %add3A_83, %add3A_57 : i32
      %get3A_85 = arith.index_cast %add3A_84 : i32 to index
      %get3A_86 = tpu.vector_load %arg16[%get3A_85] {strides = array<i32>} : memref<512xf32, #tpu.memory_space<vmem>>, vector<16xf32>,
      %add3A_87 = arith.constant 256 : i32
      %add3A_88 = arith.addi %add3A_87, %add3A_57 : i32
      %get3A_89 = arith.index_cast %add3A_88 : i32 to index
      %get3A_90 = tpu.vector_load %arg17[%get3A_89] {strides = array<i32>} : memref<512xf32, #tpu.memory_space<vmem>>, vector<16xf32>,
      %add3A_91 = arith.addf %get3A_86, %get3A_90 : vector<16xf32>
      %add3A_92 = arith.addf %add3A_91, %get3A_9 : vector<16xf32>
      %broadcast_in_dim3A = arith.constant 0.000000e+00 : f32
      %broadcast_in_dim3A_93 = vector.broadcast %broadcast_in_dim3A : f32 to vector<16xf32>
      %broadcast_in_dim3A_94 = arith.constant 0.000000e+00 : f32
      %broadcast_in_dim3A_95 = vector.broadcast %broadcast_in_dim3A_94 : f32 to vector<16xf32>
      %broadcast_in_dim3A_96 = arith.constant 0.000000e+00 : f32
      %broadcast_in_dim3A_97 = vector.broadcast %broadcast_in_dim3A_96 : f32 to vector<16xf32>
      %add3A_98 = arith.constant 0 : i32
      %add3A_99 = vector.broadcast %add3A_98 : i32 to vector<16xi32>
      %add3A_100 = arith.addi %shift_left3A_69, %add3A_99 : vector<16xi32>
      %gather3A = tpu.vector_load_idx %arg14[%add3A_59, %add3A_100] : memref<256x128xf32, #tpu.memory_space<vmem>>[vector<16xi32>, vector<16xi32>], vector<16xf32>,
      %add3A_101 = arith.constant 0 : i32
      %add3A_102 = vector.broadcast %add3A_101 : i32 to vector<16xi32>
      %add3A_103 = arith.addi %shift_left3A_82, %add3A_102 : vector<16xi32>
      %gather3A_104 = tpu.vector_load_idx %arg15[%add3A_59, %add3A_103] : memref<256x128xf32, #tpu.memory_space<vmem>>[vector<16xi32>, vector<16xi32>], vector<16xf32>,
      %mul3A_105 = arith.mulf %gather3A, %gather3A_104 : vector<16xf32>
      %add3A_106 = arith.addf %add3A_92, %mul3A_105 : vector<16xf32>
      %add3A_107 = arith.constant 1 : i32
      %add3A_108 = vector.broadcast %add3A_107 : i32 to vector<16xi32>
      %add3A_109 = arith.addi %shift_left3A_69, %add3A_108 : vector<16xi32>
      %gather3A_110 = tpu.vector_load_idx %arg14[%add3A_59, %add3A_109] : memref<256x128xf32, #tpu.memory_space<vmem>>[vector<16xi32>, vector<16xi32>], vector<16xf32>,
      %add3A_111 = arith.constant 1 : i32
      %add3A_112 = vector.broadcast %add3A_111 : i32 to vector<16xi32>
      %add3A_113 = arith.addi %shift_left3A_82, %add3A_112 : vector<16xi32>
      %gather3A_114 = tpu.vector_load_idx %arg15[%add3A_59, %add3A_113] : memref<256x128xf32, #tpu.memory_space<vmem>>[vector<16xi32>, vector<16xi32>], vector<16xf32>,
      %mul3A_115 = arith.mulf %gather3A_110, %gather3A_114 : vector<16xf32>
      %add3A_116 = arith.addf %broadcast_in_dim3A_93, %mul3A_115 : vector<16xf32>
      %add3A_117 = arith.constant 2 : i32
      %add3A_118 = vector.broadcast %add3A_117 : i32 to vector<16xi32>
      %add3A_119 = arith.addi %shift_left3A_69, %add3A_118 : vector<16xi32>
      %gather3A_120 = tpu.vector_load_idx %arg14[%add3A_59, %add3A_119] : memref<256x128xf32, #tpu.memory_space<vmem>>[vector<16xi32>, vector<16xi32>], vector<16xf32>,
      %add3A_121 = arith.constant 2 : i32
      %add3A_122 = vector.broadcast %add3A_121 : i32 to vector<16xi32>
      %add3A_123 = arith.addi %shift_left3A_82, %add3A_122 : vector<16xi32>
      %gather3A_124 = tpu.vector_load_idx %arg15[%add3A_59, %add3A_123] : memref<256x128xf32, #tpu.memory_space<vmem>>[vector<16xi32>, vector<16xi32>], vector<16xf32>,
      %mul3A_125 = arith.mulf %gather3A_120, %gather3A_124 : vector<16xf32>
      %add3A_126 = arith.addf %broadcast_in_dim3A_95, %mul3A_125 : vector<16xf32>
      %add3A_127 = arith.constant 3 : i32
      %add3A_128 = vector.broadcast %add3A_127 : i32 to vector<16xi32>
      %add3A_129 = arith.addi %shift_left3A_69, %add3A_128 : vector<16xi32>
      %gather3A_130 = tpu.vector_load_idx %arg14[%add3A_59, %add3A_129] : memref<256x128xf32, #tpu.memory_space<vmem>>[vector<16xi32>, vector<16xi32>], vector<16xf32>,
      %add3A_131 = arith.constant 3 : i32
      %add3A_132 = vector.broadcast %add3A_131 : i32 to vector<16xi32>
      %add3A_133 = arith.addi %shift_left3A_82, %add3A_132 : vector<16xi32>
      %gather3A_134 = tpu.vector_load_idx %arg15[%add3A_59, %add3A_133] : memref<256x128xf32, #tpu.memory_space<vmem>>[vector<16xi32>, vector<16xi32>], vector<16xf32>,
      %mul3A_135 = arith.mulf %gather3A_130, %gather3A_134 : vector<16xf32>
      %add3A_136 = arith.addf %broadcast_in_dim3A_97, %mul3A_135 : vector<16xf32>
      %add3A_137 = arith.constant 4 : i32
      %add3A_138 = vector.broadcast %add3A_137 : i32 to vector<16xi32>
      %add3A_139 = arith.addi %shift_left3A_69, %add3A_138 : vector<16xi32>
      %gather3A_140 = tpu.vector_load_idx %arg14[%add3A_59, %add3A_139] : memref<256x128xf32, #tpu.memory_space<vmem>>[vector<16xi32>, vector<16xi32>], vector<16xf32>,
      %add3A_141 = arith.constant 4 : i32
      %add3A_142 = vector.broadcast %add3A_141 : i32 to vector<16xi32>
      %add3A_143 = arith.addi %shift_left3A_82, %add3A_142 : vector<16xi32>
      %gather3A_144 = tpu.vector_load_idx %arg15[%add3A_59, %add3A_143] : memref<256x128xf32, #tpu.memory_space<vmem>>[vector<16xi32>, vector<16xi32>], vector<16xf32>,
      %mul3A_145 = arith.mulf %gather3A_140, %gather3A_144 : vector<16xf32>
      %add3A_146 = arith.addf %add3A_106, %mul3A_145 : vector<16xf32>
      %add3A_147 = arith.constant 5 : i32
      %add3A_148 = vector.broadcast %add3A_147 : i32 to vector<16xi32>
      %add3A_149 = arith.addi %shift_left3A_69, %add3A_148 : vector<16xi32>
      %gather3A_150 = tpu.vector_load_idx %arg14[%add3A_59, %add3A_149] : memref<256x128xf32, #tpu.memory_space<vmem>>[vector<16xi32>, vector<16xi32>], vector<16xf32>,
      %add3A_151 = arith.constant 5 : i32
      %add3A_152 = vector.broadcast %add3A_151 : i32 to vector<16xi32>
      %add3A_153 = arith.addi %shift_left3A_82, %add3A_152 : vector<16xi32>
      %gather3A_154 = tpu.vector_load_idx %arg15[%add3A_59, %add3A_153] : memref<256x128xf32, #tpu.memory_space<vmem>>[vector<16xi32>, vector<16xi32>], vector<16xf32>,
      %mul3A_155 = arith.mulf %gather3A_150, %gather3A_154 : vector<16xf32>
      %add3A_156 = arith.addf %add3A_116, %mul3A_155 : vector<16xf32>
      %add3A_157 = arith.constant 6 : i32
      %add3A_158 = vector.broadcast %add3A_157 : i32 to vector<16xi32>
      %add3A_159 = arith.addi %shift_left3A_69, %add3A_158 : vector<16xi32>
      %gather3A_160 = tpu.vector_load_idx %arg14[%add3A_59, %add3A_159] : memref<256x128xf32, #tpu.memory_space<vmem>>[vector<16xi32>, vector<16xi32>], vector<16xf32>,
      %add3A_161 = arith.constant 6 : i32
      %add3A_162 = vector.broadcast %add3A_161 : i32 to vector<16xi32>
      %add3A_163 = arith.addi %shift_left3A_82, %add3A_162 : vector<16xi32>
      %gather3A_164 = tpu.vector_load_idx %arg15[%add3A_59, %add3A_163] : memref<256x128xf32, #tpu.memory_space<vmem>>[vector<16xi32>, vector<16xi32>], vector<16xf32>,
      %mul3A_165 = arith.mulf %gather3A_160, %gather3A_164 : vector<16xf32>
      %add3A_166 = arith.addf %add3A_126, %mul3A_165 : vector<16xf32>
      %add3A_167 = arith.constant 7 : i32
      %add3A_168 = vector.broadcast %add3A_167 : i32 to vector<16xi32>
      %add3A_169 = arith.addi %shift_left3A_69, %add3A_168 : vector<16xi32>
      %gather3A_170 = tpu.vector_load_idx %arg14[%add3A_59, %add3A_169] : memref<256x128xf32, #tpu.memory_space<vmem>>[vector<16xi32>, vector<16xi32>], vector<16xf32>,
      %add3A_171 = arith.constant 7 : i32
      %add3A_172 = vector.broadcast %add3A_171 : i32 to vector<16xi32>
      %add3A_173 = arith.addi %shift_left3A_82, %add3A_172 : vector<16xi32>
      %gather3A_174 = tpu.vector_load_idx %arg15[%add3A_59, %add3A_173] : memref<256x128xf32, #tpu.memory_space<vmem>>[vector<16xi32>, vector<16xi32>], vector<16xf32>,
      %mul3A_175 = arith.mulf %gather3A_170, %gather3A_174 : vector<16xf32>
      %add3A_176 = arith.addf %add3A_136, %mul3A_175 : vector<16xf32>
      %add3A_177 = arith.constant 8 : i32
      %add3A_178 = vector.broadcast %add3A_177 : i32 to vector<16xi32>
      %add3A_179 = arith.addi %shift_left3A_69, %add3A_178 : vector<16xi32>
      %gather3A_180 = tpu.vector_load_idx %arg14[%add3A_59, %add3A_179] : memref<256x128xf32, #tpu.memory_space<vmem>>[vector<16xi32>, vector<16xi32>], vector<16xf32>,
      %add3A_181 = arith.constant 8 : i32
      %add3A_182 = vector.broadcast %add3A_181 : i32 to vector<16xi32>
      %add3A_183 = arith.addi %shift_left3A_82, %add3A_182 : vector<16xi32>
      %gather3A_184 = tpu.vector_load_idx %arg15[%add3A_59, %add3A_183] : memref<256x128xf32, #tpu.memory_space<vmem>>[vector<16xi32>, vector<16xi32>], vector<16xf32>,
      %mul3A_185 = arith.mulf %gather3A_180, %gather3A_184 : vector<16xf32>
      %add3A_186 = arith.addf %add3A_146, %mul3A_185 : vector<16xf32>
      %add3A_187 = arith.constant 9 : i32
      %add3A_188 = vector.broadcast %add3A_187 : i32 to vector<16xi32>
      %add3A_189 = arith.addi %shift_left3A_69, %add3A_188 : vector<16xi32>
      %gather3A_190 = tpu.vector_load_idx %arg14[%add3A_59, %add3A_189] : memref<256x128xf32, #tpu.memory_space<vmem>>[vector<16xi32>, vector<16xi32>], vector<16xf32>,
      %add3A_191 = arith.constant 9 : i32
      %add3A_192 = vector.broadcast %add3A_191 : i32 to vector<16xi32>
      %add3A_193 = arith.addi %shift_left3A_82, %add3A_192 : vector<16xi32>
      %gather3A_194 = tpu.vector_load_idx %arg15[%add3A_59, %add3A_193] : memref<256x128xf32, #tpu.memory_space<vmem>>[vector<16xi32>, vector<16xi32>], vector<16xf32>,
      %mul3A_195 = arith.mulf %gather3A_190, %gather3A_194 : vector<16xf32>
      %add3A_196 = arith.addf %add3A_156, %mul3A_195 : vector<16xf32>
      %add3A_197 = arith.constant 10 : i32
      %add3A_198 = vector.broadcast %add3A_197 : i32 to vector<16xi32>
      %add3A_199 = arith.addi %shift_left3A_69, %add3A_198 : vector<16xi32>
      %gather3A_200 = tpu.vector_load_idx %arg14[%add3A_59, %add3A_199] : memref<256x128xf32, #tpu.memory_space<vmem>>[vector<16xi32>, vector<16xi32>], vector<16xf32>,
      %add3A_201 = arith.constant 10 : i32
      %add3A_202 = vector.broadcast %add3A_201 : i32 to vector<16xi32>
      %add3A_203 = arith.addi %shift_left3A_82, %add3A_202 : vector<16xi32>
      %gather3A_204 = tpu.vector_load_idx %arg15[%add3A_59, %add3A_203] : memref<256x128xf32, #tpu.memory_space<vmem>>[vector<16xi32>, vector<16xi32>], vector<16xf32>,
      %mul3A_205 = arith.mulf %gather3A_200, %gather3A_204 : vector<16xf32>
      %add3A_206 = arith.addf %add3A_166, %mul3A_205 : vector<16xf32>
      %add3A_207 = arith.constant 11 : i32
      %add3A_208 = vector.broadcast %add3A_207 : i32 to vector<16xi32>
      %add3A_209 = arith.addi %shift_left3A_69, %add3A_208 : vector<16xi32>
      %gather3A_210 = tpu.vector_load_idx %arg14[%add3A_59, %add3A_209] : memref<256x128xf32, #tpu.memory_space<vmem>>[vector<16xi32>, vector<16xi32>], vector<16xf32>,
      %add3A_211 = arith.constant 11 : i32
      %add3A_212 = vector.broadcast %add3A_211 : i32 to vector<16xi32>
      %add3A_213 = arith.addi %shift_left3A_82, %add3A_212 : vector<16xi32>
      %gather3A_214 = tpu.vector_load_idx %arg15[%add3A_59, %add3A_213] : memref<256x128xf32, #tpu.memory_space<vmem>>[vector<16xi32>, vector<16xi32>], vector<16xf32>,
      %mul3A_215 = arith.mulf %gather3A_210, %gather3A_214 : vector<16xf32>
      %add3A_216 = arith.addf %add3A_176, %mul3A_215 : vector<16xf32>
      %add3A_217 = arith.constant 12 : i32
      %add3A_218 = vector.broadcast %add3A_217 : i32 to vector<16xi32>
      %add3A_219 = arith.addi %shift_left3A_69, %add3A_218 : vector<16xi32>
      %gather3A_220 = tpu.vector_load_idx %arg14[%add3A_59, %add3A_219] : memref<256x128xf32, #tpu.memory_space<vmem>>[vector<16xi32>, vector<16xi32>], vector<16xf32>,
      %add3A_221 = arith.constant 12 : i32
      %add3A_222 = vector.broadcast %add3A_221 : i32 to vector<16xi32>
      %add3A_223 = arith.addi %shift_left3A_82, %add3A_222 : vector<16xi32>
      %gather3A_224 = tpu.vector_load_idx %arg15[%add3A_59, %add3A_223] : memref<256x128xf32, #tpu.memory_space<vmem>>[vector<16xi32>, vector<16xi32>], vector<16xf32>,
      %mul3A_225 = arith.mulf %gather3A_220, %gather3A_224 : vector<16xf32>
      %add3A_226 = arith.addf %add3A_186, %mul3A_225 : vector<16xf32>
      %add3A_227 = arith.constant 13 : i32
      %add3A_228 = vector.broadcast %add3A_227 : i32 to vector<16xi32>
      %add3A_229 = arith.addi %shift_left3A_69, %add3A_228 : vector<16xi32>
      %gather3A_230 = tpu.vector_load_idx %arg14[%add3A_59, %add3A_229] : memref<256x128xf32, #tpu.memory_space<vmem>>[vector<16xi32>, vector<16xi32>], vector<16xf32>,
      %add3A_231 = arith.constant 13 : i32
      %add3A_232 = vector.broadcast %add3A_231 : i32 to vector<16xi32>
      %add3A_233 = arith.addi %shift_left3A_82, %add3A_232 : vector<16xi32>
      %gather3A_234 = tpu.vector_load_idx %arg15[%add3A_59, %add3A_233] : memref<256x128xf32, #tpu.memory_space<vmem>>[vector<16xi32>, vector<16xi32>], vector<16xf32>,
      %mul3A_235 = arith.mulf %gather3A_230, %gather3A_234 : vector<16xf32>
      %add3A_236 = arith.addf %add3A_196, %mul3A_235 : vector<16xf32>
      %add3A_237 = arith.constant 14 : i32
      %add3A_238 = vector.broadcast %add3A_237 : i32 to vector<16xi32>
      %add3A_239 = arith.addi %shift_left3A_69, %add3A_238 : vector<16xi32>
      %gather3A_240 = tpu.vector_load_idx %arg14[%add3A_59, %add3A_239] : memref<256x128xf32, #tpu.memory_space<vmem>>[vector<16xi32>, vector<16xi32>], vector<16xf32>,
      %add3A_241 = arith.constant 14 : i32
      %add3A_242 = vector.broadcast %add3A_241 : i32 to vector<16xi32>
      %add3A_243 = arith.addi %shift_left3A_82, %add3A_242 : vector<16xi32>
      %gather3A_244 = tpu.vector_load_idx %arg15[%add3A_59, %add3A_243] : memref<256x128xf32, #tpu.memory_space<vmem>>[vector<16xi32>, vector<16xi32>], vector<16xf32>,
      %mul3A_245 = arith.mulf %gather3A_240, %gather3A_244 : vector<16xf32>
      %add3A_246 = arith.addf %add3A_206, %mul3A_245 : vector<16xf32>
      %add3A_247 = arith.constant 15 : i32
      %add3A_248 = vector.broadcast %add3A_247 : i32 to vector<16xi32>
      %add3A_249 = arith.addi %shift_left3A_69, %add3A_248 : vector<16xi32>
      %gather3A_250 = tpu.vector_load_idx %arg14[%add3A_59, %add3A_249] : memref<256x128xf32, #tpu.memory_space<vmem>>[vector<16xi32>, vector<16xi32>], vector<16xf32>,
      %add3A_251 = arith.constant 15 : i32
      %add3A_252 = vector.broadcast %add3A_251 : i32 to vector<16xi32>
      %add3A_253 = arith.addi %shift_left3A_82, %add3A_252 : vector<16xi32>
      %gather3A_254 = tpu.vector_load_idx %arg15[%add3A_59, %add3A_253] : memref<256x128xf32, #tpu.memory_space<vmem>>[vector<16xi32>, vector<16xi32>], vector<16xf32>,
      %mul3A_255 = arith.mulf %gather3A_250, %gather3A_254 : vector<16xf32>
      %add3A_256 = arith.addf %add3A_216, %mul3A_255 : vector<16xf32>
      %add3A_257 = arith.constant 16 : i32
      %add3A_258 = vector.broadcast %add3A_257 : i32 to vector<16xi32>
      %add3A_259 = arith.addi %shift_left3A_69, %add3A_258 : vector<16xi32>
      %gather3A_260 = tpu.vector_load_idx %arg14[%add3A_59, %add3A_259] : memref<256x128xf32, #tpu.memory_space<vmem>>[vector<16xi32>, vector<16xi32>], vector<16xf32>,
      %add3A_261 = arith.constant 16 : i32
      %add3A_262 = vector.broadcast %add3A_261 : i32 to vector<16xi32>
      %add3A_263 = arith.addi %shift_left3A_82, %add3A_262 : vector<16xi32>
      %gather3A_264 = tpu.vector_load_idx %arg15[%add3A_59, %add3A_263] : memref<256x128xf32, #tpu.memory_space<vmem>>[vector<16xi32>, vector<16xi32>], vector<16xf32>,
      %mul3A_265 = arith.mulf %gather3A_260, %gather3A_264 : vector<16xf32>
      %add3A_266 = arith.addf %add3A_226, %mul3A_265 : vector<16xf32>
      %add3A_267 = arith.constant 17 : i32
      %add3A_268 = vector.broadcast %add3A_267 : i32 to vector<16xi32>
      %add3A_269 = arith.addi %shift_left3A_69, %add3A_268 : vector<16xi32>
      %gather3A_270 = tpu.vector_load_idx %arg14[%add3A_59, %add3A_269] : memref<256x128xf32, #tpu.memory_space<vmem>>[vector<16xi32>, vector<16xi32>], vector<16xf32>,
      %add3A_271 = arith.constant 17 : i32
      %add3A_272 = vector.broadcast %add3A_271 : i32 to vector<16xi32>
      %add3A_273 = arith.addi %shift_left3A_82, %add3A_272 : vector<16xi32>
      %gather3A_274 = tpu.vector_load_idx %arg15[%add3A_59, %add3A_273] : memref<256x128xf32, #tpu.memory_space<vmem>>[vector<16xi32>, vector<16xi32>], vector<16xf32>,
      %mul3A_275 = arith.mulf %gather3A_270, %gather3A_274 : vector<16xf32>
      %add3A_276 = arith.addf %add3A_236, %mul3A_275 : vector<16xf32>
      %add3A_277 = arith.constant 18 : i32
      %add3A_278 = vector.broadcast %add3A_277 : i32 to vector<16xi32>
      %add3A_279 = arith.addi %shift_left3A_69, %add3A_278 : vector<16xi32>
      %gather3A_280 = tpu.vector_load_idx %arg14[%add3A_59, %add3A_279] : memref<256x128xf32, #tpu.memory_space<vmem>>[vector<16xi32>, vector<16xi32>], vector<16xf32>,
      %add3A_281 = arith.constant 18 : i32
      %add3A_282 = vector.broadcast %add3A_281 : i32 to vector<16xi32>
      %add3A_283 = arith.addi %shift_left3A_82, %add3A_282 : vector<16xi32>
      %gather3A_284 = tpu.vector_load_idx %arg15[%add3A_59, %add3A_283] : memref<256x128xf32, #tpu.memory_space<vmem>>[vector<16xi32>, vector<16xi32>], vector<16xf32>,
      %mul3A_285 = arith.mulf %gather3A_280, %gather3A_284 : vector<16xf32>
      %add3A_286 = arith.addf %add3A_246, %mul3A_285 : vector<16xf32>
      %add3A_287 = arith.constant 19 : i32
      %add3A_288 = vector.broadcast %add3A_287 : i32 to vector<16xi32>
      %add3A_289 = arith.addi %shift_left3A_69, %add3A_288 : vector<16xi32>
      %gather3A_290 = tpu.vector_load_idx %arg14[%add3A_59, %add3A_289] : memref<256x128xf32, #tpu.memory_space<vmem>>[vector<16xi32>, vector<16xi32>], vector<16xf32>,
      %add3A_291 = arith.constant 19 : i32
      %add3A_292 = vector.broadcast %add3A_291 : i32 to vector<16xi32>
      %add3A_293 = arith.addi %shift_left3A_82, %add3A_292 : vector<16xi32>
      %gather3A_294 = tpu.vector_load_idx %arg15[%add3A_59, %add3A_293] : memref<256x128xf32, #tpu.memory_space<vmem>>[vector<16xi32>, vector<16xi32>], vector<16xf32>,
      %mul3A_295 = arith.mulf %gather3A_290, %gather3A_294 : vector<16xf32>
      %add3A_296 = arith.addf %add3A_256, %mul3A_295 : vector<16xf32>
      %add3A_297 = arith.constant 20 : i32
      %add3A_298 = vector.broadcast %add3A_297 : i32 to vector<16xi32>
      %add3A_299 = arith.addi %shift_left3A_69, %add3A_298 : vector<16xi32>
      %gather3A_300 = tpu.vector_load_idx %arg14[%add3A_59, %add3A_299] : memref<256x128xf32, #tpu.memory_space<vmem>>[vector<16xi32>, vector<16xi32>], vector<16xf32>,
      %add3A_301 = arith.constant 20 : i32
      %add3A_302 = vector.broadcast %add3A_301 : i32 to vector<16xi32>
      %add3A_303 = arith.addi %shift_left3A_82, %add3A_302 : vector<16xi32>
      %gather3A_304 = tpu.vector_load_idx %arg15[%add3A_59, %add3A_303] : memref<256x128xf32, #tpu.memory_space<vmem>>[vector<16xi32>, vector<16xi32>], vector<16xf32>,
      %mul3A_305 = arith.mulf %gather3A_300, %gather3A_304 : vector<16xf32>
      %add3A_306 = arith.addf %add3A_266, %mul3A_305 : vector<16xf32>
      %add3A_307 = arith.constant 21 : i32
      %add3A_308 = vector.broadcast %add3A_307 : i32 to vector<16xi32>
      %add3A_309 = arith.addi %shift_left3A_69, %add3A_308 : vector<16xi32>
      %gather3A_310 = tpu.vector_load_idx %arg14[%add3A_59, %add3A_309] : memref<256x128xf32, #tpu.memory_space<vmem>>[vector<16xi32>, vector<16xi32>], vector<16xf32>,
      %add3A_311 = arith.constant 21 : i32
      %add3A_312 = vector.broadcast %add3A_311 : i32 to vector<16xi32>
      %add3A_313 = arith.addi %shift_left3A_82, %add3A_312 : vector<16xi32>
      %gather3A_314 = tpu.vector_load_idx %arg15[%add3A_59, %add3A_313] : memref<256x128xf32, #tpu.memory_space<vmem>>[vector<16xi32>, vector<16xi32>], vector<16xf32>,
      %mul3A_315 = arith.mulf %gather3A_310, %gather3A_314 : vector<16xf32>
      %add3A_316 = arith.addf %add3A_276, %mul3A_315 : vector<16xf32>
      %add3A_317 = arith.constant 22 : i32
      %add3A_318 = vector.broadcast %add3A_317 : i32 to vector<16xi32>
      %add3A_319 = arith.addi %shift_left3A_69, %add3A_318 : vector<16xi32>
      %gather3A_320 = tpu.vector_load_idx %arg14[%add3A_59, %add3A_319] : memref<256x128xf32, #tpu.memory_space<vmem>>[vector<16xi32>, vector<16xi32>], vector<16xf32>,
      %add3A_321 = arith.constant 22 : i32
      %add3A_322 = vector.broadcast %add3A_321 : i32 to vector<16xi32>
      %add3A_323 = arith.addi %shift_left3A_82, %add3A_322 : vector<16xi32>
      %gather3A_324 = tpu.vector_load_idx %arg15[%add3A_59, %add3A_323] : memref<256x128xf32, #tpu.memory_space<vmem>>[vector<16xi32>, vector<16xi32>], vector<16xf32>,
      %mul3A_325 = arith.mulf %gather3A_320, %gather3A_324 : vector<16xf32>
      %add3A_326 = arith.addf %add3A_286, %mul3A_325 : vector<16xf32>
      %add3A_327 = arith.constant 23 : i32
      %add3A_328 = vector.broadcast %add3A_327 : i32 to vector<16xi32>
      %add3A_329 = arith.addi %shift_left3A_69, %add3A_328 : vector<16xi32>
      %gather3A_330 = tpu.vector_load_idx %arg14[%add3A_59, %add3A_329] : memref<256x128xf32, #tpu.memory_space<vmem>>[vector<16xi32>, vector<16xi32>], vector<16xf32>,
      %add3A_331 = arith.constant 23 : i32
      %add3A_332 = vector.broadcast %add3A_331 : i32 to vector<16xi32>
      %add3A_333 = arith.addi %shift_left3A_82, %add3A_332 : vector<16xi32>
      %gather3A_334 = tpu.vector_load_idx %arg15[%add3A_59, %add3A_333] : memref<256x128xf32, #tpu.memory_space<vmem>>[vector<16xi32>, vector<16xi32>], vector<16xf32>,
      %mul3A_335 = arith.mulf %gather3A_330, %gather3A_334 : vector<16xf32>
      %add3A_336 = arith.addf %add3A_296, %mul3A_335 : vector<16xf32>
      %add3A_337 = arith.constant 24 : i32
      %add3A_338 = vector.broadcast %add3A_337 : i32 to vector<16xi32>
      %add3A_339 = arith.addi %shift_left3A_69, %add3A_338 : vector<16xi32>
      %gather3A_340 = tpu.vector_load_idx %arg14[%add3A_59, %add3A_339] : memref<256x128xf32, #tpu.memory_space<vmem>>[vector<16xi32>, vector<16xi32>], vector<16xf32>,
      %add3A_341 = arith.constant 24 : i32
      %add3A_342 = vector.broadcast %add3A_341 : i32 to vector<16xi32>
      %add3A_343 = arith.addi %shift_left3A_82, %add3A_342 : vector<16xi32>
      %gather3A_344 = tpu.vector_load_idx %arg15[%add3A_59, %add3A_343] : memref<256x128xf32, #tpu.memory_space<vmem>>[vector<16xi32>, vector<16xi32>], vector<16xf32>,
      %mul3A_345 = arith.mulf %gather3A_340, %gather3A_344 : vector<16xf32>
      %add3A_346 = arith.addf %add3A_306, %mul3A_345 : vector<16xf32>
      %add3A_347 = arith.constant 25 : i32
      %add3A_348 = vector.broadcast %add3A_347 : i32 to vector<16xi32>
      %add3A_349 = arith.addi %shift_left3A_69, %add3A_348 : vector<16xi32>
      %gather3A_350 = tpu.vector_load_idx %arg14[%add3A_59, %add3A_349] : memref<256x128xf32, #tpu.memory_space<vmem>>[vector<16xi32>, vector<16xi32>], vector<16xf32>,
      %add3A_351 = arith.constant 25 : i32
      %add3A_352 = vector.broadcast %add3A_351 : i32 to vector<16xi32>
      %add3A_353 = arith.addi %shift_left3A_82, %add3A_352 : vector<16xi32>
      %gather3A_354 = tpu.vector_load_idx %arg15[%add3A_59, %add3A_353] : memref<256x128xf32, #tpu.memory_space<vmem>>[vector<16xi32>, vector<16xi32>], vector<16xf32>,
      %mul3A_355 = arith.mulf %gather3A_350, %gather3A_354 : vector<16xf32>
      %add3A_356 = arith.addf %add3A_316, %mul3A_355 : vector<16xf32>
      %add3A_357 = arith.constant 26 : i32
      %add3A_358 = vector.broadcast %add3A_357 : i32 to vector<16xi32>
      %add3A_359 = arith.addi %shift_left3A_69, %add3A_358 : vector<16xi32>
      %gather3A_360 = tpu.vector_load_idx %arg14[%add3A_59, %add3A_359] : memref<256x128xf32, #tpu.memory_space<vmem>>[vector<16xi32>, vector<16xi32>], vector<16xf32>,
      %add3A_361 = arith.constant 26 : i32
      %add3A_362 = vector.broadcast %add3A_361 : i32 to vector<16xi32>
      %add3A_363 = arith.addi %shift_left3A_82, %add3A_362 : vector<16xi32>
      %gather3A_364 = tpu.vector_load_idx %arg15[%add3A_59, %add3A_363] : memref<256x128xf32, #tpu.memory_space<vmem>>[vector<16xi32>, vector<16xi32>], vector<16xf32>,
      %mul3A_365 = arith.mulf %gather3A_360, %gather3A_364 : vector<16xf32>
      %add3A_366 = arith.addf %add3A_326, %mul3A_365 : vector<16xf32>
      %add3A_367 = arith.constant 27 : i32
      %add3A_368 = vector.broadcast %add3A_367 : i32 to vector<16xi32>
      %add3A_369 = arith.addi %shift_left3A_69, %add3A_368 : vector<16xi32>
      %gather3A_370 = tpu.vector_load_idx %arg14[%add3A_59, %add3A_369] : memref<256x128xf32, #tpu.memory_space<vmem>>[vector<16xi32>, vector<16xi32>], vector<16xf32>,
      %add3A_371 = arith.constant 27 : i32
      %add3A_372 = vector.broadcast %add3A_371 : i32 to vector<16xi32>
      %add3A_373 = arith.addi %shift_left3A_82, %add3A_372 : vector<16xi32>
      %gather3A_374 = tpu.vector_load_idx %arg15[%add3A_59, %add3A_373] : memref<256x128xf32, #tpu.memory_space<vmem>>[vector<16xi32>, vector<16xi32>], vector<16xf32>,
      %mul3A_375 = arith.mulf %gather3A_370, %gather3A_374 : vector<16xf32>
      %add3A_376 = arith.addf %add3A_336, %mul3A_375 : vector<16xf32>
      %add3A_377 = arith.constant 28 : i32
      %add3A_378 = vector.broadcast %add3A_377 : i32 to vector<16xi32>
      %add3A_379 = arith.addi %shift_left3A_69, %add3A_378 : vector<16xi32>
      %gather3A_380 = tpu.vector_load_idx %arg14[%add3A_59, %add3A_379] : memref<256x128xf32, #tpu.memory_space<vmem>>[vector<16xi32>, vector<16xi32>], vector<16xf32>,
      %add3A_381 = arith.constant 28 : i32
      %add3A_382 = vector.broadcast %add3A_381 : i32 to vector<16xi32>
      %add3A_383 = arith.addi %shift_left3A_82, %add3A_382 : vector<16xi32>
      %gather3A_384 = tpu.vector_load_idx %arg15[%add3A_59, %add3A_383] : memref<256x128xf32, #tpu.memory_space<vmem>>[vector<16xi32>, vector<16xi32>], vector<16xf32>,
      %mul3A_385 = arith.mulf %gather3A_380, %gather3A_384 : vector<16xf32>
      %add3A_386 = arith.addf %add3A_346, %mul3A_385 : vector<16xf32>
      %add3A_387 = arith.constant 29 : i32
      %add3A_388 = vector.broadcast %add3A_387 : i32 to vector<16xi32>
      %add3A_389 = arith.addi %shift_left3A_69, %add3A_388 : vector<16xi32>
      %gather3A_390 = tpu.vector_load_idx %arg14[%add3A_59, %add3A_389] : memref<256x128xf32, #tpu.memory_space<vmem>>[vector<16xi32>, vector<16xi32>], vector<16xf32>,
      %add3A_391 = arith.constant 29 : i32
      %add3A_392 = vector.broadcast %add3A_391 : i32 to vector<16xi32>
      %add3A_393 = arith.addi %shift_left3A_82, %add3A_392 : vector<16xi32>
      %gather3A_394 = tpu.vector_load_idx %arg15[%add3A_59, %add3A_393] : memref<256x128xf32, #tpu.memory_space<vmem>>[vector<16xi32>, vector<16xi32>], vector<16xf32>,
      %mul3A_395 = arith.mulf %gather3A_390, %gather3A_394 : vector<16xf32>
      %add3A_396 = arith.addf %add3A_356, %mul3A_395 : vector<16xf32>
      %add3A_397 = arith.constant 30 : i32
      %add3A_398 = vector.broadcast %add3A_397 : i32 to vector<16xi32>
      %add3A_399 = arith.addi %shift_left3A_69, %add3A_398 : vector<16xi32>
      %gather3A_400 = tpu.vector_load_idx %arg14[%add3A_59, %add3A_399] : memref<256x128xf32, #tpu.memory_space<vmem>>[vector<16xi32>, vector<16xi32>], vector<16xf32>,
      %add3A_401 = arith.constant 30 : i32
      %add3A_402 = vector.broadcast %add3A_401 : i32 to vector<16xi32>
      %add3A_403 = arith.addi %shift_left3A_82, %add3A_402 : vector<16xi32>
      %gather3A_404 = tpu.vector_load_idx %arg15[%add3A_59, %add3A_403] : memref<256x128xf32, #tpu.memory_space<vmem>>[vector<16xi32>, vector<16xi32>], vector<16xf32>,
      %mul3A_405 = arith.mulf %gather3A_400, %gather3A_404 : vector<16xf32>
      %add3A_406 = arith.addf %add3A_366, %mul3A_405 : vector<16xf32>
      %add3A_407 = arith.constant 31 : i32
      %add3A_408 = vector.broadcast %add3A_407 : i32 to vector<16xi32>
      %add3A_409 = arith.addi %shift_left3A_69, %add3A_408 : vector<16xi32>
      %gather3A_410 = tpu.vector_load_idx %arg14[%add3A_59, %add3A_409] : memref<256x128xf32, #tpu.memory_space<vmem>>[vector<16xi32>, vector<16xi32>], vector<16xf32>,
      %add3A_411 = arith.constant 31 : i32
      %add3A_412 = vector.broadcast %add3A_411 : i32 to vector<16xi32>
      %add3A_413 = arith.addi %shift_left3A_82, %add3A_412 : vector<16xi32>
      %gather3A_414 = tpu.vector_load_idx %arg15[%add3A_59, %add3A_413] : memref<256x128xf32, #tpu.memory_space<vmem>>[vector<16xi32>, vector<16xi32>], vector<16xf32>,
      %mul3A_415 = arith.mulf %gather3A_410, %gather3A_414 : vector<16xf32>
      %add3A_416 = arith.addf %add3A_376, %mul3A_415 : vector<16xf32>
      %add3A_417 = arith.constant 32 : i32
      %add3A_418 = vector.broadcast %add3A_417 : i32 to vector<16xi32>
      %add3A_419 = arith.addi %shift_left3A_69, %add3A_418 : vector<16xi32>
      %gather3A_420 = tpu.vector_load_idx %arg14[%add3A_59, %add3A_419] : memref<256x128xf32, #tpu.memory_space<vmem>>[vector<16xi32>, vector<16xi32>], vector<16xf32>,
      %add3A_421 = arith.constant 32 : i32
      %add3A_422 = vector.broadcast %add3A_421 : i32 to vector<16xi32>
      %add3A_423 = arith.addi %shift_left3A_82, %add3A_422 : vector<16xi32>
      %gather3A_424 = tpu.vector_load_idx %arg15[%add3A_59, %add3A_423] : memref<256x128xf32, #tpu.memory_space<vmem>>[vector<16xi32>, vector<16xi32>], vector<16xf32>,
      %mul3A_425 = arith.mulf %gather3A_420, %gather3A_424 : vector<16xf32>
      %add3A_426 = arith.addf %add3A_386, %mul3A_425 : vector<16xf32>
      %add3A_427 = arith.constant 33 : i32
      %add3A_428 = vector.broadcast %add3A_427 : i32 to vector<16xi32>
      %add3A_429 = arith.addi %shift_left3A_69, %add3A_428 : vector<16xi32>
      %gather3A_430 = tpu.vector_load_idx %arg14[%add3A_59, %add3A_429] : memref<256x128xf32, #tpu.memory_space<vmem>>[vector<16xi32>, vector<16xi32>], vector<16xf32>,
      %add3A_431 = arith.constant 33 : i32
      %add3A_432 = vector.broadcast %add3A_431 : i32 to vector<16xi32>
      %add3A_433 = arith.addi %shift_left3A_82, %add3A_432 : vector<16xi32>
      %gather3A_434 = tpu.vector_load_idx %arg15[%add3A_59, %add3A_433] : memref<256x128xf32, #tpu.memory_space<vmem>>[vector<16xi32>, vector<16xi32>], vector<16xf32>,
      %mul3A_435 = arith.mulf %gather3A_430, %gather3A_434 : vector<16xf32>
      %add3A_436 = arith.addf %add3A_396, %mul3A_435 : vector<16xf32>
      %add3A_437 = arith.constant 34 : i32
      %add3A_438 = vector.broadcast %add3A_437 : i32 to vector<16xi32>
      %add3A_439 = arith.addi %shift_left3A_69, %add3A_438 : vector<16xi32>
      %gather3A_440 = tpu.vector_load_idx %arg14[%add3A_59, %add3A_439] : memref<256x128xf32, #tpu.memory_space<vmem>>[vector<16xi32>, vector<16xi32>], vector<16xf32>,
      %add3A_441 = arith.constant 34 : i32
      %add3A_442 = vector.broadcast %add3A_441 : i32 to vector<16xi32>
      %add3A_443 = arith.addi %shift_left3A_82, %add3A_442 : vector<16xi32>
      %gather3A_444 = tpu.vector_load_idx %arg15[%add3A_59, %add3A_443] : memref<256x128xf32, #tpu.memory_space<vmem>>[vector<16xi32>, vector<16xi32>], vector<16xf32>,
      %mul3A_445 = arith.mulf %gather3A_440, %gather3A_444 : vector<16xf32>
      %add3A_446 = arith.addf %add3A_406, %mul3A_445 : vector<16xf32>
      %add3A_447 = arith.constant 35 : i32
      %add3A_448 = vector.broadcast %add3A_447 : i32 to vector<16xi32>
      %add3A_449 = arith.addi %shift_left3A_69, %add3A_448 : vector<16xi32>
      %gather3A_450 = tpu.vector_load_idx %arg14[%add3A_59, %add3A_449] : memref<256x128xf32, #tpu.memory_space<vmem>>[vector<16xi32>, vector<16xi32>], vector<16xf32>,
      %add3A_451 = arith.constant 35 : i32
      %add3A_452 = vector.broadcast %add3A_451 : i32 to vector<16xi32>
      %add3A_453 = arith.addi %shift_left3A_82, %add3A_452 : vector<16xi32>
      %gather3A_454 = tpu.vector_load_idx %arg15[%add3A_59, %add3A_453] : memref<256x128xf32, #tpu.memory_space<vmem>>[vector<16xi32>, vector<16xi32>], vector<16xf32>,
      %mul3A_455 = arith.mulf %gather3A_450, %gather3A_454 : vector<16xf32>
      %add3A_456 = arith.addf %add3A_416, %mul3A_455 : vector<16xf32>
      %add3A_457 = arith.constant 36 : i32
      %add3A_458 = vector.broadcast %add3A_457 : i32 to vector<16xi32>
      %add3A_459 = arith.addi %shift_left3A_69, %add3A_458 : vector<16xi32>
      %gather3A_460 = tpu.vector_load_idx %arg14[%add3A_59, %add3A_459] : memref<256x128xf32, #tpu.memory_space<vmem>>[vector<16xi32>, vector<16xi32>], vector<16xf32>,
      %add3A_461 = arith.constant 36 : i32
      %add3A_462 = vector.broadcast %add3A_461 : i32 to vector<16xi32>
      %add3A_463 = arith.addi %shift_left3A_82, %add3A_462 : vector<16xi32>
      %gather3A_464 = tpu.vector_load_idx %arg15[%add3A_59, %add3A_463] : memref<256x128xf32, #tpu.memory_space<vmem>>[vector<16xi32>, vector<16xi32>], vector<16xf32>,
      %mul3A_465 = arith.mulf %gather3A_460, %gather3A_464 : vector<16xf32>
      %add3A_466 = arith.addf %add3A_426, %mul3A_465 : vector<16xf32>
      %add3A_467 = arith.constant 37 : i32
      %add3A_468 = vector.broadcast %add3A_467 : i32 to vector<16xi32>
      %add3A_469 = arith.addi %shift_left3A_69, %add3A_468 : vector<16xi32>
      %gather3A_470 = tpu.vector_load_idx %arg14[%add3A_59, %add3A_469] : memref<256x128xf32, #tpu.memory_space<vmem>>[vector<16xi32>, vector<16xi32>], vector<16xf32>,
      %add3A_471 = arith.constant 37 : i32
      %add3A_472 = vector.broadcast %add3A_471 : i32 to vector<16xi32>
      %add3A_473 = arith.addi %shift_left3A_82, %add3A_472 : vector<16xi32>
      %gather3A_474 = tpu.vector_load_idx %arg15[%add3A_59, %add3A_473] : memref<256x128xf32, #tpu.memory_space<vmem>>[vector<16xi32>, vector<16xi32>], vector<16xf32>,
      %mul3A_475 = arith.mulf %gather3A_470, %gather3A_474 : vector<16xf32>
      %add3A_476 = arith.addf %add3A_436, %mul3A_475 : vector<16xf32>
      %add3A_477 = arith.constant 38 : i32
      %add3A_478 = vector.broadcast %add3A_477 : i32 to vector<16xi32>
      %add3A_479 = arith.addi %shift_left3A_69, %add3A_478 : vector<16xi32>
      %gather3A_480 = tpu.vector_load_idx %arg14[%add3A_59, %add3A_479] : memref<256x128xf32, #tpu.memory_space<vmem>>[vector<16xi32>, vector<16xi32>], vector<16xf32>,
      %add3A_481 = arith.constant 38 : i32
      %add3A_482 = vector.broadcast %add3A_481 : i32 to vector<16xi32>
      %add3A_483 = arith.addi %shift_left3A_82, %add3A_482 : vector<16xi32>
      %gather3A_484 = tpu.vector_load_idx %arg15[%add3A_59, %add3A_483] : memref<256x128xf32, #tpu.memory_space<vmem>>[vector<16xi32>, vector<16xi32>], vector<16xf32>,
      %mul3A_485 = arith.mulf %gather3A_480, %gather3A_484 : vector<16xf32>
      %add3A_486 = arith.addf %add3A_446, %mul3A_485 : vector<16xf32>
      %add3A_487 = arith.constant 39 : i32
      %add3A_488 = vector.broadcast %add3A_487 : i32 to vector<16xi32>
      %add3A_489 = arith.addi %shift_left3A_69, %add3A_488 : vector<16xi32>
      %gather3A_490 = tpu.vector_load_idx %arg14[%add3A_59, %add3A_489] : memref<256x128xf32, #tpu.memory_space<vmem>>[vector<16xi32>, vector<16xi32>], vector<16xf32>,
      %add3A_491 = arith.constant 39 : i32
      %add3A_492 = vector.broadcast %add3A_491 : i32 to vector<16xi32>
      %add3A_493 = arith.addi %shift_left3A_82, %add3A_492 : vector<16xi32>
      %gather3A_494 = tpu.vector_load_idx %arg15[%add3A_59, %add3A_493] : memref<256x128xf32, #tpu.memory_space<vmem>>[vector<16xi32>, vector<16xi32>], vector<16xf32>,
      %mul3A_495 = arith.mulf %gather3A_490, %gather3A_494 : vector<16xf32>
      %add3A_496 = arith.addf %add3A_456, %mul3A_495 : vector<16xf32>
      %add3A_497 = arith.constant 40 : i32
      %add3A_498 = vector.broadcast %add3A_497 : i32 to vector<16xi32>
      %add3A_499 = arith.addi %shift_left3A_69, %add3A_498 : vector<16xi32>
      %gather3A_500 = tpu.vector_load_idx %arg14[%add3A_59, %add3A_499] : memref<256x128xf32, #tpu.memory_space<vmem>>[vector<16xi32>, vector<16xi32>], vector<16xf32>,
      %add3A_501 = arith.constant 40 : i32
      %add3A_502 = vector.broadcast %add3A_501 : i32 to vector<16xi32>
      %add3A_503 = arith.addi %shift_left3A_82, %add3A_502 : vector<16xi32>
      %gather3A_504 = tpu.vector_load_idx %arg15[%add3A_59, %add3A_503] : memref<256x128xf32, #tpu.memory_space<vmem>>[vector<16xi32>, vector<16xi32>], vector<16xf32>,
      %mul3A_505 = arith.mulf %gather3A_500, %gather3A_504 : vector<16xf32>
      %add3A_506 = arith.addf %add3A_466, %mul3A_505 : vector<16xf32>
      %add3A_507 = arith.constant 41 : i32
      %add3A_508 = vector.broadcast %add3A_507 : i32 to vector<16xi32>
      %add3A_509 = arith.addi %shift_left3A_69, %add3A_508 : vector<16xi32>
      %gather3A_510 = tpu.vector_load_idx %arg14[%add3A_59, %add3A_509] : memref<256x128xf32, #tpu.memory_space<vmem>>[vector<16xi32>, vector<16xi32>], vector<16xf32>,
      %add3A_511 = arith.constant 41 : i32
      %add3A_512 = vector.broadcast %add3A_511 : i32 to vector<16xi32>
      %add3A_513 = arith.addi %shift_left3A_82, %add3A_512 : vector<16xi32>
      %gather3A_514 = tpu.vector_load_idx %arg15[%add3A_59, %add3A_513] : memref<256x128xf32, #tpu.memory_space<vmem>>[vector<16xi32>, vector<16xi32>], vector<16xf32>,
      %mul3A_515 = arith.mulf %gather3A_510, %gather3A_514 : vector<16xf32>
      %add3A_516 = arith.addf %add3A_476, %mul3A_515 : vector<16xf32>
      %add3A_517 = arith.constant 42 : i32
      %add3A_518 = vector.broadcast %add3A_517 : i32 to vector<16xi32>
      %add3A_519 = arith.addi %shift_left3A_69, %add3A_518 : vector<16xi32>
      %gather3A_520 = tpu.vector_load_idx %arg14[%add3A_59, %add3A_519] : memref<256x128xf32, #tpu.memory_space<vmem>>[vector<16xi32>, vector<16xi32>], vector<16xf32>,
      %add3A_521 = arith.constant 42 : i32
      %add3A_522 = vector.broadcast %add3A_521 : i32 to vector<16xi32>
      %add3A_523 = arith.addi %shift_left3A_82, %add3A_522 : vector<16xi32>
      %gather3A_524 = tpu.vector_load_idx %arg15[%add3A_59, %add3A_523] : memref<256x128xf32, #tpu.memory_space<vmem>>[vector<16xi32>, vector<16xi32>], vector<16xf32>,
      %mul3A_525 = arith.mulf %gather3A_520, %gather3A_524 : vector<16xf32>
      %add3A_526 = arith.addf %add3A_486, %mul3A_525 : vector<16xf32>
      %add3A_527 = arith.constant 43 : i32
      %add3A_528 = vector.broadcast %add3A_527 : i32 to vector<16xi32>
      %add3A_529 = arith.addi %shift_left3A_69, %add3A_528 : vector<16xi32>
      %gather3A_530 = tpu.vector_load_idx %arg14[%add3A_59, %add3A_529] : memref<256x128xf32, #tpu.memory_space<vmem>>[vector<16xi32>, vector<16xi32>], vector<16xf32>,
      %add3A_531 = arith.constant 43 : i32
      %add3A_532 = vector.broadcast %add3A_531 : i32 to vector<16xi32>
      %add3A_533 = arith.addi %shift_left3A_82, %add3A_532 : vector<16xi32>
      %gather3A_534 = tpu.vector_load_idx %arg15[%add3A_59, %add3A_533] : memref<256x128xf32, #tpu.memory_space<vmem>>[vector<16xi32>, vector<16xi32>], vector<16xf32>,
      %mul3A_535 = arith.mulf %gather3A_530, %gather3A_534 : vector<16xf32>
      %add3A_536 = arith.addf %add3A_496, %mul3A_535 : vector<16xf32>
      %add3A_537 = arith.constant 44 : i32
      %add3A_538 = vector.broadcast %add3A_537 : i32 to vector<16xi32>
      %add3A_539 = arith.addi %shift_left3A_69, %add3A_538 : vector<16xi32>
      %gather3A_540 = tpu.vector_load_idx %arg14[%add3A_59, %add3A_539] : memref<256x128xf32, #tpu.memory_space<vmem>>[vector<16xi32>, vector<16xi32>], vector<16xf32>,
      %add3A_541 = arith.constant 44 : i32
      %add3A_542 = vector.broadcast %add3A_541 : i32 to vector<16xi32>
      %add3A_543 = arith.addi %shift_left3A_82, %add3A_542 : vector<16xi32>
      %gather3A_544 = tpu.vector_load_idx %arg15[%add3A_59, %add3A_543] : memref<256x128xf32, #tpu.memory_space<vmem>>[vector<16xi32>, vector<16xi32>], vector<16xf32>,
      %mul3A_545 = arith.mulf %gather3A_540, %gather3A_544 : vector<16xf32>
      %add3A_546 = arith.addf %add3A_506, %mul3A_545 : vector<16xf32>
      %add3A_547 = arith.constant 45 : i32
      %add3A_548 = vector.broadcast %add3A_547 : i32 to vector<16xi32>
      %add3A_549 = arith.addi %shift_left3A_69, %add3A_548 : vector<16xi32>
      %gather3A_550 = tpu.vector_load_idx %arg14[%add3A_59, %add3A_549] : memref<256x128xf32, #tpu.memory_space<vmem>>[vector<16xi32>, vector<16xi32>], vector<16xf32>,
      %add3A_551 = arith.constant 45 : i32
      %add3A_552 = vector.broadcast %add3A_551 : i32 to vector<16xi32>
      %add3A_553 = arith.addi %shift_left3A_82, %add3A_552 : vector<16xi32>
      %gather3A_554 = tpu.vector_load_idx %arg15[%add3A_59, %add3A_553] : memref<256x128xf32, #tpu.memory_space<vmem>>[vector<16xi32>, vector<16xi32>], vector<16xf32>,
      %mul3A_555 = arith.mulf %gather3A_550, %gather3A_554 : vector<16xf32>
      %add3A_556 = arith.addf %add3A_516, %mul3A_555 : vector<16xf32>
      %add3A_557 = arith.constant 46 : i32
      %add3A_558 = vector.broadcast %add3A_557 : i32 to vector<16xi32>
      %add3A_559 = arith.addi %shift_left3A_69, %add3A_558 : vector<16xi32>
      %gather3A_560 = tpu.vector_load_idx %arg14[%add3A_59, %add3A_559] : memref<256x128xf32, #tpu.memory_space<vmem>>[vector<16xi32>, vector<16xi32>], vector<16xf32>,
      %add3A_561 = arith.constant 46 : i32
      %add3A_562 = vector.broadcast %add3A_561 : i32 to vector<16xi32>
      %add3A_563 = arith.addi %shift_left3A_82, %add3A_562 : vector<16xi32>
      %gather3A_564 = tpu.vector_load_idx %arg15[%add3A_59, %add3A_563] : memref<256x128xf32, #tpu.memory_space<vmem>>[vector<16xi32>, vector<16xi32>], vector<16xf32>,
      %mul3A_565 = arith.mulf %gather3A_560, %gather3A_564 : vector<16xf32>
      %add3A_566 = arith.addf %add3A_526, %mul3A_565 : vector<16xf32>
      %add3A_567 = arith.constant 47 : i32
      %add3A_568 = vector.broadcast %add3A_567 : i32 to vector<16xi32>
      %add3A_569 = arith.addi %shift_left3A_69, %add3A_568 : vector<16xi32>
      %gather3A_570 = tpu.vector_load_idx %arg14[%add3A_59, %add3A_569] : memref<256x128xf32, #tpu.memory_space<vmem>>[vector<16xi32>, vector<16xi32>], vector<16xf32>,
      %add3A_571 = arith.constant 47 : i32
      %add3A_572 = vector.broadcast %add3A_571 : i32 to vector<16xi32>
      %add3A_573 = arith.addi %shift_left3A_82, %add3A_572 : vector<16xi32>
      %gather3A_574 = tpu.vector_load_idx %arg15[%add3A_59, %add3A_573] : memref<256x128xf32, #tpu.memory_space<vmem>>[vector<16xi32>, vector<16xi32>], vector<16xf32>,
      %mul3A_575 = arith.mulf %gather3A_570, %gather3A_574 : vector<16xf32>
      %add3A_576 = arith.addf %add3A_536, %mul3A_575 : vector<16xf32>
      %add3A_577 = arith.constant 48 : i32
      %add3A_578 = vector.broadcast %add3A_577 : i32 to vector<16xi32>
      %add3A_579 = arith.addi %shift_left3A_69, %add3A_578 : vector<16xi32>
      %gather3A_580 = tpu.vector_load_idx %arg14[%add3A_59, %add3A_579] : memref<256x128xf32, #tpu.memory_space<vmem>>[vector<16xi32>, vector<16xi32>], vector<16xf32>,
      %add3A_581 = arith.constant 48 : i32
      %add3A_582 = vector.broadcast %add3A_581 : i32 to vector<16xi32>
      %add3A_583 = arith.addi %shift_left3A_82, %add3A_582 : vector<16xi32>
      %gather3A_584 = tpu.vector_load_idx %arg15[%add3A_59, %add3A_583] : memref<256x128xf32, #tpu.memory_space<vmem>>[vector<16xi32>, vector<16xi32>], vector<16xf32>,
      %mul3A_585 = arith.mulf %gather3A_580, %gather3A_584 : vector<16xf32>
      %add3A_586 = arith.addf %add3A_546, %mul3A_585 : vector<16xf32>
      %add3A_587 = arith.constant 49 : i32
      %add3A_588 = vector.broadcast %add3A_587 : i32 to vector<16xi32>
      %add3A_589 = arith.addi %shift_left3A_69, %add3A_588 : vector<16xi32>
      %gather3A_590 = tpu.vector_load_idx %arg14[%add3A_59, %add3A_589] : memref<256x128xf32, #tpu.memory_space<vmem>>[vector<16xi32>, vector<16xi32>], vector<16xf32>,
      %add3A_591 = arith.constant 49 : i32
      %add3A_592 = vector.broadcast %add3A_591 : i32 to vector<16xi32>
      %add3A_593 = arith.addi %shift_left3A_82, %add3A_592 : vector<16xi32>
      %gather3A_594 = tpu.vector_load_idx %arg15[%add3A_59, %add3A_593] : memref<256x128xf32, #tpu.memory_space<vmem>>[vector<16xi32>, vector<16xi32>], vector<16xf32>,
      %mul3A_595 = arith.mulf %gather3A_590, %gather3A_594 : vector<16xf32>
      %add3A_596 = arith.addf %add3A_556, %mul3A_595 : vector<16xf32>
      %add3A_597 = arith.constant 50 : i32
      %add3A_598 = vector.broadcast %add3A_597 : i32 to vector<16xi32>
      %add3A_599 = arith.addi %shift_left3A_69, %add3A_598 : vector<16xi32>
      %gather3A_600 = tpu.vector_load_idx %arg14[%add3A_59, %add3A_599] : memref<256x128xf32, #tpu.memory_space<vmem>>[vector<16xi32>, vector<16xi32>], vector<16xf32>,
      %add3A_601 = arith.constant 50 : i32
      %add3A_602 = vector.broadcast %add3A_601 : i32 to vector<16xi32>
      %add3A_603 = arith.addi %shift_left3A_82, %add3A_602 : vector<16xi32>
      %gather3A_604 = tpu.vector_load_idx %arg15[%add3A_59, %add3A_603] : memref<256x128xf32, #tpu.memory_space<vmem>>[vector<16xi32>, vector<16xi32>], vector<16xf32>,
      %mul3A_605 = arith.mulf %gather3A_600, %gather3A_604 : vector<16xf32>
      %add3A_606 = arith.addf %add3A_566, %mul3A_605 : vector<16xf32>
      %add3A_607 = arith.constant 51 : i32
      %add3A_608 = vector.broadcast %add3A_607 : i32 to vector<16xi32>
      %add3A_609 = arith.addi %shift_left3A_69, %add3A_608 : vector<16xi32>
      %gather3A_610 = tpu.vector_load_idx %arg14[%add3A_59, %add3A_609] : memref<256x128xf32, #tpu.memory_space<vmem>>[vector<16xi32>, vector<16xi32>], vector<16xf32>,
      %add3A_611 = arith.constant 51 : i32
      %add3A_612 = vector.broadcast %add3A_611 : i32 to vector<16xi32>
      %add3A_613 = arith.addi %shift_left3A_82, %add3A_612 : vector<16xi32>
      %gather3A_614 = tpu.vector_load_idx %arg15[%add3A_59, %add3A_613] : memref<256x128xf32, #tpu.memory_space<vmem>>[vector<16xi32>, vector<16xi32>], vector<16xf32>,
      %mul3A_615 = arith.mulf %gather3A_610, %gather3A_614 : vector<16xf32>
      %add3A_616 = arith.addf %add3A_576, %mul3A_615 : vector<16xf32>
      %add3A_617 = arith.constant 52 : i32
      %add3A_618 = vector.broadcast %add3A_617 : i32 to vector<16xi32>
      %add3A_619 = arith.addi %shift_left3A_69, %add3A_618 : vector<16xi32>
      %gather3A_620 = tpu.vector_load_idx %arg14[%add3A_59, %add3A_619] : memref<256x128xf32, #tpu.memory_space<vmem>>[vector<16xi32>, vector<16xi32>], vector<16xf32>,
      %add3A_621 = arith.constant 52 : i32
      %add3A_622 = vector.broadcast %add3A_621 : i32 to vector<16xi32>
      %add3A_623 = arith.addi %shift_left3A_82, %add3A_622 : vector<16xi32>
      %gather3A_624 = tpu.vector_load_idx %arg15[%add3A_59, %add3A_623] : memref<256x128xf32, #tpu.memory_space<vmem>>[vector<16xi32>, vector<16xi32>], vector<16xf32>,
      %mul3A_625 = arith.mulf %gather3A_620, %gather3A_624 : vector<16xf32>
      %add3A_626 = arith.addf %add3A_586, %mul3A_625 : vector<16xf32>
      %add3A_627 = arith.constant 53 : i32
      %add3A_628 = vector.broadcast %add3A_627 : i32 to vector<16xi32>
      %add3A_629 = arith.addi %shift_left3A_69, %add3A_628 : vector<16xi32>
      %gather3A_630 = tpu.vector_load_idx %arg14[%add3A_59, %add3A_629] : memref<256x128xf32, #tpu.memory_space<vmem>>[vector<16xi32>, vector<16xi32>], vector<16xf32>,
      %add3A_631 = arith.constant 53 : i32
      %add3A_632 = vector.broadcast %add3A_631 : i32 to vector<16xi32>
      %add3A_633 = arith.addi %shift_left3A_82, %add3A_632 : vector<16xi32>
      %gather3A_634 = tpu.vector_load_idx %arg15[%add3A_59, %add3A_633] : memref<256x128xf32, #tpu.memory_space<vmem>>[vector<16xi32>, vector<16xi32>], vector<16xf32>,
      %mul3A_635 = arith.mulf %gather3A_630, %gather3A_634 : vector<16xf32>
      %add3A_636 = arith.addf %add3A_596, %mul3A_635 : vector<16xf32>
      %add3A_637 = arith.constant 54 : i32
      %add3A_638 = vector.broadcast %add3A_637 : i32 to vector<16xi32>
      %add3A_639 = arith.addi %shift_left3A_69, %add3A_638 : vector<16xi32>
      %gather3A_640 = tpu.vector_load_idx %arg14[%add3A_59, %add3A_639] : memref<256x128xf32, #tpu.memory_space<vmem>>[vector<16xi32>, vector<16xi32>], vector<16xf32>,
      %add3A_641 = arith.constant 54 : i32
      %add3A_642 = vector.broadcast %add3A_641 : i32 to vector<16xi32>
      %add3A_643 = arith.addi %shift_left3A_82, %add3A_642 : vector<16xi32>
      %gather3A_644 = tpu.vector_load_idx %arg15[%add3A_59, %add3A_643] : memref<256x128xf32, #tpu.memory_space<vmem>>[vector<16xi32>, vector<16xi32>], vector<16xf32>,
      %mul3A_645 = arith.mulf %gather3A_640, %gather3A_644 : vector<16xf32>
      %add3A_646 = arith.addf %add3A_606, %mul3A_645 : vector<16xf32>
      %add3A_647 = arith.constant 55 : i32
      %add3A_648 = vector.broadcast %add3A_647 : i32 to vector<16xi32>
      %add3A_649 = arith.addi %shift_left3A_69, %add3A_648 : vector<16xi32>
      %gather3A_650 = tpu.vector_load_idx %arg14[%add3A_59, %add3A_649] : memref<256x128xf32, #tpu.memory_space<vmem>>[vector<16xi32>, vector<16xi32>], vector<16xf32>,
      %add3A_651 = arith.constant 55 : i32
      %add3A_652 = vector.broadcast %add3A_651 : i32 to vector<16xi32>
      %add3A_653 = arith.addi %shift_left3A_82, %add3A_652 : vector<16xi32>
      %gather3A_654 = tpu.vector_load_idx %arg15[%add3A_59, %add3A_653] : memref<256x128xf32, #tpu.memory_space<vmem>>[vector<16xi32>, vector<16xi32>], vector<16xf32>,
      %mul3A_655 = arith.mulf %gather3A_650, %gather3A_654 : vector<16xf32>
      %add3A_656 = arith.addf %add3A_616, %mul3A_655 : vector<16xf32>
      %add3A_657 = arith.constant 56 : i32
      %add3A_658 = vector.broadcast %add3A_657 : i32 to vector<16xi32>
      %add3A_659 = arith.addi %shift_left3A_69, %add3A_658 : vector<16xi32>
      %gather3A_660 = tpu.vector_load_idx %arg14[%add3A_59, %add3A_659] : memref<256x128xf32, #tpu.memory_space<vmem>>[vector<16xi32>, vector<16xi32>], vector<16xf32>,
      %add3A_661 = arith.constant 56 : i32
      %add3A_662 = vector.broadcast %add3A_661 : i32 to vector<16xi32>
      %add3A_663 = arith.addi %shift_left3A_82, %add3A_662 : vector<16xi32>
      %gather3A_664 = tpu.vector_load_idx %arg15[%add3A_59, %add3A_663] : memref<256x128xf32, #tpu.memory_space<vmem>>[vector<16xi32>, vector<16xi32>], vector<16xf32>,
      %mul3A_665 = arith.mulf %gather3A_660, %gather3A_664 : vector<16xf32>
      %add3A_666 = arith.addf %add3A_626, %mul3A_665 : vector<16xf32>
      %add3A_667 = arith.constant 57 : i32
      %add3A_668 = vector.broadcast %add3A_667 : i32 to vector<16xi32>
      %add3A_669 = arith.addi %shift_left3A_69, %add3A_668 : vector<16xi32>
      %gather3A_670 = tpu.vector_load_idx %arg14[%add3A_59, %add3A_669] : memref<256x128xf32, #tpu.memory_space<vmem>>[vector<16xi32>, vector<16xi32>], vector<16xf32>,
      %add3A_671 = arith.constant 57 : i32
      %add3A_672 = vector.broadcast %add3A_671 : i32 to vector<16xi32>
      %add3A_673 = arith.addi %shift_left3A_82, %add3A_672 : vector<16xi32>
      %gather3A_674 = tpu.vector_load_idx %arg15[%add3A_59, %add3A_673] : memref<256x128xf32, #tpu.memory_space<vmem>>[vector<16xi32>, vector<16xi32>], vector<16xf32>,
      %mul3A_675 = arith.mulf %gather3A_670, %gather3A_674 : vector<16xf32>
      %add3A_676 = arith.addf %add3A_636, %mul3A_675 : vector<16xf32>
      %add3A_677 = arith.constant 58 : i32
      %add3A_678 = vector.broadcast %add3A_677 : i32 to vector<16xi32>
      %add3A_679 = arith.addi %shift_left3A_69, %add3A_678 : vector<16xi32>
      %gather3A_680 = tpu.vector_load_idx %arg14[%add3A_59, %add3A_679] : memref<256x128xf32, #tpu.memory_space<vmem>>[vector<16xi32>, vector<16xi32>], vector<16xf32>,
      %add3A_681 = arith.constant 58 : i32
      %add3A_682 = vector.broadcast %add3A_681 : i32 to vector<16xi32>
      %add3A_683 = arith.addi %shift_left3A_82, %add3A_682 : vector<16xi32>
      %gather3A_684 = tpu.vector_load_idx %arg15[%add3A_59, %add3A_683] : memref<256x128xf32, #tpu.memory_space<vmem>>[vector<16xi32>, vector<16xi32>], vector<16xf32>,
      %mul3A_685 = arith.mulf %gather3A_680, %gather3A_684 : vector<16xf32>
      %add3A_686 = arith.addf %add3A_646, %mul3A_685 : vector<16xf32>
      %add3A_687 = arith.constant 59 : i32
      %add3A_688 = vector.broadcast %add3A_687 : i32 to vector<16xi32>
      %add3A_689 = arith.addi %shift_left3A_69, %add3A_688 : vector<16xi32>
      %gather3A_690 = tpu.vector_load_idx %arg14[%add3A_59, %add3A_689] : memref<256x128xf32, #tpu.memory_space<vmem>>[vector<16xi32>, vector<16xi32>], vector<16xf32>,
      %add3A_691 = arith.constant 59 : i32
      %add3A_692 = vector.broadcast %add3A_691 : i32 to vector<16xi32>
      %add3A_693 = arith.addi %shift_left3A_82, %add3A_692 : vector<16xi32>
      %gather3A_694 = tpu.vector_load_idx %arg15[%add3A_59, %add3A_693] : memref<256x128xf32, #tpu.memory_space<vmem>>[vector<16xi32>, vector<16xi32>], vector<16xf32>,
      %mul3A_695 = arith.mulf %gather3A_690, %gather3A_694 : vector<16xf32>
      %add3A_696 = arith.addf %add3A_656, %mul3A_695 : vector<16xf32>
      %add3A_697 = arith.constant 60 : i32
      %add3A_698 = vector.broadcast %add3A_697 : i32 to vector<16xi32>
      %add3A_699 = arith.addi %shift_left3A_69, %add3A_698 : vector<16xi32>
      %gather3A_700 = tpu.vector_load_idx %arg14[%add3A_59, %add3A_699] : memref<256x128xf32, #tpu.memory_space<vmem>>[vector<16xi32>, vector<16xi32>], vector<16xf32>,
      %add3A_701 = arith.constant 60 : i32
      %add3A_702 = vector.broadcast %add3A_701 : i32 to vector<16xi32>
      %add3A_703 = arith.addi %shift_left3A_82, %add3A_702 : vector<16xi32>
      %gather3A_704 = tpu.vector_load_idx %arg15[%add3A_59, %add3A_703] : memref<256x128xf32, #tpu.memory_space<vmem>>[vector<16xi32>, vector<16xi32>], vector<16xf32>,
      %mul3A_705 = arith.mulf %gather3A_700, %gather3A_704 : vector<16xf32>
      %add3A_706 = arith.addf %add3A_666, %mul3A_705 : vector<16xf32>
      %add3A_707 = arith.constant 61 : i32
      %add3A_708 = vector.broadcast %add3A_707 : i32 to vector<16xi32>
      %add3A_709 = arith.addi %shift_left3A_69, %add3A_708 : vector<16xi32>
      %gather3A_710 = tpu.vector_load_idx %arg14[%add3A_59, %add3A_709] : memref<256x128xf32, #tpu.memory_space<vmem>>[vector<16xi32>, vector<16xi32>], vector<16xf32>,
      %add3A_711 = arith.constant 61 : i32
      %add3A_712 = vector.broadcast %add3A_711 : i32 to vector<16xi32>
      %add3A_713 = arith.addi %shift_left3A_82, %add3A_712 : vector<16xi32>
      %gather3A_714 = tpu.vector_load_idx %arg15[%add3A_59, %add3A_713] : memref<256x128xf32, #tpu.memory_space<vmem>>[vector<16xi32>, vector<16xi32>], vector<16xf32>,
      %mul3A_715 = arith.mulf %gather3A_710, %gather3A_714 : vector<16xf32>
      %add3A_716 = arith.addf %add3A_676, %mul3A_715 : vector<16xf32>
      %add3A_717 = arith.constant 62 : i32
      %add3A_718 = vector.broadcast %add3A_717 : i32 to vector<16xi32>
      %add3A_719 = arith.addi %shift_left3A_69, %add3A_718 : vector<16xi32>
      %gather3A_720 = tpu.vector_load_idx %arg14[%add3A_59, %add3A_719] : memref<256x128xf32, #tpu.memory_space<vmem>>[vector<16xi32>, vector<16xi32>], vector<16xf32>,
      %add3A_721 = arith.constant 62 : i32
      %add3A_722 = vector.broadcast %add3A_721 : i32 to vector<16xi32>
      %add3A_723 = arith.addi %shift_left3A_82, %add3A_722 : vector<16xi32>
      %gather3A_724 = tpu.vector_load_idx %arg15[%add3A_59, %add3A_723] : memref<256x128xf32, #tpu.memory_space<vmem>>[vector<16xi32>, vector<16xi32>], vector<16xf32>,
      %mul3A_725 = arith.mulf %gather3A_720, %gather3A_724 : vector<16xf32>
      %add3A_726 = arith.addf %add3A_686, %mul3A_725 : vector<16xf32>
      %add3A_727 = arith.constant 63 : i32
      %add3A_728 = vector.broadcast %add3A_727 : i32 to vector<16xi32>
      %add3A_729 = arith.addi %shift_left3A_69, %add3A_728 : vector<16xi32>
      %gather3A_730 = tpu.vector_load_idx %arg14[%add3A_59, %add3A_729] : memref<256x128xf32, #tpu.memory_space<vmem>>[vector<16xi32>, vector<16xi32>], vector<16xf32>,
      %add3A_731 = arith.constant 63 : i32
      %add3A_732 = vector.broadcast %add3A_731 : i32 to vector<16xi32>
      %add3A_733 = arith.addi %shift_left3A_82, %add3A_732 : vector<16xi32>
      %gather3A_734 = tpu.vector_load_idx %arg15[%add3A_59, %add3A_733] : memref<256x128xf32, #tpu.memory_space<vmem>>[vector<16xi32>, vector<16xi32>], vector<16xf32>,
      %mul3A_735 = arith.mulf %gather3A_730, %gather3A_734 : vector<16xf32>
      %add3A_736 = arith.addf %add3A_696, %mul3A_735 : vector<16xf32>
      %add3A_737 = arith.addf %add3A_706, %add3A_716 : vector<16xf32>
      %add3A_738 = arith.addf %add3A_726, %add3A_736 : vector<16xf32>
      %add3A_739 = arith.addf %add3A_737, %add3A_738 : vector<16xf32>
      %add3A_740 = arith.constant 256 : i32
      %add3A_741 = arith.addi %add3A_740, %add3A_57 : i32
      %swap3A = arith.index_cast %add3A_741 : i32 to index
      %swap3A_742 = tpu.vector_load %arg18[%swap3A] {strides = array<i32>} : memref<512xf32, #tpu.memory_space<vmem>>, vector<16xf32>,
      tpu.vector_store %arg18[%swap3A], %add3A_739 {strides = array<i32>} : memref<512xf32, #tpu.memory_space<vmem>>, vector<16xf32>,
    }
    %scan3A_52 = arith.constant 16 : i32
    "tpu.region"() ({
      %run_scoped3A = tpu.sem_alloc : memref<!tpu.dma_semaphore, #tpu.memory_space<semaphore_mem>>
      %dma_start3A_53 = tpu.memref_slice %arg9[%mul3A_2] : memref<16384xf32, #tpu.memory_space<hbm>> -> memref<512xf32, #tpu.memory_space<hbm>>
      %dma_start3A_54 = tpu.memref_slice %arg9[%mul3A_2] : memref<16384xf32, #tpu.memory_space<hbm>> -> memref<512xf32, #tpu.memory_space<hbm>>
      tpu.enqueue_dma source(%arg18 : memref<512xf32, #tpu.memory_space<vmem>>) target(%dma_start3A_54 : memref<512xf32, #tpu.memory_space<hbm>>) target_semaphore(%run_scoped3A : memref<!tpu.dma_semaphore, #tpu.memory_space<semaphore_mem>>)
      %dma_wait3A_55 = tpu.memref_slice %arg9[%mul3A_2] : memref<16384xf32, #tpu.memory_space<hbm>> -> memref<512xf32, #tpu.memory_space<hbm>>
      %dma_wait3A_56 = tpu.memref_slice %arg9[%mul3A_2] : memref<16384xf32, #tpu.memory_space<hbm>> -> memref<512xf32, #tpu.memory_space<hbm>>
      tpu.wait_dma2 semaphore(%run_scoped3A : memref<!tpu.dma_semaphore, #tpu.memory_space<semaphore_mem>>) src(%arg18 : memref<512xf32, #tpu.memory_space<vmem>>) dst(%dma_wait3A_56 : memref<512xf32, #tpu.memory_space<hbm>>)
      tpu.yield
    }) : () -> ()
    return
  }
}

module attributes {stable_mosaic.version = 14 : i64} {
  func.func @body(%arg0: i32, %arg1: memref<64x16384xf32, #tpu.memory_space<vmem>>, %arg2: memref<8192x128xf32, #tpu.memory_space<vmem>>) attributes {dimension_semantics = [#tpu.dimension_semantics<arbitrary>], iteration_bounds = array<i64: 7>, scalar_prefetch = 0 : i64, scratch_operands = 0 : i64, tpu.core_type = #tpu.core_type<tc>, window_params = [{transform_indices = @transform_0, window_bounds = array<i64: 64, 16384>}, {transform_indices = @transform_1, window_bounds = array<i64: 8192, 128>}]} {
    %iota3A = tpu.iota {dimensions = array<i32: 0>} : vector<64x64xi32>
    %iota3A_0 = tpu.iota {dimensions = array<i32: 1>} : vector<64x64xi32>
    %eq3A = arith.cmpi eq, %iota3A, %iota3A_0 : vector<64x64xi32>
    %convert_element_type3A = arith.extui %eq3A : vector<64x64xi1> to vector<64x64xi32>
    %convert_element_type3A_1 = arith.sitofp %convert_element_type3A : vector<64x64xi32> to vector<64x64xf32>
    %convert_element_type3A_2 = arith.truncf %convert_element_type3A_1 : vector<64x64xf32> to vector<64x64xbf16>
    %get3A = arith.constant 0 : index
    %get3A_3 = arith.constant 0 : index
    %get3A_4 = vector.load %arg1[%get3A, %get3A_3] : memref<64x16384xf32, #tpu.memory_space<vmem>>, vector<64x16384xf32>
    %convert_element_type3A_5 = arith.truncf %get3A_4 : vector<64x16384xf32> to vector<64x16384xbf16>
    %slice3A = vector.extract_strided_slice %convert_element_type3A_5 {offsets = [0, 0], sizes = [64, 8192], strides = [1, 1]} : vector<64x16384xbf16> to vector<64x8192xbf16>
    %dot_general3A = arith.constant dense<0.000000e+00> : vector<8192x64xf32>
    %dot_general3A_6 = tpu.matmul %slice3A, %convert_element_type3A_2, %dot_general3A {dimension_numbers = #tpu.dot_dimension_numbers<[0], [0], [1], [1], [0, 1, 1, 1], [], []>, transpose_lhs_hint = false} : vector<64x8192xbf16>, vector<64x64xbf16>, vector<8192x64xf32> -> vector<8192x64xf32>
    %swap3A = arith.constant 0 : index
    %swap3A_7 = arith.constant 0 : index
    %swap3A_8 = vector.load %arg2[%swap3A, %swap3A_7] : memref<8192x128xf32, #tpu.memory_space<vmem>>, vector<8192x64xf32>
    tpu.vector_store %arg2[%swap3A, %swap3A_7], %dot_general3A_6 {strides = array<i32>} : memref<8192x128xf32, #tpu.memory_space<vmem>>, vector<8192x64xf32>,
    %slice3A_9 = vector.extract_strided_slice %convert_element_type3A_5 {offsets = [0, 8192], sizes = [64, 8192], strides = [1, 1]} : vector<64x16384xbf16> to vector<64x8192xbf16>
    %dot_general3A_10 = arith.constant dense<0.000000e+00> : vector<8192x64xf32>
    %dot_general3A_11 = tpu.matmul %slice3A_9, %convert_element_type3A_2, %dot_general3A_10 {dimension_numbers = #tpu.dot_dimension_numbers<[0], [0], [1], [1], [0, 1, 1, 1], [], []>, transpose_lhs_hint = false} : vector<64x8192xbf16>, vector<64x64xbf16>, vector<8192x64xf32> -> vector<8192x64xf32>
    %swap3A_12 = arith.constant 0 : index
    %swap3A_13 = arith.constant 64 : index
    %swap3A_14 = vector.load %arg2[%swap3A_12, %swap3A_13] : memref<8192x128xf32, #tpu.memory_space<vmem>>, vector<8192x64xf32>
    tpu.vector_store %arg2[%swap3A_12, %swap3A_13], %dot_general3A_11 {strides = array<i32>} : memref<8192x128xf32, #tpu.memory_space<vmem>>, vector<8192x64xf32>,
    return
  }
  func.func @transform_0(%arg0: i32) -> (i32, i32) {
    %c0_i32 = arith.constant 0 : i32
    %c0_i32_0 = arith.constant 0 : i32
    return %c0_i32, %arg0 : i32, i32
  }
  func.func @transform_1(%arg0: i32) -> (i32, i32) {
    %c0_i32 = arith.constant 0 : i32
    %c0_i32_0 = arith.constant 0 : i32
    return %arg0, %c0_i32 : i32, i32
  }
}

module attributes {stable_mosaic.version = 14 : i64} {
  func.func @body(%arg0: i32, %arg1: memref<64x16384xf32, #tpu.memory_space<vmem>>, %arg2: memref<8192x128xf32, #tpu.memory_space<vmem>>) attributes {dimension_semantics = [#tpu.dimension_semantics<arbitrary>], iteration_bounds = array<i64: 62>, scalar_prefetch = 0 : i64, scratch_operands = 0 : i64, tpu.core_type = #tpu.core_type<tc>, window_params = [{transform_indices = @transform_0, window_bounds = array<i64: 64, 16384>}, {transform_indices = @transform_1, window_bounds = array<i64: 8192, 128>}]} {
    %iota3A = tpu.iota {dimensions = array<i32: 0>} : vector<64x64xi32>
    %iota3A_0 = tpu.iota {dimensions = array<i32: 1>} : vector<64x64xi32>
    %eq3A = arith.cmpi eq, %iota3A, %iota3A_0 : vector<64x64xi32>
    %convert_element_type3A = arith.extui %eq3A : vector<64x64xi1> to vector<64x64xi32>
    %convert_element_type3A_1 = arith.sitofp %convert_element_type3A : vector<64x64xi32> to vector<64x64xf32>
    %convert_element_type3A_2 = arith.truncf %convert_element_type3A_1 : vector<64x64xf32> to vector<64x64xbf16>
    %get3A = arith.constant 0 : index
    %get3A_3 = arith.constant 0 : index
    %get3A_4 = vector.load %arg1[%get3A, %get3A_3] : memref<64x16384xf32, #tpu.memory_space<vmem>>, vector<64x16384xf32>
    %convert_element_type3A_5 = arith.truncf %get3A_4 : vector<64x16384xf32> to vector<64x16384xbf16>
    %slice3A = vector.extract_strided_slice %convert_element_type3A_5 {offsets = [0, 0], sizes = [64, 8192], strides = [1, 1]} : vector<64x16384xbf16> to vector<64x8192xbf16>
    %dot_general3A = arith.constant dense<0.000000e+00> : vector<8192x64xf32>
    %dot_general3A_6 = tpu.matmul %slice3A, %convert_element_type3A_2, %dot_general3A {dimension_numbers = #tpu.dot_dimension_numbers<[0], [0], [1], [1], [0, 1, 1, 1], [], []>, transpose_lhs_hint = false} : vector<64x8192xbf16>, vector<64x64xbf16>, vector<8192x64xf32> -> vector<8192x64xf32>
    %swap3A = arith.constant 0 : index
    %swap3A_7 = arith.constant 0 : index
    %swap3A_8 = vector.load %arg2[%swap3A, %swap3A_7] : memref<8192x128xf32, #tpu.memory_space<vmem>>, vector<8192x64xf32>
    tpu.vector_store %arg2[%swap3A, %swap3A_7], %dot_general3A_6 {strides = array<i32>} : memref<8192x128xf32, #tpu.memory_space<vmem>>, vector<8192x64xf32>,
    %slice3A_9 = vector.extract_strided_slice %convert_element_type3A_5 {offsets = [0, 8192], sizes = [64, 8192], strides = [1, 1]} : vector<64x16384xbf16> to vector<64x8192xbf16>
    %dot_general3A_10 = arith.constant dense<0.000000e+00> : vector<8192x64xf32>
    %dot_general3A_11 = tpu.matmul %slice3A_9, %convert_element_type3A_2, %dot_general3A_10 {dimension_numbers = #tpu.dot_dimension_numbers<[0], [0], [1], [1], [0, 1, 1, 1], [], []>, transpose_lhs_hint = false} : vector<64x8192xbf16>, vector<64x64xbf16>, vector<8192x64xf32> -> vector<8192x64xf32>
    %swap3A_12 = arith.constant 0 : index
    %swap3A_13 = arith.constant 64 : index
    %swap3A_14 = vector.load %arg2[%swap3A_12, %swap3A_13] : memref<8192x128xf32, #tpu.memory_space<vmem>>, vector<8192x64xf32>
    tpu.vector_store %arg2[%swap3A_12, %swap3A_13], %dot_general3A_11 {strides = array<i32>} : memref<8192x128xf32, #tpu.memory_space<vmem>>, vector<8192x64xf32>,
    return
  }
  func.func @transform_0(%arg0: i32) -> (i32, i32) {
    %c0_i32 = arith.constant 0 : i32
    %c0_i32_0 = arith.constant 0 : i32
    return %c0_i32, %arg0 : i32, i32
  }
  func.func @transform_1(%arg0: i32) -> (i32, i32) {
    %c0_i32 = arith.constant 0 : i32
    %c0_i32_0 = arith.constant 0 : i32
    return %arg0, %c0_i32 : i32, i32
  }
}

</mosaic_0001>

<sc_bundles>
// kernel: kernel.5.cloned.1.call-start
scs
__scs_entry_jumppad:
0x0: {  	(pc) =	sbr.rel $0x88, $3  }
0x1: {  	(tag) =	ssettag $0x0;
	lr =	simm.s32 $0x1  }
0x2: {  	[smem:$0x3F9A] =	sst lr;
	_ =	strace $0xD0000000  }
0x3: {  	_ = 	snop  }
0x4: {  	_ = 	snop  }
0x5: {  	_ = 	snop  }
0x6: {  	_ = 	snop  }
0x7: {  	_ = 	snop  }
__scs_overlays_trampoline_lowered:
0x8: {  	[smem:$0x3FA9] =	sst s0  }
0x9: {  	[smem:$0x3FAA] =	sst s1  }
0xa: {  	[smem:$0x3FAB] =	sst s2  }
0xb: {  	[smem:$0x3FAC] =	sst s3  }
0xc: {  	[smem:$0x3FAD] =	sst s4  }
0xd: {  	[smem:$0x3FAE] =	sst s5  }
0xe: {  	[smem:$0x3FAF] =	sst s6  }
0xf: {  	[smem:$0x3FB0] =	sst s7  }
0x10: {  	[smem:$0x3FB1] =	sst s8  }
0x11: {  	[smem:$0x3FB2] =	sst s9;
	s0 =	simm.s32 @!p0 $0x0  }
0x12: {  	s1 =	sld [smem:$0x3F98];
	s0 =	simm.s32 @p0 $0x1  }
0x13: {  	[smem:$0x3FB3] =	sst s0;
	s0 =	simm.s32 @!p1 $0x0  }
0x14: {  	s2 =	sld [smem:$0x3F97];
	s0 =	simm.s32 @p1 $0x1  }
0x15: {  	[smem:$0x3FB4] =	sst s0;
	s0 =	simm.s32 @!p2 $0x0  }
0x16: {  	s3 =	sld [smem:$0x3FDB];
	s0 =	simm.s32 @p2 $0x1  }
0x17: {  	s4 =	simm.s32 $0x1BF5;
	[smem:$0x3FB6] =	sst s0  }
0x18: {  	s0 =	sld [smem:$0x3F99];
	_ =	swait.ge [sflag:s4], $0x0  }
0x19: {  	s7 =	sld [smem:$0x3F9A]  }
0x1a: {  	s8 =	sadd.s32 $0xFFFFE003, lr  }
0x1b: {  	s9 =	sadd.s32 $0xFFFFFEF7, lr;
	s5 =	simm.s32 $0xFFFFFFFF;
	p2 =	slt.u32 s8, $0xFFFFF086  }
0x1c: {  	p1 =	slt.u32 s9, $0xF7A;
	s5 =	simm.s32 @!p2 $0x0  }
0x1d: {  	s5 =	simm.s32 @p1 $0x1;
	p0 =	seq.s32 s7, s2  }
0x1e: {  	s7 =	smul.u32 @!p0 $0xF7A, s2;
	p2 =	seq.s32 @!p0 s5, $0x0  }
0x1f: {  	s9 =	smul.u32 $0xF7A, s1;
	s8 =	simm.s32 @!p0 $0x1BF5;
	p2 =	por !p2, p0  }
0x20: {  	[sflag:s8] =	ssyncset.s32 @!p0 $0xFFFFF086;
	s6 =	sadd.s32 @!p0 s3, s7;
	s7 =	simm.s32 @!p0 $0x108  }
0x21: {  	s3 =	sadd.s32 s3, s9;
	s6 =	sadd.s32 @!p0 $0x88, s6;
	s7 =	simm.s32 @p2 $0x1082  }
0x22: {  	[simem:s7], [sflag:s8] =	dma.local @!p0 [hbm:s6], $0xF7A  }
0x23: {  	s9 =	sor.u32 $0xD0000000, s2;
	s6 =	simm.s32 $0x108;
	_ =	swait.ge @!p0 [sflag:s8], $0x0  }
0x24: {  	s3 =	sadd.s32 $0x88, s3;
	s6 =	simm.s32 @!p1 $0x1082;
	[sflag:s4] =	ssyncset.s32 $0xFFFFF086  }
0x25: {  	[simem:s6], [sflag:s4] =	dma.local [hbm:s3], $0xF7A  }
0x26: {  	[smem:$0x3F9A] =	sst s1;
	(tag) =	ssettag s2;
	_ =	strace s9  }
0x27: {  	s1 =	sld [smem:$0x3FAA]  }
0x28: {  	s2 =	sld [smem:$0x3FAB]  }
0x29: {  	s4 =	sld [smem:$0x3FAD]  }
0x2a: {  	p0 =	seq.s32 s5, $0x0;
	s5 =	sld [smem:$0x3FAE]  }
0x2b: {  	s6 =	sld [smem:$0x3FAF]  }
0x2c: {  	s7 =	sld [smem:$0x3FB0]  }
0x2d: {  	s3 =	simm.s32 $0x108;
	s8 =	sld [smem:$0x3FB1]  }
0x2e: {  	s3 =	simm.s32 @!p0 $0x1082;
	s9 =	sld [smem:$0x3FB2]  }
0x2f: {  	lr =	sadd.s32 s0, s3;
	s0 =	sld [smem:$0x3FA9]  }
0x30: {  	s3 =	sld [smem:$0x3FAC]  }
0x31: {  	[smem:$0x3FB5] =	sst s10  }
0x32: {  	s10 =	sld [smem:$0x3FB3];
	_ =	sdelay $0x3  }
0x33: {  	p0 =	seq.s32 s10, $0x1;
	s10 =	sld [smem:$0x3FB5];
	_ =	sdelay $0x3  }
0x34: {  	[smem:$0x3FB5] =	sst s10  }
0x35: {  	s10 =	sld [smem:$0x3FB4];
	_ =	sdelay $0x3  }
0x36: {  	p1 =	seq.s32 s10, $0x1;
	s10 =	sld [smem:$0x3FB5];
	_ =	sdelay $0x3  }
0x37: {  	[smem:$0x3FB5] =	sst s10  }
0x38: {  	s10 =	sld [smem:$0x3FB6]  }
0x39: {  	_ = 	snop;
	(pc) =	sbr.ind lr, $3  }
0x3a: {  	_ = 	snop  }
0x3b: {  	_ = 	snop  }
0x3c: {  	p2 =	seq.s32 s10, $0x1;
	s10 =	sld [smem:$0x3FB5]  }
0x3d: {  	_ =	shalt  }
0x3e: {  	_ =	shalt  }
0x3f: {  	_ =	shalt  }
0x40: {  	_ =	shalt  }
0x41: {  	_ =	shalt  }
0x42: {  	_ =	shalt  }
0x43: {  	_ =	shalt  }
0x44: {  	_ =	shalt  }
0x45: {  	_ =	shalt  }
0x46: {  	_ =	shalt  }
0x47: {  	_ =	shalt  }
0x48: {  	_ =	shalt  }
0x49: {  	_ =	shalt  }
0x4a: {  	_ =	shalt  }
0x4b: {  	_ =	shalt  }
0x4c: {  	_ =	shalt  }
0x4d: {  	_ =	shalt  }
0x4e: {  	_ =	shalt  }
0x4f: {  	_ =	shalt  }
0x50: {  	_ =	shalt  }
0x51: {  	_ =	shalt  }
0x52: {  	_ =	shalt  }
0x53: {  	_ =	shalt  }
0x54: {  	_ =	shalt  }
0x55: {  	_ =	shalt  }
0x56: {  	_ =	shalt  }
0x57: {  	_ =	shalt  }
0x58: {  	_ =	shalt  }
0x59: {  	_ =	shalt  }
0x5a: {  	_ =	shalt  }
0x5b: {  	_ =	shalt  }
0x5c: {  	_ =	shalt  }
0x5d: {  	_ =	shalt  }
0x5e: {  	_ =	shalt  }
0x5f: {  	_ =	shalt  }
0x60: {  	_ =	shalt  }
0x61: {  	_ =	shalt  }
0x62: {  	_ =	shalt  }
0x63: {  	_ =	shalt  }
0x64: {  	_ =	shalt  }
0x65: {  	_ =	shalt  }
0x66: {  	_ =	shalt  }
0x67: {  	_ =	shalt  }
0x68: {  	_ =	shalt  }
0x69: {  	_ =	shalt  }
0x6a: {  	_ =	shalt  }
0x6b: {  	_ =	shalt  }
0x6c: {  	_ =	shalt  }
0x6d: {  	_ =	shalt  }
0x6e: {  	_ =	shalt  }
0x6f: {  	_ =	shalt  }
0x70: {  	_ =	shalt  }
0x71: {  	_ =	shalt  }
0x72: {  	_ =	shalt  }
0x73: {  	_ =	shalt  }
0x74: {  	_ =	shalt  }
0x75: {  	_ =	shalt  }
0x76: {  	_ =	shalt  }
0x77: {  	_ =	shalt  }
0x78: {  	_ =	shalt  }
0x79: {  	_ =	shalt  }
0x7a: {  	_ =	shalt  }
0x7b: {  	_ =	shalt  }
0x7c: {  	_ =	shalt  }
0x7d: {  	_ =	shalt  }
0x7e: {  	_ =	shalt  }
0x7f: {  	_ =	shalt  }
0x80: {  	_ =	shalt  }
0x81: {  	_ =	shalt  }
0x82: {  	_ =	shalt  }
0x83: {  	_ =	shalt  }
0x84: {  	_ =	shalt  }
0x85: {  	_ =	shalt  }
0x86: {  	_ =	shalt  }
0x87: {  	_ =	shalt  }
.Lfunc_end0:
.L_simem_size_0:
called_computation_lowered:
.L_overlay_start_0:
0x88: {  	s2 =	sld [smem:$0x3FD9]  }
0x89: {  	s3 =	sld [smem:$0x3FFE];
	_ =	sdelay $0x1  }
0x8a: {  	s1 =	srdreg.scid  }
0x8b: {  	s0 =	sand.u32 $0x1, s1  }
0x8c: {  	s17 =	sshll.u32 s0, $0xA;
	s2 =	sadd.s32 s3, s2  }
0x8d: {  	s2 =	sadd.s32 s2, s17  }
0x8e: {  	[smem:$0x3FC1] =	sst s2  }
0x8f: {  	_ = 	snop  }
0x90: {  	s2 =	sld [smem:$0x3FC9]  }
0x91: {  	s18 =	sld [smem:$0x3FC8]  }
0x92: {  	s4 =	sld [smem:$0x3FD0];
	(tm) =	ssettm $0x1  }
0x93: {  	s5 =	sld [smem:$0x3FFB];
	_ =	sdelay $0x3  }
0x94: {  	_ =	strace s5  }
0x95: {  	s5 =	sld [smem:$0x3FFC];
	_ =	sdelay $0x3  }
0x96: {  	_ =	strace s5  }
0x97: {  	s5 =	sld [smem:$0x3FFD];
	_ =	sdelay $0x3  }
0x98: {  	_ =	strace s5  }
0x99: {  	_ =	strace $0x8FFFFFFF  }
0x9a: {  	s19 =	sld [smem:$0x3FDB];
	_ =	sdelay $0x1  }
0x9b: {  	s6 =	simm.s32 $_scs_section_size  }
0x9c: {  	s7 =	simm.s32 $_size__tile_overlayer_lowered;
	s8 =	simm.s32 $_tile_overlayer_lowered  }
0x9d: {  	s22 =	simm.s32 $0x1BFF;
	s21 =	sshll.u32 s8, $0x1;
	s5 =	sadd.s32 s6, s19  }
0x9e: {  	s9 =	simm.s32 $0x0;
	s20 =	sshll.u32 s7, $0x1;
	s7 =	sadd.s32 s21, s5  }
0x9f: {  	[timem:s9], [sflag:s22] =	dma.local [hbm:s7], s20  }
0xa0: {  	_ =	swait.ge [sflag:s22], s20  }
0xa1: {  	s6 =	ssub.s32 $0x0, s20;
	[sflag:s22] =	ssyncset.done $0x0  }
0xa2: {  	[sflag:s22] =	ssyncadd.s32 s6;
	_ =	sdelay $0x1  }
0xa3: {  	s23 =	simm.s32 $0x1B8B  }
0xa4: {  	_ =	swait.ge [sflag:s23], $0x1  }
0xa5: {  	[sflag:s23] =	ssyncset.done $0x0  }
0xa6: {  	s25 =	simm.s32 $0x1B8E;
	s24 =	sld [smem:$0x3FFE];
	[sflag:s23] =	ssyncadd.s32 $0xFFFFFFFF  }
0xa7: {  	s26 =	simm.s32 $execute0_lowered;
	[smem:$0x3FD2] =	sst s25  }
0xa8: {  	s7 =	sshll.u32 s26, $0x1;
	_ =	strace $0x80000046;
	[dreg:$0x1] =	wrdreg $0xFFFFFFFF  }
0xa9: {  	s28 =	simm.s32 $_size_execute0_lowered;
	s5 =	sadd.s32 s5, s7;
	[dreg:$0x0] =	wrdreg $0x0  }
0xaa: {  	s7 =	sshll.u32 s28, $0x1;
	[dreg:$0x2] =	wrdreg s5  }
0xab: {  	[dreg:$0x3] =	wrdreg s7  }
0xac: {  	[dreg:$0x4] =	wrdreg $0xC0  }
0xad: {  	_ =	task [dreg:s9], $0x5FFFF  }
0xae: {  	[dreg:$0x1] =	wrdreg $0xFFFFFFFF  }
0xaf: {  	[dreg:$0x0] =	wrdreg $0x60  }
0xb0: {  	[dreg:$0x2] =	wrdreg s2  }
0xb1: {  	[dreg:$0x3] =	wrdreg s18  }
0xb2: {  	[dreg:$0x4] =	wrdreg s24  }
0xb3: {  	[dreg:$0x5] =	wrdreg s4  }
0xb4: {  	[dreg:$0x6] =	wrdreg $0x9  }
0xb5: {  	_ =	task.clear_ibuf [dreg:s9], $0x7FFFF;
	_ =	strace $0x90000046  }
0xb6: {  	s29 =	simm.s32 $0x9;
	_ =	strace $0x80000048  }
0xb7: {  	_ =	swait.ge [sflag:s29], $0x1  }
0xb8: {  	[sflag:s29] =	ssyncadd.s32 $0xFFFFFFFF  }
0xb9: {  	_ =	strace $0x90000048  }
0xba: {  	_ =	sfence  }
0xbb: {  	s30 =	sld [smem:$0x0];
	_ =	sdelay $0x2  }
0xbc: {  	s31 =	sshll.u32 s1, $0xD;
	s1 =	sshrl.u32 s1, $0x2  }
0xbd: {  	s3 =	sand.u32 $0x4000, s31;
	s1 =	sadd.s32 s1, s30  }
0xbe: {  	s0 =	sor.u32 s3, s0;
	s1 =	sshll.u32 s1, $0x11  }
0xbf: {  	s0 =	sor.u32 s1, s0  }
0xc0: {  	s0 =	sadd.s32 $0x8F2B, s0  }
0xc1: {  	[sflag:s0] =	ssyncadd.remote.s32 $0x1  }
0xc2: {  	_ =	sfence.sel $0xFFFF  }
0xc3: {  	[dreg:$0x0] =	wrdreg $0xFFFFFFFF;
	(pc) =	sbr.abs _section_cstart, $3  }
0xc4: {  	[dreg:$0x1] =	wrdreg $0xFFFFFFFF  }
0xc5: {  	_ =	task.clear_ibuf [dreg:s9], $0x2FFFF;
	_ =	strace $0x9FFFFFFF  }
0xc6: {  	(tm) =	ssettm $0x7FFFFFFF  }
0xc7: {  	_ =	shalt  }
tec
execute0_lowered:
.L_overlay_start_1:
0x0: {  	(tag) =	ssettag $0x1  }
0x1: {  	s0 =	rddreg [dreg:$0x0]  }
0x2: {  	s3 =	rddreg [dreg:$0x1]  }
0x3: {  	s1 =	rddreg [dreg:$0x2]  }
0x4: {  	s10 =	rddreg [dreg:$0x3];
	s2 =	simm.s32 $0x0;
	s6 =	srdreg.scid  }
0x5: {  	s7 =	stileid.u32;
	s13 =	simm.s32 $0x200;
	s14 =	simm.s32 $0x10C00  }
0x6: {  	s15 =	simm.s32 $0x10600;
	s16 =	simm.s32 $0x10800;
	s17 =	simm.s32 $0x3  }
0x7: {  	s18 =	simm.s32 $0x100;
	s19 =	simm.s32 $0x400;
	s20 =	simm.s32 $0x600  }
0x8: {  	s21 =	simm.s32 $0x500;
	s22 =	simm.s32 $0x8600;
	s23 =	simm.s32 $0x1  }
0x9: {  	s24 =	simm.s32 $0x2;
	s25 =	simm.s32 $0x10A00;
	s26 =	simm.s32 $0x0  }
0xa: {  	[smem:$0x7FF] =	sst s2;
	s4 =	sadd.s32 $0x101C00, s1;
	s5 =	sadd.s32 $0x21C00, s1  }
0xb: {  	s6 =	sand.u32 $0x1, s6;
	s7 =	sshll.u32 s7, $0x7;
	_ =	strace $0x80000047  }
0xc: {  	v0 =	vlaneseq.u32;
	s8 =	ssub.s32 $0x2, s6;
	s9 =	sshll.u32 s6, $0x6;
	s6 =	sadd.s32 $0x3200, s1  }
0xd: {  	v55 =	vmul.u32 $0x80, v0;
	s11 =	sshrl.u32 s8, $0x1;
	s12 =	sor.u32 s9, s7;
	s7 =	sadd.s32 $0x8C1C00, s1  }
0xe: {  	s11 =	ssub.s32 s8, s11;
	s8 =	sadd.s32 s0, s12;
	s9 =	sadd.s32 s3, s12  }
0xf: {  	[tilespmem:$0x1FFF0] =	vst v55;
	s10 =	sadd.s32 s10, s12;
	s12 =	simm.s32 $0x4;
	s11 =	smax.u32 s11, $0x1  }
.LBB2_1:
0x10: {  	[tilespmem:s2], [sflag:$0x4] =	stream.linear.gather [hbm4b:s8+s2], $0x200, $0x38;
	[tilespmem:$0x10C80] =	vst v63  }
0x11: {  	_ =	swait.ge [sflag:s12], $0x200  }
0x12: {  	[sflag:s12] =	ssyncset.done $0x0  }
0x13: {  	[sflag:s12] =	ssyncadd.s32 $0xFFFFFE00  }
0x14: {  	[tilespmem:s13], [sflag:$0x4] =	stream.linear.gather [hbm4b:s9+s2], $0x200, $0x38;
	[tilespmem:$0x10C80] =	vst v63  }
0x15: {  	_ =	swait.ge [sflag:s12], $0x200  }
0x16: {  	[sflag:s12] =	ssyncset.done $0x0  }
0x17: {  	[sflag:s12] =	ssyncadd.s32 $0xFFFFFE00  }
0x18: {  	[tilespmem:s14], [sflag:$0x4] =	stream.linear.gather [hbm4b:s7+s2], $0x80, $0x38;
	[tilespmem:$0x10C80] =	vst v63  }
0x19: {  	_ =	swait.ge [sflag:s12], $0x80  }
0x1a: {  	[sflag:s12] =	ssyncset.done $0x0  }
0x1b: {  	[sflag:s12] =	ssyncadd.s32 $0xFFFFFF80  }
0x1c: {  	[tilespmem:s15], [sflag:$0x3] =	stream.indirect.gather [hbm4b:s6+s13], $0x1, s2, s13, $0xb8;
	[tilespmem:$0x10C80] =	vst v63  }
0x1d: {  	_ = 	snop  }
0x1e: {  	[tilespmem:s16], [sflag:$0x3] =	stream.indirect.gather [hbm4b:s1+s13], $0x1, s13, s13, $0xb8;
	[tilespmem:$0x10C80] =	vst v63  }
0x1f: {  	_ =	swait.ge [sflag:s17], $0x200  }
0x20: {  	[sflag:s17] =	ssyncset.done $0x0  }
0x21: {  	[sflag:s17] =	ssyncadd.s32 $0xFFFFFE00  }
0x22: {  	_ =	swait.ge [sflag:s17], $0x200  }
0x23: {  	[sflag:s17] =	ssyncset.done $0x0  }
0x24: {  	[sflag:s17] =	ssyncadd.s32 $0xFFFFFE00  }
0x25: {  	v0 =	vld [tilespmem:$0x10C00];
	_ =	sdelay $0x3  }
0x26: {  	s0 =	simm.s32 $0x0  }
0x27: {  	[tilespmem:$0x1FFE0] =	vst v0;
	v0 =	vld [tilespmem:s0+$0x200]  }
0x28: {  	v1 =	vld [tilespmem:s0+$0x0];
	_ =	sdelay $0x1  }
0x29: {  	s3 =	simm.s32 $0x40  }
.LBB2_2:
0x2a: {  	p0 =	sne.s32 s3, $0x3C0  }
.Ltmp0:
0x2b: {  	s28 =	sshra.s32 s3, $0x2;
	s3 =	sadd.s32 $0x40, s3;
	v2 =	vshrl.u32 v0, $0x1;
	(pc) =	sbr.rel @p0 .LBB2_2-.Ltmp0, $4  }
0x2c: {  	v4 =	vand.u32 $0x1FFF, v0;
	v3 =	vshrl.u32 v1, $0x1;
	v2 =	vand.u32 $0x7FFFE000, v2;
	v0 =	vld [tilespmem:s28+$0x200]  }
0x2d: {  	v5 =	vand.u32 $0x1FFF, v1;
	v3 =	vand.u32 $0x7FFFE000, v3;
	v1 =	vld [tilespmem:s28+$0x0];
	v2 =	vor.u32 v4, v2  }
0x2e: {  	v3 =	vor.u32 v5, v3;
	[tilespmem:s0+$0x500] =	vst v2  }
0x2f: {  	[tilespmem:s0+$0x400] =	vst v3;
	s0 =	smov.u32 s28  }
0x30: {  	_ = 	snop  }
0x31: {  	v2 =	vshrl.u32 v0, $0x1  }
0x32: {  	v0 =	vand.u32 $0x1FFF, v0;
	v3 =	vshrl.u32 v1, $0x1;
	v2 =	vand.u32 $0x7FFFE000, v2  }
0x33: {  	v1 =	vand.u32 $0x1FFF, v1;
	v3 =	vand.u32 $0x7FFFE000, v3;
	v0 =	vor.u32 v0, v2  }
0x34: {  	v1 =	vor.u32 v1, v3;
	[tilespmem:s0+$0x500] =	vst v0  }
0x35: {  	[tilespmem:s0+$0x400] =	vst v1  }
0x36: {  	[tilespmem:s20], [sflag:$0x1] =	stream.indirect.gather [hbm4b:s4+s18], $0x80, s19, s18, $0xb8;
	[tilespmem:$0x10C80] =	vst v63  }
0x37: {  	_ = 	snop  }
0x38: {  	[tilespmem:s22], [sflag:$0x2] =	stream.indirect.gather [hbm4b:s5+s18], $0x80, s21, s18, $0xb8;
	[tilespmem:$0x10C80] =	vst v63  }
0x39: {  	_ =	swait.ge [sflag:s23], $0x8000  }
0x3a: {  	[sflag:s23] =	ssyncset.done $0x0  }
0x3b: {  	[sflag:s23] =	ssyncadd.s32 $0xFFFF8000  }
0x3c: {  	_ =	swait.ge [sflag:s24], $0x8000  }
0x3d: {  	[sflag:s24] =	ssyncset.done $0x0  }
0x3e: {  	s3 =	simm.s32 $0x0;
	[sflag:s24] =	ssyncadd.s32 $0xFFFF8000  }
0x3f: {  	v0 =	vld [tilespmem:s3+$0x0];
	_ =	sdelay $0x3  }
0x40: {  	v1 =	vmov s3  }
0x41: {  	v1 =	vshll.u32 v1, $0x7;
	v0 =	vshrl.u32 v0, $0x7  }
0x42: {  	v22 =	vor.u32 v55, v1;
	v0 =	vand.u32 $0x40, v0  }
0x43: {  	v15 =	vor.u32 v22, v0  }
0x44: {  	v0 =	vor.u32 $0x3C, v15;
	_ =	sdelay $0x4  }
0x45: {  	v1 =	vor.u32 $0x3D, v15;
	v0 =	vld.idx.msk [tilespmem:v0+s20+$0x0], $0xffff;
	_ =	sdelay $0x4  }
0x46: {  	v1 =	vld.idx.msk [tilespmem:v1+s20+$0x0], $0xffff;
	[tilespmem:$0x1FB90] =	vst v0;
	v0 =	vor.u32 $0x3A, v15;
	_ =	sdelay $0x4  }
0x47: {  	[tilespmem:$0x1FBA0] =	vst v1;
	v1 =	vor.u32 $0x3B, v15;
	v0 =	vld.idx.msk [tilespmem:v0+s20+$0x0], $0xffff;
	_ =	sdelay $0x3  }
0x48: {  	v6 =	vor.u32 $0x39, v15  }
0x49: {  	v9 =	vor.u32 $0x36, v15;
	[tilespmem:$0x1FC90] =	vst v0;
	v0 =	vld.idx.msk [tilespmem:v1+s20+$0x0], $0xffff;
	_ =	sdelay $0x3  }
0x4a: {  	v7 =	vor.u32 $0x34, v15;
	v23 =	vld.idx.msk [tilespmem:v6+s20+$0x0], $0xffff  }
0x4b: {  	v6 =	vor.u32 $0x37, v15;
	[tilespmem:$0x1FCA0] =	vst v0;
	v0 =	vld.idx.msk [tilespmem:v9+s20+$0x0], $0xffff;
	_ =	sdelay $0x3  }
0x4c: {  	v8 =	vor.u32 $0x35, v15;
	v24 =	vld.idx.msk [tilespmem:v7+s20+$0x0], $0xffff  }
0x4d: {  	v7 =	vor.u32 $0x32, v15;
	[tilespmem:$0x1FC70] =	vst v0;
	v0 =	vld.idx.msk [tilespmem:v6+s20+$0x0], $0xffff;
	_ =	sdelay $0x3  }
0x4e: {  	v10 =	vor.u32 $0x30, v15;
	v25 =	vld.idx.msk [tilespmem:v8+s20+$0x0], $0xffff  }
0x4f: {  	v8 =	vor.u32 $0x33, v15;
	[tilespmem:$0x1FC80] =	vst v0;
	v0 =	vld.idx.msk [tilespmem:v7+s20+$0x0], $0xffff;
	_ =	sdelay $0x3  }
0x50: {  	v11 =	vor.u32 $0x31, v15;
	v26 =	vld.idx.msk [tilespmem:v10+s20+$0x0], $0xffff  }
0x51: {  	v10 =	vor.u32 $0x2E, v15;
	[tilespmem:$0x1FC50] =	vst v0;
	v0 =	vld.idx.msk [tilespmem:v8+s20+$0x0], $0xffff;
	_ =	sdelay $0x3  }
0x52: {  	v27 =	vld.idx.msk [tilespmem:v11+s20+$0x0], $0xffff  }
0x53: {  	v11 =	vor.u32 $0x2F, v15;
	[tilespmem:$0x1FC60] =	vst v0;
	v0 =	vld.idx.msk [tilespmem:v10+s20+$0x0], $0xffff;
	_ =	sdelay $0x3  }
0x54: {  	v12 =	vor.u32 $0x2D, v15  }
0x55: {  	v16 =	vor.u32 $0x2A, v15;
	[tilespmem:$0x1FC30] =	vst v0;
	v0 =	vld.idx.msk [tilespmem:v11+s20+$0x0], $0xffff;
	_ =	sdelay $0x2  }
0x56: {  	v2 =	vor.u32 $0x3E, v15  }
0x57: {  	v13 =	vor.u32 $0x28, v15;
	v29 =	vld.idx.msk [tilespmem:v12+s20+$0x0], $0xffff  }
0x58: {  	v12 =	vor.u32 $0x2B, v15;
	[tilespmem:$0x1FC40] =	vst v0;
	v0 =	vld.idx.msk [tilespmem:v16+s20+$0x0], $0xffff  }
0x59: {  	s3 =	simm.s32 $0x200;
	v5 =	vor.u32 $0x38, v15  }
0x5a: {  	v48 =	vld [tilespmem:s3+$0x0];
	v14 =	vor.u32 $0x29, v15  }
0x5b: {  	v17 =	vor.u32 $0x24, v15;
	v2 =	vld.idx.msk [tilespmem:v2+s20+$0x0], $0xffff  }
0x5c: {  	v18 =	vor.u32 $0x25, v15;
	v30 =	vld.idx.msk [tilespmem:v13+s20+$0x0], $0xffff  }
0x5d: {  	v13 =	vor.u32 $0x26, v15;
	[tilespmem:$0x1FC10] =	vst v0;
	v0 =	vld.idx.msk [tilespmem:v12+s20+$0x0], $0xffff  }
0x5e: {  	v35 =	vor.u32 $0x21, v15;
	v21 =	vld.idx.msk [tilespmem:v5+s20+$0x0], $0xffff  }
0x5f: {  	v36 =	vor.u32 $0x1C, v15;
	v31 =	vld.idx.msk [tilespmem:v14+s20+$0x0], $0xffff  }
0x60: {  	v37 =	vor.u32 $0x1D, v15;
	v32 =	vld.idx.msk [tilespmem:v17+s20+$0x0], $0xffff  }
0x61: {  	v40 =	vor.u32 $0x18, v15;
	v33 =	vld.idx.msk [tilespmem:v18+s20+$0x0], $0xffff  }
0x62: {  	v14 =	vor.u32 $0x27, v15;
	[tilespmem:$0x1FC20] =	vst v0;
	v0 =	vld.idx.msk [tilespmem:v13+s20+$0x0], $0xffff  }
0x63: {  	v41 =	vor.u32 $0x19, v15;
	v35 =	vld.idx.msk [tilespmem:v35+s20+$0x0], $0xffff  }
0x64: {  	v42 =	vor.u32 $0x14, v15;
	v36 =	vld.idx.msk [tilespmem:v36+s20+$0x0], $0xffff  }
0x65: {  	v57 =	vor.u32 $0x15, v15;
	v37 =	vld.idx.msk [tilespmem:v37+s20+$0x0], $0xffff  }
0x66: {  	v58 =	vor.u32 $0x10, v15;
	v40 =	vld.idx.msk [tilespmem:v40+s20+$0x0], $0xffff  }
0x67: {  	v17 =	vor.u32 $0x22, v15;
	[tilespmem:$0x1FBF0] =	vst v0;
	v0 =	vld.idx.msk [tilespmem:v14+s20+$0x0], $0xffff  }
0x68: {  	v43 =	vor.u32 $0x11, v15;
	v41 =	vld.idx.msk [tilespmem:v41+s20+$0x0], $0xffff  }
0x69: {  	v44 =	vor.u32 $0xC, v15;
	v42 =	vld.idx.msk [tilespmem:v42+s20+$0x0], $0xffff  }
0x6a: {  	v59 =	vor.u32 $0xD, v15;
	v45 =	vld.idx.msk [tilespmem:v57+s20+$0x0], $0xffff  }
0x6b: {  	v60 =	vor.u32 $0x8, v15;
	v46 =	vld.idx.msk [tilespmem:v58+s20+$0x0], $0xffff  }
0x6c: {  	v18 =	vor.u32 $0x23, v15;
	[tilespmem:$0x1FC00] =	vst v0;
	v0 =	vld.idx.msk [tilespmem:v17+s20+$0x0], $0xffff  }
0x6d: {  	v47 =	vor.u32 $0x9, v15;
	v43 =	vld.idx.msk [tilespmem:v43+s20+$0x0], $0xffff  }
0x6e: {  	v49 =	vor.u32 $0x4, v15;
	v44 =	vld.idx.msk [tilespmem:v44+s20+$0x0], $0xffff  }
0x6f: {  	v50 =	vor.u32 $0x5, v15;
	v51 =	vld.idx.msk [tilespmem:v59+s20+$0x0], $0xffff  }
0x70: {  	v54 =	vor.u32 $0x1, v15;
	v52 =	vld.idx.msk [tilespmem:v60+s20+$0x0], $0xffff  }
0x71: {  	v38 =	vor.u32 $0x1E, v15;
	[tilespmem:$0x1FBD0] =	vst v0;
	v0 =	vld.idx.msk [tilespmem:v18+s20+$0x0], $0xffff  }
0x72: {  	v63 =	vor.u32 $0x2, v15;
	v47 =	vld.idx.msk [tilespmem:v47+s20+$0x0], $0xffff  }
0x73: {  	v4 =	vor.u32 $0x3F, v15;
	v49 =	vld.idx.msk [tilespmem:v49+s20+$0x0], $0xffff  }
0x74: {  	v60 =	vor.u32 $0x3, v15;
	v50 =	vld.idx.msk [tilespmem:v50+s20+$0x0], $0xffff  }
0x75: {  	v54 =	vld.idx.msk [tilespmem:v54+s20+$0x0], $0xffff;
	v9 =	vor.u32 $0x2C, v15  }
0x76: {  	v39 =	vor.u32 $0x1F, v15;
	[tilespmem:$0x1FBE0] =	vst v0;
	v0 =	vld.idx.msk [tilespmem:v38+s20+$0x0], $0xffff  }
0x77: {  	v62 =	vshrl.u32 v48, $0x7;
	v48 =	vld.idx.msk [tilespmem:v63+s20+$0x0], $0xffff  }
0x78: {  	[tilespmem:$0x1FCB0] =	vst v2;
	v2 =	vld.idx.msk [tilespmem:v4+s20+$0x0], $0xffff  }
0x79: {  	v53 =	vor.u32 $0x7, v15;
	v55 =	vld.idx.msk [tilespmem:v60+s20+$0x0], $0xffff  }
0x7a: {  	v28 =	vld.idx.msk [tilespmem:v9+s20+$0x0], $0xffff  }
0x7b: {  	v16 =	vor.u32 $0x20, v15;
	[tilespmem:$0x1FBB0] =	vst v0;
	v0 =	vld.idx.msk [tilespmem:v39+s20+$0x0], $0xffff;
	v39 =	vand.u32 $0x40, v62  }
0x7c: {  	s3 =	simm.s32 $0x10800;
	v61 =	vor.u32 $0x6, v15;
	v6 =	vld.idx.msk [tilespmem:v15+s20+$0x0], $0xffff;
	v22 =	vor.u32 v22, v39  }
0x7d: {  	v7 =	vld [tilespmem:s3+$0x0];
	v56 =	vor.u32 $0x3C, v22  }
0x7e: {  	s0 =	simm.s32 $0x10600;
	v38 =	vld.idx.msk [tilespmem:v53+s20+$0x0], $0xffff;
	v53 =	vor.u32 $0x3D, v22  }
0x7f: {  	v8 =	vld [tilespmem:s0+$0x0];
	v57 =	vor.u32 $0x38, v22  }
0x80: {  	v34 =	vld.idx.msk [tilespmem:v16+s20+$0x0], $0xffff;
	v58 =	vor.u32 $0x39, v22  }
0x81: {  	v39 =	vld.idx.msk [tilespmem:v61+s20+$0x0], $0xffff;
	v59 =	vor.u32 $0x34, v22  }
0x82: {  	v60 =	vor.u32 $0x35, v22;
	v56 =	vld.idx.msk [tilespmem:v56+s22+$0x0], $0xffff  }
0x83: {  	v61 =	vor.u32 $0x30, v22;
	v53 =	vld.idx.msk [tilespmem:v53+s22+$0x0], $0xffff  }
0x84: {  	v62 =	vor.u32 $0x31, v22;
	v57 =	vld.idx.msk [tilespmem:v57+s22+$0x0], $0xffff  }
0x85: {  	v63 =	vor.u32 $0x2C, v22;
	v58 =	vld.idx.msk [tilespmem:v58+s22+$0x0], $0xffff  }
0x86: {  	v4 =	vor.u32 $0x28, v22;
	v59 =	vld.idx.msk [tilespmem:v59+s22+$0x0], $0xffff  }
0x87: {  	v5 =	vor.u32 $0x29, v22;
	v60 =	vld.idx.msk [tilespmem:v60+s22+$0x0], $0xffff  }
0x88: {  	v3 =	vor.u32 $0x24, v22;
	v61 =	vld.idx.msk [tilespmem:v61+s22+$0x0], $0xffff  }
0x89: {  	[tilespmem:$0x1FCC0] =	vst v2;
	v2 =	vor.u32 $0x25, v22;
	v62 =	vld.idx.msk [tilespmem:v62+s22+$0x0], $0xffff  }
0x8a: {  	v63 =	vld.idx.msk [tilespmem:v63+s22+$0x0], $0xffff  }
0x8b: {  	v1 =	vor.u32 $0x21, v22;
	v13 =	vld.idx.msk [tilespmem:v4+s22+$0x0], $0xffff  }
0x8c: {  	v7 =	vadd.f32 v7, v8;
	v8 =	vor.u32 $0xD, v22;
	v18 =	vld.idx.msk [tilespmem:v5+s22+$0x0], $0xffff  }
0x8d: {  	[tilespmem:$0x1FBC0] =	vst v0;
	v0 =	vor.u32 $0x2D, v22;
	v14 =	vld.idx.msk [tilespmem:v3+s22+$0x0], $0xffff  }
0x8e: {  	v19 =	vld.idx.msk [tilespmem:v2+s22+$0x0], $0xffff;
	v3 =	vor.u32 $0x1C, v22  }
0x8f: {  	v4 =	vld.idx.msk [tilespmem:v22+s22+$0x0], $0xffff  }
0x90: {  	v20 =	vld.idx.msk [tilespmem:v1+s22+$0x0], $0xffff;
	v1 =	vor.u32 $0x18, v22  }
0x91: {  	v2 =	vor.u32 $0x19, v22;
	v8 =	vld.idx.msk [tilespmem:v8+s22+$0x0], $0xffff  }
0x92: {  	v5 =	vor.u32 $0x14, v22;
	v17 =	vld.idx.msk [tilespmem:v0+s22+$0x0], $0xffff  }
0x93: {  	v0 =	vor.u32 $0x20, v22;
	v9 =	vld.idx.msk [tilespmem:v3+s22+$0x0], $0xffff  }
0x94: {  	v3 =	vor.u32 $0x15, v22;
	v6 =	vmul.f32 v4, v6;
	v4 =	vld [tilespmem:$0x1FB90]  }
0x95: {  	v10 =	vld.idx.msk [tilespmem:v1+s22+$0x0], $0xffff  }
0x96: {  	v1 =	vor.u32 $0x11, v22;
	v12 =	vld.idx.msk [tilespmem:v2+s22+$0x0], $0xffff  }
0x97: {  	v2 =	vor.u32 $0xC, v22;
	v5 =	vld.idx.msk [tilespmem:v5+s22+$0x0], $0xffff  }
0x98: {  	v21 =	vmul.f32 v57, v21;
	v57 =	vor.u32 $0x8, v22;
	v16 =	vld.idx.msk [tilespmem:v0+s22+$0x0], $0xffff  }
0x99: {  	v26 =	vmul.f32 v61, v26;
	v61 =	vor.u32 $0x4, v22;
	v4 =	vmul.f32 v56, v4;
	v56 =	vld.idx.msk [tilespmem:v3+s22+$0x0], $0xffff  }
0x9a: {  	v25 =	vmul.f32 v60, v25;
	v60 =	vor.u32 $0x5, v22;
	v3 =	vld [tilespmem:$0x1FBA0]  }
0x9b: {  	v31 =	vmul.f32 v18, v31;
	v18 =	vor.u32 $0x3, v22;
	v1 =	vld.idx.msk [tilespmem:v1+s22+$0x0], $0xffff  }
0x9c: {  	v33 =	vmul.f32 v19, v33;
	v19 =	vor.u32 $0x6, v22;
	v2 =	vld.idx.msk [tilespmem:v2+s22+$0x0], $0xffff  }
0x9d: {  	v32 =	vmul.f32 v14, v32;
	v0 =	vor.u32 $0x1D, v22;
	v14 =	vld.idx.msk [tilespmem:v57+s22+$0x0], $0xffff  }
0x9e: {  	v27 =	vmul.f32 v62, v27;
	v62 =	vor.u32 $0xB, v15;
	v36 =	vmul.f32 v9, v36;
	v9 =	vld.idx.msk [tilespmem:v61+s22+$0x0], $0xffff  }
0x9f: {  	v35 =	vmul.f32 v20, v35;
	v20 =	vld.idx.msk [tilespmem:v60+s22+$0x0], $0xffff  }
0xa0: {  	v29 =	vmul.f32 v17, v29;
	v17 =	vor.u32 $0x2, v22;
	v18 =	vld.idx.msk [tilespmem:v18+s22+$0x0], $0xffff  }
0xa1: {  	v24 =	vmul.f32 v59, v24;
	v23 =	vmul.f32 v58, v23;
	v61 =	vor.u32 $0x7, v22;
	v19 =	vld.idx.msk [tilespmem:v19+s22+$0x0], $0xffff  }
0xa2: {  	v28 =	vmul.f32 v63, v28;
	v30 =	vmul.f32 v13, v30;
	v13 =	vor.u32 $0x1, v22;
	v11 =	vld.idx.msk [tilespmem:v0+s22+$0x0], $0xffff  }
0xa3: {  	v63 =	vor.u32 $0xA, v22;
	v8 =	vmul.f32 v8, v51;
	v12 =	vmul.f32 v12, v41;
	v41 =	vld.idx.msk [tilespmem:v62+s20+$0x0], $0xffff  }
0xa4: {  	v3 =	vmul.f32 v53, v3;
	v53 =	vor.u32 $0x9, v22;
	v9 =	vmul.f32 v9, v49;
	v49 =	vld [tilespmem:$0x1FFE0]  }
0xa5: {  	v58 =	vor.u32 $0xF, v22;
	v59 =	vor.u32 $0x12, v15;
	v0 =	vor.u32 $0x10, v22;
	v17 =	vld.idx.msk [tilespmem:v17+s22+$0x0], $0xffff  }
0xa6: {  	v51 =	vor.u32 $0x16, v22;
	v10 =	vmul.f32 v10, v40;
	v5 =	vmul.f32 v5, v42;
	v40 =	vld.idx.msk [tilespmem:v61+s22+$0x0], $0xffff  }
0xa7: {  	v57 =	vor.u32 $0xF, v15;
	v37 =	vmul.f32 v11, v37;
	v11 =	vld.idx.msk [tilespmem:v13+s22+$0x0], $0xffff;
	v13 =	vor.u32 $0xA, v15  }
0xa8: {  	v42 =	vmul.f32 v56, v45;
	v2 =	vmul.f32 v2, v44;
	v56 =	vor.u32 $0xE, v22;
	v44 =	vld.idx.msk [tilespmem:v63+s22+$0x0], $0xffff  }
0xa9: {  	v34 =	vmul.f32 v16, v34;
	v16 =	vld.idx.msk [tilespmem:v53+s22+$0x0], $0xffff;
	v53 =	vor.u32 $0xE, v15;
	v7 =	vadd.f32 v7, v49  }
0xaa: {  	v14 =	vmul.f32 v14, v52;
	v52 =	vor.u32 $0xB, v22;
	v63 =	vor.u32 $0x13, v22;
	v0 =	vld.idx.msk [tilespmem:v0+s22+$0x0], $0xffff  }
0xab: {  	v20 =	vmul.f32 v20, v50;
	v18 =	vmul.f32 v18, v55;
	v50 =	vld.idx.msk [tilespmem:v59+s20+$0x0], $0xffff;
	v6 =	vadd.f32 v6, v7  }
0xac: {  	v62 =	vor.u32 $0x13, v15;
	v61 =	vor.u32 $0x12, v22;
	v11 =	vmul.f32 v11, v54;
	v13 =	vld.idx.msk [tilespmem:v13+s20+$0x0], $0xffff  }
0xad: {  	v18 =	vadd.f32 $0.0e+00, v18;
	v17 =	vmul.f32 v17, v48;
	v6 =	vadd.f32 v9, v6;
	v9 =	vld.idx.msk [tilespmem:v56+s22+$0x0], $0xffff  }
0xae: {  	v48 =	vor.u32 $0x16, v15;
	v38 =	vmul.f32 v40, v38;
	v60 =	vld.idx.msk [tilespmem:v53+s20+$0x0], $0xffff;
	v11 =	vadd.f32 $0.0e+00, v11  }
0xaf: {  	v17 =	vadd.f32 $0.0e+00, v17;
	v55 =	vld.idx.msk [tilespmem:v63+s22+$0x0], $0xffff;
	v7 =	vmul.f32 v19, v39;
	v0 =	vmul.f32 v0, v46  }
0xb0: {  	v19 =	vld.idx.msk [tilespmem:v52+s22+$0x0], $0xffff;
	v16 =	vmul.f32 v16, v47;
	v6 =	vadd.f32 v14, v6;
	v11 =	vadd.f32 v20, v11  }
0xb1: {  	v52 =	vld.idx.msk [tilespmem:v61+s22+$0x0], $0xffff;
	v54 =	vor.u32 $0x17, v22;
	v7 =	vadd.f32 v7, v17;
	v14 =	vor.u32 $0x17, v15  }
0xb2: {  	v17 =	vld.idx.msk [tilespmem:v58+s22+$0x0], $0xffff;
	v13 =	vmul.f32 v44, v13;
	v2 =	vadd.f32 v2, v6;
	v11 =	vadd.f32 v16, v11  }
0xb3: {  	v20 =	vld.idx.msk [tilespmem:v57+s20+$0x0], $0xffff;
	v16 =	vor.u32 $0x1A, v15;
	v15 =	vor.u32 $0x1B, v15;
	v9 =	vmul.f32 v9, v60  }
0xb4: {  	v53 =	vld.idx.msk [tilespmem:v62+s20+$0x0], $0xffff;
	v7 =	vadd.f32 v13, v7;
	v8 =	vadd.f32 v8, v11;
	v11 =	vor.u32 $0x1B, v22  }
0xb5: {  	v18 =	vadd.f32 v38, v18;
	v39 =	vld.idx.msk [tilespmem:v51+s22+$0x0], $0xffff;
	v19 =	vmul.f32 v19, v41  }
0xb6: {  	v40 =	vld.idx.msk [tilespmem:v54+s22+$0x0], $0xffff;
	v0 =	vadd.f32 v0, v2;
	v7 =	vadd.f32 v9, v7;
	v9 =	vor.u32 $0x1E, v22  }
0xb7: {  	v14 =	vld.idx.msk [tilespmem:v14+s20+$0x0], $0xffff  }
0xb8: {  	v18 =	vadd.f32 v19, v18;
	v17 =	vmul.f32 v17, v20;
	v0 =	vadd.f32 v5, v0;
	v15 =	vld.idx.msk [tilespmem:v15+s20+$0x0], $0xffff  }
0xb9: {  	v1 =	vmul.f32 v1, v43;
	v19 =	vor.u32 $0x1A, v22;
	v43 =	vmul.f32 v55, v53;
	v11 =	vld.idx.msk [tilespmem:v11+s22+$0x0], $0xffff  }
0xba: {  	v17 =	vadd.f32 v17, v18;
	v18 =	vor.u32 $0x1F, v22;
	v0 =	vadd.f32 v10, v0;
	v10 =	vld [tilespmem:$0x1FBB0]  }
0xbb: {  	v9 =	vld.idx.msk [tilespmem:v9+s22+$0x0], $0xffff  }
0xbc: {  	v44 =	vld.idx.msk [tilespmem:v48+s20+$0x0], $0xffff;
	v17 =	vadd.f32 v43, v17;
	v14 =	vmul.f32 v40, v14  }
0xbd: {  	v16 =	vld.idx.msk [tilespmem:v16+s20+$0x0], $0xffff  }
0xbe: {  	v19 =	vld.idx.msk [tilespmem:v19+s22+$0x0], $0xffff;
	v14 =	vadd.f32 v14, v17;
	v11 =	vmul.f32 v11, v15  }
0xbf: {  	v38 =	vmul.f32 v52, v50;
	v2 =	vor.u32 $0x22, v22;
	v1 =	vadd.f32 v1, v8;
	v18 =	vld.idx.msk [tilespmem:v18+s22+$0x0], $0xffff  }
0xc0: {  	v8 =	vor.u32 $0x23, v22;
	v9 =	vmul.f32 v9, v10;
	v10 =	vadd.f32 v11, v14;
	v11 =	vld [tilespmem:$0x1FBC0]  }
0xc1: {  	v39 =	vmul.f32 v39, v44;
	v7 =	vadd.f32 v38, v7;
	_ =	sdelay $0x1  }
0xc2: {  	v7 =	vadd.f32 v39, v7;
	v16 =	vmul.f32 v19, v16  }
0xc3: {  	v2 =	vld.idx.msk [tilespmem:v2+s22+$0x0], $0xffff  }
0xc4: {  	v8 =	vld.idx.msk [tilespmem:v8+s22+$0x0], $0xffff;
	v7 =	vadd.f32 v16, v7;
	v11 =	vmul.f32 v18, v11  }
0xc5: {  	v14 =	vld [tilespmem:$0x1FBD0]  }
0xc6: {  	v7 =	vadd.f32 v9, v7;
	v9 =	vadd.f32 v11, v10;
	v10 =	vld [tilespmem:$0x1FBE0]  }
0xc7: {  	v60 =	vor.u32 $0x27, v22;
	_ =	sdelay $0x2  }
0xc8: {  	v59 =	vor.u32 $0x26, v22  }
0xc9: {  	v5 =	vor.u32 $0x2A, v22;
	v2 =	vmul.f32 v2, v14;
	v8 =	vmul.f32 v8, v10  }
0xca: {  	v62 =	vor.u32 $0x2B, v22;
	v15 =	vld.idx.msk [tilespmem:v60+s22+$0x0], $0xffff  }
0xcb: {  	v2 =	vadd.f32 v2, v7;
	v7 =	vadd.f32 v8, v9;
	v8 =	vld [tilespmem:$0x1FC00];
	_ =	sdelay $0x1  }
0xcc: {  	v38 =	vld.idx.msk [tilespmem:v59+s22+$0x0], $0xffff;
	v1 =	vadd.f32 v42, v1  }
0xcd: {  	v5 =	vld.idx.msk [tilespmem:v5+s22+$0x0], $0xffff  }
0xce: {  	v1 =	vadd.f32 v12, v1;
	v12 =	vld.idx.msk [tilespmem:v62+s22+$0x0], $0xffff  }
0xcf: {  	v63 =	vor.u32 $0x33, v22;
	v61 =	vor.u32 $0x37, v22;
	v11 =	vld [tilespmem:$0x1FBF0];
	v8 =	vmul.f32 v15, v8  }
0xd0: {  	v56 =	vor.u32 $0x36, v22;
	v58 =	vor.u32 $0x32, v22;
	v57 =	vor.u32 $0x3B, v22;
	v15 =	vld [tilespmem:$0x1FC10]  }
0xd1: {  	v6 =	vor.u32 $0x3F, v22;
	v13 =	vor.u32 $0x3E, v22;
	v7 =	vadd.f32 v8, v7;
	v8 =	vld [tilespmem:$0x1FC20]  }
0xd2: {  	v20 =	vor.u32 $0x3A, v22;
	v19 =	vor.u32 $0x2E, v22;
	v22 =	vor.u32 $0x2F, v22;
	_ =	sdelay $0x1  }
0xd3: {  	v11 =	vmul.f32 v38, v11;
	_ =	sdelay $0x1  }
0xd4: {  	v2 =	vadd.f32 v11, v2;
	v5 =	vmul.f32 v5, v15;
	v8 =	vmul.f32 v12, v8  }
0xd5: {  	v10 =	vld.idx.msk [tilespmem:v22+s22+$0x0], $0xffff  }
0xd6: {  	v2 =	vadd.f32 v5, v2;
	v5 =	vadd.f32 v8, v7;
	v7 =	vld [tilespmem:$0x1FC40];
	_ =	sdelay $0x4  }
0xd7: {  	v7 =	vmul.f32 v10, v7  }
0xd8: {  	v9 =	vld.idx.msk [tilespmem:v63+s22+$0x0], $0xffff  }
0xd9: {  	v5 =	vadd.f32 v7, v5;
	v7 =	vld [tilespmem:$0x1FC60];
	_ =	sdelay $0x4  }
0xda: {  	v7 =	vmul.f32 v9, v7  }
0xdb: {  	v11 =	vld.idx.msk [tilespmem:v61+s22+$0x0], $0xffff  }
0xdc: {  	v5 =	vadd.f32 v7, v5;
	v7 =	vld [tilespmem:$0x1FC80]  }
0xdd: {  	v6 =	vld.idx.msk [tilespmem:v6+s22+$0x0], $0xffff  }
0xde: {  	v14 =	vld.idx.msk [tilespmem:v19+s22+$0x0], $0xffff  }
0xdf: {  	v0 =	vadd.f32 v36, v0;
	v12 =	vld [tilespmem:$0x1FC30]  }
0xe0: {  	v1 =	vadd.f32 v37, v1;
	v16 =	vld.idx.msk [tilespmem:v58+s22+$0x0], $0xffff  }
0xe1: {  	v0 =	vadd.f32 v34, v0;
	v10 =	vld [tilespmem:$0x1FC50];
	v7 =	vmul.f32 v11, v7  }
0xe2: {  	v1 =	vadd.f32 v35, v1;
	v8 =	vld.idx.msk [tilespmem:v57+s22+$0x0], $0xffff  }
0xe3: {  	v0 =	vadd.f32 v32, v0;
	v5 =	vadd.f32 v7, v5;
	v7 =	vld [tilespmem:$0x1FCA0]  }
0xe4: {  	v13 =	vld.idx.msk [tilespmem:v13+s22+$0x0], $0xffff;
	v1 =	vadd.f32 v33, v1;
	v12 =	vmul.f32 v14, v12  }
0xe5: {  	v0 =	vadd.f32 v30, v0;
	v15 =	vld.idx.msk [tilespmem:v56+s22+$0x0], $0xffff  }
0xe6: {  	v1 =	vadd.f32 v31, v1;
	v2 =	vadd.f32 v12, v2;
	v10 =	vmul.f32 v16, v10;
	v9 =	vld [tilespmem:$0x1FC70]  }
0xe7: {  	v0 =	vadd.f32 v28, v0;
	v14 =	vld.idx.msk [tilespmem:v20+s22+$0x0], $0xffff  }
0xe8: {  	v1 =	vadd.f32 v29, v1;
	v2 =	vadd.f32 v10, v2;
	v10 =	vld [tilespmem:$0x1FC90];
	v7 =	vmul.f32 v8, v7  }
0xe9: {  	v0 =	vadd.f32 v26, v0;
	v8 =	vld [tilespmem:$0x1FCB0]  }
0xea: {  	v1 =	vadd.f32 v27, v1;
	v5 =	vadd.f32 v7, v5;
	v7 =	vld [tilespmem:$0x1FCC0]  }
0xeb: {  	v9 =	vmul.f32 v15, v9  }
0xec: {  	v0 =	vadd.f32 v24, v0;
	v1 =	vadd.f32 v25, v1  }
0xed: {  	v10 =	vmul.f32 v14, v10;
	v2 =	vadd.f32 v9, v2  }
0xee: {  	v0 =	vadd.f32 v21, v0;
	v1 =	vadd.f32 v23, v1  }
0xef: {  	v2 =	vadd.f32 v10, v2;
	v8 =	vmul.f32 v13, v8;
	v6 =	vmul.f32 v6, v7  }
0xf0: {  	v0 =	vadd.f32 v4, v0;
	v1 =	vadd.f32 v3, v1  }
0xf1: {  	v2 =	vadd.f32 v8, v2;
	v3 =	vadd.f32 v6, v5;
	_ =	sdelay $0x1  }
0xf2: {  	v0 =	vadd.f32 v1, v0;
	v1 =	vadd.f32 v3, v2;
	_ =	sdelay $0x1  }
0xf3: {  	v0 =	vadd.f32 v1, v0  }
0xf4: {  	s28 =	simm.s32 $0x10A00  }
0xf5: {  	s29 =	simm.s32 $0x10;
	[tilespmem:s28+$0x0] =	vst v0  }
0xf6: {  	v0 =	vld [tilespmem:s29+$0x0]  }
0xf7: {  	v2 =	vld [tilespmem:$0x1FFF0];
	_ =	sdelay $0x2  }
0xf8: {  	v1 =	vmov s29  }
0xf9: {  	v1 =	vshll.u32 v1, $0x7;
	v0 =	vshrl.u32 v0, $0x7  }
0xfa: {  	v2 =	vor.u32 v2, v1;
	v0 =	vand.u32 $0x40, v0  }
0xfb: {  	v3 =	vor.u32 v2, v0  }
0xfc: {  	v1 =	vor.u32 $0x3D, v3  }
0xfd: {  	v4 =	vor.u32 $0x3E, v3;
	_ =	sdelay $0x3  }
0xfe: {  	v54 =	vld.idx.msk [tilespmem:v1+s20+$0x0], $0xffff;
	v1 =	vor.u32 $0x3B, v3  }
0xff: {  	v57 =	vld.idx.msk [tilespmem:v4+s20+$0x0], $0xffff;
	v4 =	vor.u32 $0x34, v3;
	_ =	sdelay $0x3  }
0x100: {  	v5 =	vor.u32 $0x3F, v3;
	v59 =	vld.idx.msk [tilespmem:v1+s20+$0x0], $0xffff  }
0x101: {  	v1 =	vor.u32 $0x31, v3;
	v4 =	vld.idx.msk [tilespmem:v4+s20+$0x0], $0xffff;
	_ =	sdelay $0x1  }
0x102: {  	v0 =	vor.u32 $0x3C, v3  }
0x103: {  	v6 =	vor.u32 $0x38, v3  }
0x104: {  	v56 =	vld.idx.msk [tilespmem:v5+s20+$0x0], $0xffff;
	v5 =	vor.u32 $0x35, v3  }
0x105: {  	[tilespmem:$0x1FCD0] =	vst v4;
	v4 =	vor.u32 $0x32, v3;
	v1 =	vld.idx.msk [tilespmem:v1+s20+$0x0], $0xffff  }
0x106: {  	v7 =	vor.u32 $0x39, v3  }
0x107: {  	v52 =	vld.idx.msk [tilespmem:v0+s20+$0x0], $0xffff;
	v0 =	vor.u32 $0x3A, v3  }
0x108: {  	v50 =	vld.idx.msk [tilespmem:v6+s20+$0x0], $0xffff;
	v6 =	vor.u32 $0x36, v3  }
0x109: {  	v53 =	vld.idx.msk [tilespmem:v5+s20+$0x0], $0xffff;
	v5 =	vor.u32 $0x33, v3  }
0x10a: {  	[tilespmem:$0x1FCF0] =	vst v1;
	v1 =	vor.u32 $0x2F, v3;
	v4 =	vld.idx.msk [tilespmem:v4+s20+$0x0], $0xffff  }
0x10b: {  	v51 =	vld.idx.msk [tilespmem:v7+s20+$0x0], $0xffff  }
0x10c: {  	v7 =	vor.u32 $0x37, v3;
	v60 =	vld.idx.msk [tilespmem:v0+s20+$0x0], $0xffff  }
0x10d: {  	v0 =	vor.u32 $0x30, v3;
	v63 =	vld.idx.msk [tilespmem:v6+s20+$0x0], $0xffff  }
0x10e: {  	v6 =	vor.u32 $0x2C, v3;
	v5 =	vld.idx.msk [tilespmem:v5+s20+$0x0], $0xffff  }
0x10f: {  	[tilespmem:$0x1FD00] =	vst v4;
	v4 =	vor.u32 $0x28, v3;
	v1 =	vld.idx.msk [tilespmem:v1+s20+$0x0], $0xffff;
	_ =	sdelay $0x1  }
0x110: {  	v61 =	vld.idx.msk [tilespmem:v7+s20+$0x0], $0xffff  }
0x111: {  	v7 =	vor.u32 $0x2D, v3;
	v0 =	vld.idx.msk [tilespmem:v0+s20+$0x0], $0xffff  }
0x112: {  	v6 =	vld.idx.msk [tilespmem:v6+s20+$0x0], $0xffff;
	[tilespmem:$0x1FD10] =	vst v5;
	v5 =	vor.u32 $0x29, v3  }
0x113: {  	[tilespmem:$0x1FD50] =	vst v1;
	v1 =	vor.u32 $0x25, v3;
	v4 =	vld.idx.msk [tilespmem:v4+s20+$0x0], $0xffff;
	_ =	sdelay $0x2  }
0x114: {  	v7 =	vld.idx.msk [tilespmem:v7+s20+$0x0], $0xffff;
	[tilespmem:$0x1FCE0] =	vst v0;
	v0 =	vor.u32 $0x2E, v3  }
0x115: {  	[tilespmem:$0x1FD20] =	vst v6;
	v6 =	vor.u32 $0x2A, v3;
	v5 =	vld.idx.msk [tilespmem:v5+s20+$0x0], $0xffff  }
0x116: {  	[tilespmem:$0x1FD60] =	vst v4;
	v4 =	vor.u32 $0x26, v3;
	v1 =	vld.idx.msk [tilespmem:v1+s20+$0x0], $0xffff;
	_ =	sdelay $0x2  }
0x117: {  	[tilespmem:$0x1FD30] =	vst v7;
	v7 =	vor.u32 $0x2B, v3;
	v0 =	vld.idx.msk [tilespmem:v0+s20+$0x0], $0xffff  }
0x118: {  	v6 =	vld.idx.msk [tilespmem:v6+s20+$0x0], $0xffff;
	[tilespmem:$0x1FD70] =	vst v5;
	v5 =	vor.u32 $0x27, v3  }
0x119: {  	[tilespmem:$0x1FDB0] =	vst v1;
	v1 =	vor.u32 $0x23, v3;
	v4 =	vld.idx.msk [tilespmem:v4+s20+$0x0], $0xffff;
	_ =	sdelay $0x2  }
0x11a: {  	v7 =	vld.idx.msk [tilespmem:v7+s20+$0x0], $0xffff;
	[tilespmem:$0x1FD40] =	vst v0;
	v0 =	vor.u32 $0x24, v3  }
0x11b: {  	[tilespmem:$0x1FD80] =	vst v6;
	v6 =	vor.u32 $0x20, v3;
	v5 =	vld.idx.msk [tilespmem:v5+s20+$0x0], $0xffff  }
0x11c: {  	[tilespmem:$0x1FDC0] =	vst v4;
	v4 =	vor.u32 $0x1C, v3;
	v1 =	vld.idx.msk [tilespmem:v1+s20+$0x0], $0xffff;
	_ =	sdelay $0x2  }
0x11d: {  	[tilespmem:$0x1FD90] =	vst v7;
	v7 =	vor.u32 $0x21, v3;
	v0 =	vld.idx.msk [tilespmem:v0+s20+$0x0], $0xffff  }
0x11e: {  	v6 =	vld.idx.msk [tilespmem:v6+s20+$0x0], $0xffff;
	[tilespmem:$0x1FDD0] =	vst v5;
	v5 =	vor.u32 $0x1D, v3  }
0x11f: {  	[tilespmem:$0x1FE10] =	vst v1;
	v1 =	vor.u32 $0x19, v3;
	v4 =	vld.idx.msk [tilespmem:v4+s20+$0x0], $0xffff;
	_ =	sdelay $0x2  }
0x120: {  	v7 =	vld.idx.msk [tilespmem:v7+s20+$0x0], $0xffff;
	[tilespmem:$0x1FDA0] =	vst v0;
	v0 =	vor.u32 $0x22, v3  }
0x121: {  	[tilespmem:$0x1FDE0] =	vst v6;
	v6 =	vor.u32 $0x1E, v3;
	v5 =	vld.idx.msk [tilespmem:v5+s20+$0x0], $0xffff  }
0x122: {  	[tilespmem:$0x1FE20] =	vst v4;
	v4 =	vor.u32 $0x1A, v3;
	v1 =	vld.idx.msk [tilespmem:v1+s20+$0x0], $0xffff;
	_ =	sdelay $0x2  }
0x123: {  	[tilespmem:$0x1FDF0] =	vst v7;
	v7 =	vor.u32 $0x1F, v3;
	v0 =	vld.idx.msk [tilespmem:v0+s20+$0x0], $0xffff  }
0x124: {  	v6 =	vld.idx.msk [tilespmem:v6+s20+$0x0], $0xffff;
	[tilespmem:$0x1FE30] =	vst v5;
	v5 =	vor.u32 $0x1B, v3  }
0x125: {  	[tilespmem:$0x1FE70] =	vst v1;
	v1 =	vor.u32 $0x17, v3;
	v4 =	vld.idx.msk [tilespmem:v4+s20+$0x0], $0xffff;
	_ =	sdelay $0x2  }
0x126: {  	v7 =	vld.idx.msk [tilespmem:v7+s20+$0x0], $0xffff;
	[tilespmem:$0x1FE00] =	vst v0;
	v0 =	vor.u32 $0x18, v3  }
0x127: {  	[tilespmem:$0x1FE40] =	vst v6;
	v6 =	vor.u32 $0x14, v3;
	v5 =	vld.idx.msk [tilespmem:v5+s20+$0x0], $0xffff  }
0x128: {  	[tilespmem:$0x1FE80] =	vst v4;
	v4 =	vor.u32 $0x10, v3;
	v1 =	vld.idx.msk [tilespmem:v1+s20+$0x0], $0xffff;
	_ =	sdelay $0x2  }
0x129: {  	[tilespmem:$0x1FE50] =	vst v7;
	v0 =	vld.idx.msk [tilespmem:v0+s20+$0x0], $0xffff  }
0x12a: {  	v7 =	vor.u32 $0x15, v3;
	v6 =	vld.idx.msk [tilespmem:v6+s20+$0x0], $0xffff;
	[tilespmem:$0x1FE90] =	vst v5  }
0x12b: {  	v5 =	vor.u32 $0x11, v3;
	[tilespmem:$0x1FED0] =	vst v1;
	v1 =	vld.idx.msk [tilespmem:v4+s20+$0x0], $0xffff;
	_ =	sdelay $0x2  }
0x12c: {  	[tilespmem:$0x1FE60] =	vst v0  }
0x12d: {  	v7 =	vld.idx.msk [tilespmem:v7+s20+$0x0], $0xffff;
	v0 =	vor.u32 $0x16, v3;
	[tilespmem:$0x1FEA0] =	vst v6  }
0x12e: {  	v6 =	vor.u32 $0x12, v3;
	[tilespmem:$0x1FEE0] =	vst v1;
	v1 =	vld.idx.msk [tilespmem:v5+s20+$0x0], $0xffff;
	_ =	sdelay $0x1  }
0x12f: {  	v4 =	vor.u32 $0xE, v3;
	_ =	sdelay $0x1  }
0x130: {  	[tilespmem:$0x1FEB0] =	vst v7;
	v0 =	vld.idx.msk [tilespmem:v0+s20+$0x0], $0xffff  }
0x131: {  	v7 =	vor.u32 $0x13, v3;
	[tilespmem:$0x1FEF0] =	vst v1;
	v1 =	vld.idx.msk [tilespmem:v6+s20+$0x0], $0xffff;
	_ =	sdelay $0x1  }
0x132: {  	v5 =	vor.u32 $0xF, v3;
	v4 =	vld.idx.msk [tilespmem:v4+s20+$0x0], $0xffff;
	_ =	sdelay $0x1  }
0x133: {  	[tilespmem:$0x1FEC0] =	vst v0  }
0x134: {  	v0 =	vor.u32 $0xC, v3;
	[tilespmem:$0x1FF00] =	vst v1;
	v1 =	vld.idx.msk [tilespmem:v7+s20+$0x0], $0xffff  }
0x135: {  	v8 =	vor.u32 $0xD, v3  }
0x136: {  	s30 =	simm.s32 $0x210;
	[tilespmem:$0x1FF20] =	vst v4;
	v4 =	vld.idx.msk [tilespmem:v5+s20+$0x0], $0xffff  }
0x137: {  	v5 =	vld [tilespmem:s30+$0x0];
	_ =	sdelay $0x1  }
0x138: {  	[tilespmem:$0x1FF10] =	vst v1;
	v1 =	vld.idx.msk [tilespmem:v0+s20+$0x0], $0xffff  }
0x139: {  	v0 =	vld.idx.msk [tilespmem:v8+s20+$0x0], $0xffff;
	v8 =	vor.u32 $0xA, v3;
	_ =	sdelay $0x1  }
0x13a: {  	v6 =	vor.u32 $0x8, v3;
	v5 =	vshrl.u32 v5, $0x7  }
0x13b: {  	s0 =	simm.s32 $0x10810;
	v13 =	vor.u32 $0x7, v3;
	v5 =	vand.u32 $0x40, v5  }
0x13c: {  	v16 =	vld [tilespmem:s0+$0x0];
	v62 =	vor.u32 v2, v5;
	v2 =	vor.u32 $0x3, v3  }
0x13d: {  	v10 =	vor.u32 $0xB, v3;
	v8 =	vld.idx.msk [tilespmem:v8+s20+$0x0], $0xffff  }
0x13e: {  	v9 =	vor.u32 $0x9, v3;
	v58 =	vld.idx.msk [tilespmem:v3+s20+$0x0], $0xffff  }
0x13f: {  	v11 =	vor.u32 $0x4, v3;
	v7 =	vld.idx.msk [tilespmem:v6+s20+$0x0], $0xffff  }
0x140: {  	v5 =	vld.idx.msk [tilespmem:v13+s20+$0x0], $0xffff;
	v15 =	vor.u32 $0x3D, v62  }
0x141: {  	v13 =	vld.idx.msk [tilespmem:v2+s20+$0x0], $0xffff;
	v2 =	vor.u32 $0x34, v62  }
0x142: {  	v6 =	vor.u32 $0x5, v3;
	[tilespmem:$0x1FF40] =	vst v8;
	v8 =	vld.idx.msk [tilespmem:v10+s20+$0x0], $0xffff  }
0x143: {  	[tilespmem:$0x1FF30] =	vst v4;
	v4 =	vld.idx.msk [tilespmem:v9+s20+$0x0], $0xffff;
	v10 =	vor.u32 $0x1, v3  }
0x144: {  	v12 =	vor.u32 $0x6, v3;
	v9 =	vld.idx.msk [tilespmem:v11+s20+$0x0], $0xffff  }
0x145: {  	v11 =	vor.u32 $0x2, v3;
	v19 =	vld.idx.msk [tilespmem:v15+s22+$0x0], $0xffff  }
0x146: {  	v26 =	vld.idx.msk [tilespmem:v2+s22+$0x0], $0xffff;
	v3 =	vor.u32 $0x3C, v62  }
0x147: {  	v15 =	vor.u32 $0x30, v62;
	[tilespmem:$0x1FF50] =	vst v8;
	v8 =	vld.idx.msk [tilespmem:v6+s20+$0x0], $0xffff  }
0x148: {  	v14 =	vld.idx.msk [tilespmem:v10+s20+$0x0], $0xffff;
	v10 =	vor.u32 $0x38, v62  }
0x149: {  	v2 =	vor.u32 $0x31, v62;
	v6 =	vld.idx.msk [tilespmem:v12+s20+$0x0], $0xffff  }
0x14a: {  	v12 =	vld.idx.msk [tilespmem:v11+s20+$0x0], $0xffff;
	v11 =	vor.u32 $0x39, v62  }
0x14b: {  	v22 =	vld.idx.msk [tilespmem:v3+s22+$0x0], $0xffff;
	v3 =	vor.u32 $0x35, v62  }
0x14c: {  	v27 =	vld.idx.msk [tilespmem:v15+s22+$0x0], $0xffff  }
0x14d: {  	v24 =	vld.idx.msk [tilespmem:v10+s22+$0x0], $0xffff;
	v10 =	vor.u32 $0x2D, v62  }
0x14e: {  	v23 =	vld.idx.msk [tilespmem:v2+s22+$0x0], $0xffff  }
0x14f: {  	v15 =	vor.u32 $0x28, v62;
	v20 =	vld.idx.msk [tilespmem:v11+s22+$0x0], $0xffff  }
0x150: {  	s31 =	simm.s32 $0x10610;
	v21 =	vld.idx.msk [tilespmem:v3+s22+$0x0], $0xffff;
	v3 =	vor.u32 $0x2C, v62  }
0x151: {  	v2 =	vor.u32 $0x24, v62;
	v11 =	vld [tilespmem:s31+$0x0]  }
0x152: {  	v25 =	vld.idx.msk [tilespmem:v10+s22+$0x0], $0xffff;
	v10 =	vor.u32 $0x20, v62;
	_ =	sdelay $0x1  }
0x153: {  	v17 =	vor.u32 $0x29, v62;
	v34 =	vld.idx.msk [tilespmem:v15+s22+$0x0], $0xffff  }
0x154: {  	v32 =	vld.idx.msk [tilespmem:v3+s22+$0x0], $0xffff;
	v3 =	vor.u32 $0x25, v62  }
0x155: {  	v15 =	vor.u32 $0x21, v62;
	v35 =	vld.idx.msk [tilespmem:v2+s22+$0x0], $0xffff  }
0x156: {  	v2 =	vor.u32 $0x1D, v62;
	v11 =	vadd.f32 v16, v11;
	v38 =	vld.idx.msk [tilespmem:v10+s22+$0x0], $0xffff;
	v10 =	vor.u32 $0x3E, v62  }
0x157: {  	v29 =	vld.idx.msk [tilespmem:v62+s22+$0x0], $0xffff;
	v16 =	vor.u32 $0x1C, v62;
	[tilespmem:$0x1FF60] =	vst v10;
	v10 =	vor.u32 $0x3A, v62  }
0x158: {  	v30 =	vld.idx.msk [tilespmem:v17+s22+$0x0], $0xffff;
	v18 =	vadd.f32 v11, v49;
	v11 =	vor.u32 $0x19, v62;
	[tilespmem:$0x1FF70] =	vst v10;
	v10 =	vor.u32 $0x3F, v62  }
0x159: {  	v39 =	vor.u32 $0x14, v62;
	v28 =	vld.idx.msk [tilespmem:v3+s22+$0x0], $0xffff;
	v3 =	vor.u32 $0x18, v62;
	[tilespmem:$0x1FF80] =	vst v10;
	v10 =	vor.u32 $0x36, v62  }
0x15a: {  	v37 =	vor.u32 $0x15, v62;
	v33 =	vor.u32 $0x10, v62;
	v36 =	vld.idx.msk [tilespmem:v15+s22+$0x0], $0xffff;
	[tilespmem:$0x1FF90] =	vst v10;
	v10 =	vor.u32 $0x3B, v62  }
0x15b: {  	v43 =	vor.u32 $0x11, v62;
	v44 =	vor.u32 $0xC, v62;
	v40 =	vld.idx.msk [tilespmem:v2+s22+$0x0], $0xffff;
	[tilespmem:$0x1FFA0] =	vst v10;
	v10 =	vor.u32 $0x32, v62  }
0x15c: {  	v17 =	vor.u32 $0x22, v62;
	v15 =	vor.u32 $0x26, v62;
	v41 =	vld.idx.msk [tilespmem:v16+s22+$0x0], $0xffff;
	[tilespmem:$0x1FFB0] =	vst v10;
	v10 =	vor.u32 $0x37, v62  }
0x15d: {  	v2 =	vor.u32 $0x2E, v62;
	v16 =	vor.u32 $0x27, v62;
	v42 =	vld.idx.msk [tilespmem:v11+s22+$0x0], $0xffff;
	[tilespmem:$0x1FFC0] =	vst v10;
	v10 =	vor.u32 $0x33, v62  }
0x15e: {  	s3 =	simm.s32 $0x20;
	v11 =	vor.u32 $0x2B, v62;
	v31 =	vld.idx.msk [tilespmem:v3+s22+$0x0], $0xffff;
	v3 =	vor.u32 $0x2F, v62;
	[tilespmem:$0x1FFD0] =	vst v10;
	v10 =	vor.u32 $0x2A, v62  }
.LBB2_4:
0x15f: {  	v19 =	vmul.f32 v19, v54;
	_ =	sdelay $0x1  }
0x160: {  	[tilespmem:$0x1FB80] =	vst v19;
	v19 =	vld [tilespmem:$0x1FCD0];
	_ =	sdelay $0x4  }
0x161: {  	v19 =	vmul.f32 v26, v19  }
0x162: {  	v49 =	vld.idx.msk [tilespmem:v37+s22+$0x0], $0xffff;
	v37 =	vmov v51  }
0x163: {  	[tilespmem:$0x1FB20] =	vst v19;
	v19 =	vmul.f32 v20, v37  }
0x164: {  	v45 =	vor.u32 $0xD, v62  }
0x165: {  	[tilespmem:$0x1FB40] =	vst v19;
	v19 =	vld [tilespmem:$0x1FCE0];
	_ =	sdelay $0x3  }
0x166: {  	[tilespmem:$0x1FB60] =	vst v56;
	v56 =	vld.idx.msk [tilespmem:v45+s22+$0x0], $0xffff  }
0x167: {  	v45 =	vmul.f32 v27, v19;
	v19 =	vld [tilespmem:$0x1FD20];
	_ =	sdelay $0x4  }
0x168: {  	v37 =	vmul.f32 v32, v19;
	v19 =	vld [tilespmem:$0x1FCF0];
	_ =	sdelay $0x4  }
0x169: {  	v32 =	vmul.f32 v23, v19;
	v19 =	vld [tilespmem:$0x1FD60];
	_ =	sdelay $0x3  }
0x16a: {  	v52 =	vmul.f32 v22, v52;
	v22 =	vmov v53  }
0x16b: {  	v27 =	vmul.f32 v21, v22;
	v22 =	vmul.f32 v34, v19;
	v19 =	vld [tilespmem:$0x1FD30];
	_ =	sdelay $0x4  }
0x16c: {  	v34 =	vmul.f32 v25, v19;
	v19 =	vld [tilespmem:$0x1FDA0];
	_ =	sdelay $0x4  }
0x16d: {  	v21 =	vmul.f32 v35, v19;
	v19 =	vld [tilespmem:$0x1FD70];
	_ =	sdelay $0x4  }
0x16e: {  	v20 =	vmul.f32 v30, v19;
	v19 =	vld [tilespmem:$0x1FDE0];
	_ =	sdelay $0x4  }
0x16f: {  	v38 =	vmul.f32 v38, v19;
	v19 =	vld [tilespmem:$0x1FDB0];
	_ =	sdelay $0x4  }
0x170: {  	v23 =	vmul.f32 v28, v19;
	v19 =	vld [tilespmem:$0x1FE20];
	_ =	sdelay $0x4  }
0x171: {  	v41 =	vmul.f32 v41, v19;
	v19 =	vld [tilespmem:$0x1FDF0];
	_ =	sdelay $0x2  }
0x172: {  	v46 =	vld.idx.msk [tilespmem:v39+s22+$0x0], $0xffff;
	v48 =	vor.u32 $0x8, v62  }
0x173: {  	v53 =	vld.idx.msk [tilespmem:v43+s22+$0x0], $0xffff;
	v43 =	vor.u32 $0x1, v62  }
0x174: {  	v36 =	vmul.f32 v36, v19;
	v19 =	vld [tilespmem:$0x1FE60]  }
0x175: {  	v33 =	vld.idx.msk [tilespmem:v33+s22+$0x0], $0xffff  }
0x176: {  	v44 =	vld.idx.msk [tilespmem:v44+s22+$0x0], $0xffff;
	[tilespmem:$0x1FB70] =	vst v52;
	v52 =	vor.u32 $0x4, v62  }
0x177: {  	[tilespmem:$0x1FB50] =	vst v57;
	v57 =	vor.u32 $0x2, v62;
	v48 =	vld.idx.msk [tilespmem:v48+s22+$0x0], $0xffff  }
0x178: {  	v58 =	vmul.f32 v29, v58;
	v29 =	vor.u32 $0x9, v62;
	v28 =	vld.idx.msk [tilespmem:v43+s22+$0x0], $0xffff  }
0x179: {  	v31 =	vmul.f32 v31, v19;
	v19 =	vld [tilespmem:$0x1FE30]  }
0x17a: {  	v43 =	vld [tilespmem:$0x1FEE0]  }
0x17b: {  	v55 =	vmov v50;
	v25 =	vld.idx.msk [tilespmem:v52+s22+$0x0], $0xffff;
	v52 =	vor.u32 $0x6, v62  }
0x17c: {  	v54 =	vor.u32 $0x5, v62;
	v24 =	vmul.f32 v24, v55;
	v55 =	vld.idx.msk [tilespmem:v57+s22+$0x0], $0xffff  }
0x17d: {  	v26 =	vmov v59;
	v59 =	vor.u32 $0x3, v62;
	v29 =	vld.idx.msk [tilespmem:v29+s22+$0x0], $0xffff  }
0x17e: {  	v40 =	vmul.f32 v40, v19;
	v19 =	vld [tilespmem:$0x1FEA0]  }
0x17f: {  	v33 =	vmul.f32 v33, v43;
	v43 =	vld [tilespmem:$0x1FEB0]  }
0x180: {  	v57 =	vor.u32 $0xB, v62;
	v52 =	vld.idx.msk [tilespmem:v52+s22+$0x0], $0xffff  }
0x181: {  	v35 =	vor.u32 $0x7, v62;
	v30 =	vld.idx.msk [tilespmem:v54+s22+$0x0], $0xffff  }
0x182: {  	v59 =	vld.idx.msk [tilespmem:v59+s22+$0x0], $0xffff  }
0x183: {  	v12 =	vmul.f32 v55, v12;
	v54 =	vor.u32 $0xA, v62;
	v46 =	vmul.f32 v46, v19;
	v19 =	vld [tilespmem:$0x1FE70]  }
0x184: {  	[tilespmem:$0x1FB30] =	vst v24;
	v24 =	vmovc v60;
	v60 =	vor.u32 $0xE, v62;
	v14 =	vmul.f32 v28, v14;
	v49 =	vmul.f32 v49, v43;
	v43 =	vld [tilespmem:$0x1FEF0]  }
0x185: {  	v12 =	vadd.f32 $0.0e+00, v12;
	v9 =	vmul.f32 v25, v9;
	v25 =	vld.idx.msk [tilespmem:v57+s22+$0x0], $0xffff;
	v6 =	vmul.f32 v52, v6  }
0x186: {  	v35 =	vld.idx.msk [tilespmem:v35+s22+$0x0], $0xffff;
	v8 =	vmul.f32 v30, v8;
	v14 =	vadd.f32 $0.0e+00, v14  }
0x187: {  	v7 =	vmul.f32 v48, v7;
	v4 =	vmul.f32 v29, v4;
	v6 =	vadd.f32 v6, v12;
	v12 =	vld [tilespmem:$0x1FF50]  }
0x188: {  	v48 =	vld.idx.msk [tilespmem:v54+s22+$0x0], $0xffff;
	v8 =	vadd.f32 v8, v14;
	v42 =	vmul.f32 v42, v19;
	v19 =	vmovc v61;
	v61 =	vor.u32 $0xF, v62  }
0x189: {  	v1 =	vmul.f32 v44, v1;
	v14 =	vld [tilespmem:$0x1FF40];
	v44 =	vmul.f32 v53, v43;
	v53 =	vor.u32 $0x12, v62  }
0x18a: {  	v47 =	vor.u32 $0x1E, v62;
	v0 =	vmul.f32 v56, v0;
	v28 =	vld.idx.msk [tilespmem:v60+s22+$0x0], $0xffff;
	v4 =	vadd.f32 v4, v8  }
0x18b: {  	v39 =	vor.u32 $0x23, v62;
	v50 =	vor.u32 $0x1A, v62;
	v13 =	vmul.f32 v59, v13;
	v8 =	vld [tilespmem:$0x1FF20]  }
0x18c: {  	v51 =	vor.u32 $0x1F, v62;
	v29 =	vor.u32 $0x16, v62;
	v0 =	vadd.f32 v0, v4;
	v4 =	vld [tilespmem:$0x1FF00]  }
0x18d: {  	v13 =	vadd.f32 $0.0e+00, v13;
	v30 =	vor.u32 $0x17, v62;
	v5 =	vmul.f32 v35, v5;
	v60 =	vld.idx.msk [tilespmem:v61+s22+$0x0], $0xffff  }
0x18e: {  	v14 =	vmul.f32 v48, v14;
	v43 =	vor.u32 $0x13, v62;
	v61 =	vor.u32 $0x1B, v62;
	v62 =	vld.idx.msk [tilespmem:v53+s22+$0x0], $0xffff  }
0x18f: {  	v5 =	vadd.f32 v5, v13;
	v12 =	vmul.f32 v25, v12  }
0x190: {  	v8 =	vmul.f32 v28, v8;
	v6 =	vadd.f32 v14, v6  }
0x191: {  	v5 =	vadd.f32 v12, v5;
	v12 =	vld [tilespmem:$0x1FF30]  }
0x192: {  	v6 =	vadd.f32 v8, v6;
	v8 =	vld [tilespmem:$0x1FF10]  }
0x193: {  	v43 =	vld.idx.msk [tilespmem:v43+s22+$0x0], $0xffff;
	v4 =	vmul.f32 v62, v4  }
0x194: {  	v13 =	vld.idx.msk [tilespmem:v30+s22+$0x0], $0xffff  }
0x195: {  	v4 =	vadd.f32 v4, v6;
	v6 =	vld [tilespmem:$0x1FED0]  }
0x196: {  	v12 =	vmul.f32 v60, v12;
	_ =	sdelay $0x1  }
0x197: {  	v8 =	vmul.f32 v43, v8;
	v5 =	vadd.f32 v12, v5;
	_ =	sdelay $0x1  }
0x198: {  	v5 =	vadd.f32 v8, v5;
	v6 =	vmul.f32 v13, v6  }
0x199: {  	v14 =	vld.idx.msk [tilespmem:v61+s22+$0x0], $0xffff  }
0x19a: {  	v5 =	vadd.f32 v6, v5;
	v6 =	vld [tilespmem:$0x1FE90];
	_ =	sdelay $0x4  }
0x19b: {  	v6 =	vmul.f32 v14, v6  }
0x19c: {  	v12 =	vld.idx.msk [tilespmem:v51+s22+$0x0], $0xffff  }
0x19d: {  	v18 =	vadd.f32 v58, v18;
	v5 =	vadd.f32 v6, v5;
	v6 =	vld [tilespmem:$0x1FE50];
	_ =	sdelay $0x1  }
0x19e: {  	v9 =	vadd.f32 v9, v18  }
0x19f: {  	v18 =	vld.idx.msk [tilespmem:v29+s22+$0x0], $0xffff  }
0x1a0: {  	v7 =	vadd.f32 v7, v9;
	v9 =	vld.idx.msk [tilespmem:v50+s22+$0x0], $0xffff  }
0x1a1: {  	v8 =	vld.idx.msk [tilespmem:v39+s22+$0x0], $0xffff;
	v6 =	vmul.f32 v12, v6  }
0x1a2: {  	v13 =	vld [tilespmem:$0x1FE80]  }
0x1a3: {  	v5 =	vadd.f32 v6, v5;
	v6 =	vld [tilespmem:$0x1FE10]  }
0x1a4: {  	v25 =	vld [tilespmem:$0x1FEC0];
	_ =	sdelay $0x1  }
0x1a5: {  	v1 =	vadd.f32 v1, v7;
	v7 =	vld.idx.msk [tilespmem:v47+s22+$0x0], $0xffff  }
0x1a6: {  	v9 =	vmul.f32 v9, v13;
	v13 =	vld.idx.msk [tilespmem:v15+s22+$0x0], $0xffff  }
0x1a7: {  	v15 =	vld [tilespmem:$0x1FE40];
	v6 =	vmul.f32 v8, v6  }
0x1a8: {  	v18 =	vmul.f32 v18, v25;
	v14 =	vld.idx.msk [tilespmem:v16+s22+$0x0], $0xffff  }
0x1a9: {  	v5 =	vadd.f32 v6, v5;
	v6 =	vld [tilespmem:$0x1FDD0]  }
0x1aa: {  	v4 =	vadd.f32 v18, v4  }
0x1ab: {  	v17 =	vld.idx.msk [tilespmem:v17+s22+$0x0], $0xffff  }
0x1ac: {  	v4 =	vadd.f32 v9, v4;
	v9 =	vld.idx.msk [tilespmem:v11+s22+$0x0], $0xffff  }
0x1ad: {  	v11 =	vld [tilespmem:$0x1FE00];
	v7 =	vmul.f32 v7, v15  }
0x1ae: {  	v6 =	vmul.f32 v14, v6  }
0x1af: {  	v4 =	vadd.f32 v7, v4;
	v7 =	vld [tilespmem:$0x1FDC0]  }
0x1b0: {  	v5 =	vadd.f32 v6, v5;
	v6 =	vld [tilespmem:$0x1FD90]  }
0x1b1: {  	v10 =	vld.idx.msk [tilespmem:v10+s22+$0x0], $0xffff  }
0x1b2: {  	v2 =	vld.idx.msk [tilespmem:v2+s22+$0x0], $0xffff;
	v11 =	vmul.f32 v17, v11  }
0x1b3: {  	v3 =	vld.idx.msk [tilespmem:v3+s22+$0x0], $0xffff  }
0x1b4: {  	v4 =	vadd.f32 v11, v4;
	v11 =	vld [tilespmem:$0x1FFD0];
	v7 =	vmul.f32 v13, v7  }
0x1b5: {  	v12 =	vld [tilespmem:$0x1FD80];
	v6 =	vmul.f32 v9, v6  }
0x1b6: {  	v4 =	vadd.f32 v7, v4;
	v7 =	vld [tilespmem:$0x1FFC0]  }
0x1b7: {  	v5 =	vadd.f32 v6, v5;
	v6 =	vld [tilespmem:$0x1FD50]  }
0x1b8: {  	v8 =	vld [tilespmem:$0x1FFB0]  }
0x1b9: {  	v9 =	vld [tilespmem:$0x1FD40]  }
0x1ba: {  	v1 =	vadd.f32 v33, v1  }
0x1bb: {  	v10 =	vmul.f32 v10, v12  }
0x1bc: {  	v1 =	vadd.f32 v46, v1;
	v3 =	vmul.f32 v3, v6;
	v6 =	vld [tilespmem:$0x1FFA0]  }
0x1bd: {  	v4 =	vadd.f32 v10, v4;
	v10 =	vld [tilespmem:$0x1FD00]  }
0x1be: {  	v1 =	vadd.f32 v31, v1;
	v11 =	vld.idx.msk [tilespmem:v11+s22+$0x0], $0xffff;
	v2 =	vmul.f32 v2, v9  }
0x1bf: {  	v0 =	vadd.f32 v44, v0;
	v7 =	vld.idx.msk [tilespmem:v7+s22+$0x0], $0xffff  }
0x1c0: {  	v1 =	vadd.f32 v41, v1;
	v2 =	vadd.f32 v2, v4;
	v4 =	vld [tilespmem:$0x1FD10]  }
0x1c1: {  	v0 =	vadd.f32 v49, v0;
	v8 =	vld.idx.msk [tilespmem:v8+s22+$0x0], $0xffff  }
0x1c2: {  	v1 =	vadd.f32 v38, v1;
	v3 =	vadd.f32 v3, v5;
	v5 =	vld [tilespmem:$0x1FF80]  }
0x1c3: {  	v0 =	vadd.f32 v42, v0  }
0x1c4: {  	v1 =	vadd.f32 v21, v1;
	v6 =	vld.idx.msk [tilespmem:v6+s22+$0x0], $0xffff  }
0x1c5: {  	v0 =	vadd.f32 v40, v0;
	v12 =	vld [tilespmem:$0x1FF90];
	v4 =	vmul.f32 v11, v4  }
0x1c6: {  	v1 =	vadd.f32 v22, v1;
	v8 =	vmul.f32 v8, v10;
	v10 =	vld [tilespmem:$0x1FF60]  }
0x1c7: {  	v0 =	vadd.f32 v36, v0;
	v3 =	vadd.f32 v4, v3;
	v4 =	vmul.f32 v7, v19;
	v7 =	vld [tilespmem:$0x1FB20]  }
0x1c8: {  	v1 =	vadd.f32 v37, v1;
	v9 =	vld [tilespmem:$0x1FF70]  }
0x1c9: {  	v0 =	vadd.f32 v23, v0;
	v3 =	vadd.f32 v4, v3;
	v4 =	vmul.f32 v6, v26;
	v6 =	vld [tilespmem:$0x1FB30]  }
0x1ca: {  	v1 =	vadd.f32 v45, v1;
	v5 =	vld.idx.msk [tilespmem:v5+s22+$0x0], $0xffff  }
0x1cb: {  	v0 =	vadd.f32 v20, v0;
	v3 =	vadd.f32 v4, v3;
	v4 =	vld [tilespmem:$0x1FB60]  }
0x1cc: {  	v1 =	vadd.f32 v7, v1  }
0x1cd: {  	v0 =	vadd.f32 v34, v0  }
0x1ce: {  	v1 =	vadd.f32 v6, v1;
	v6 =	vld [tilespmem:$0x1FB40]  }
0x1cf: {  	v0 =	vadd.f32 v32, v0;
	v12 =	vld.idx.msk [tilespmem:v12+s22+$0x0], $0xffff  }
0x1d0: {  	v4 =	vmul.f32 v5, v4;
	v5 =	vld [tilespmem:$0x1FB70]  }
0x1d1: {  	v0 =	vadd.f32 v27, v0;
	v9 =	vld.idx.msk [tilespmem:v9+s22+$0x0], $0xffff  }
0x1d2: {  	v10 =	vld.idx.msk [tilespmem:v10+s22+$0x0], $0xffff  }
0x1d3: {  	v0 =	vadd.f32 v6, v0;
	v6 =	vld [tilespmem:$0x1FB50]  }
0x1d4: {  	v2 =	vadd.f32 v8, v2;
	v11 =	vmul.f32 v12, v63  }
0x1d5: {  	v1 =	vadd.f32 v5, v1;
	v5 =	vld [tilespmem:$0x1FB80]  }
0x1d6: {  	v2 =	vadd.f32 v11, v2;
	v7 =	vmul.f32 v9, v24;
	_ =	sdelay $0x1  }
0x1d7: {  	v2 =	vadd.f32 v7, v2;
	v6 =	vmul.f32 v10, v6  }
0x1d8: {  	v3 =	vadd.f32 v4, v3  }
0x1d9: {  	v0 =	vadd.f32 v5, v0;
	v2 =	vadd.f32 v6, v2;
	_ =	sdelay $0x1  }
0x1da: {  	v0 =	vadd.f32 v0, v1;
	v1 =	vadd.f32 v3, v2;
	_ =	sdelay $0x1  }
0x1db: {  	v0 =	vadd.f32 v1, v0  }
0x1dc: {  	s28 =	sadd.s32 $0x10, s28  }
0x1dd: {  	s29 =	sadd.s32 $0x10, s29;
	[tilespmem:s28+$0x0] =	vst v0  }
0x1de: {  	v0 =	vld [tilespmem:s29+$0x0]  }
0x1df: {  	v55 =	vld [tilespmem:$0x1FFF0];
	_ =	sdelay $0x2  }
0x1e0: {  	v1 =	vmov s3  }
0x1e1: {  	v1 =	vshll.u32 v1, $0x7;
	v0 =	vshrl.u32 v0, $0x7  }
0x1e2: {  	v5 =	vor.u32 v55, v1;
	v0 =	vand.u32 $0x40, v0  }
0x1e3: {  	v6 =	vor.u32 v5, v0  }
0x1e4: {  	v1 =	vor.u32 $0x3D, v6  }
0x1e5: {  	v4 =	vor.u32 $0x3E, v6;
	_ =	sdelay $0x3  }
0x1e6: {  	v54 =	vld.idx.msk [tilespmem:v1+s20+$0x0], $0xffff;
	v1 =	vor.u32 $0x3B, v6  }
0x1e7: {  	v57 =	vld.idx.msk [tilespmem:v4+s20+$0x0], $0xffff;
	v4 =	vor.u32 $0x34, v6;
	_ =	sdelay $0x3  }
0x1e8: {  	v7 =	vor.u32 $0x3F, v6;
	v59 =	vld.idx.msk [tilespmem:v1+s20+$0x0], $0xffff  }
0x1e9: {  	v1 =	vor.u32 $0x31, v6;
	v4 =	vld.idx.msk [tilespmem:v4+s20+$0x0], $0xffff;
	_ =	sdelay $0x1  }
0x1ea: {  	v0 =	vor.u32 $0x3C, v6  }
0x1eb: {  	v8 =	vor.u32 $0x38, v6  }
0x1ec: {  	v56 =	vld.idx.msk [tilespmem:v7+s20+$0x0], $0xffff;
	v7 =	vor.u32 $0x35, v6  }
0x1ed: {  	[tilespmem:$0x1FCD0] =	vst v4;
	v4 =	vor.u32 $0x32, v6;
	v1 =	vld.idx.msk [tilespmem:v1+s20+$0x0], $0xffff  }
0x1ee: {  	v9 =	vor.u32 $0x39, v6  }
0x1ef: {  	v52 =	vld.idx.msk [tilespmem:v0+s20+$0x0], $0xffff;
	v0 =	vor.u32 $0x3A, v6  }
0x1f0: {  	v50 =	vld.idx.msk [tilespmem:v8+s20+$0x0], $0xffff;
	v8 =	vor.u32 $0x36, v6  }
0x1f1: {  	v53 =	vld.idx.msk [tilespmem:v7+s20+$0x0], $0xffff;
	v7 =	vor.u32 $0x33, v6  }
0x1f2: {  	[tilespmem:$0x1FCF0] =	vst v1;
	v1 =	vor.u32 $0x2F, v6;
	v4 =	vld.idx.msk [tilespmem:v4+s20+$0x0], $0xffff  }
0x1f3: {  	v51 =	vld.idx.msk [tilespmem:v9+s20+$0x0], $0xffff  }
0x1f4: {  	v9 =	vor.u32 $0x37, v6;
	v60 =	vld.idx.msk [tilespmem:v0+s20+$0x0], $0xffff  }
0x1f5: {  	v0 =	vor.u32 $0x30, v6;
	v63 =	vld.idx.msk [tilespmem:v8+s20+$0x0], $0xffff  }
0x1f6: {  	v8 =	vor.u32 $0x2C, v6;
	v7 =	vld.idx.msk [tilespmem:v7+s20+$0x0], $0xffff  }
0x1f7: {  	[tilespmem:$0x1FD00] =	vst v4;
	v4 =	vor.u32 $0x28, v6;
	v1 =	vld.idx.msk [tilespmem:v1+s20+$0x0], $0xffff;
	_ =	sdelay $0x1  }
0x1f8: {  	v61 =	vld.idx.msk [tilespmem:v9+s20+$0x0], $0xffff  }
0x1f9: {  	v9 =	vor.u32 $0x2D, v6;
	v0 =	vld.idx.msk [tilespmem:v0+s20+$0x0], $0xffff  }
0x1fa: {  	v8 =	vld.idx.msk [tilespmem:v8+s20+$0x0], $0xffff;
	[tilespmem:$0x1FD10] =	vst v7;
	v7 =	vor.u32 $0x29, v6  }
0x1fb: {  	[tilespmem:$0x1FD50] =	vst v1;
	v1 =	vor.u32 $0x25, v6;
	v4 =	vld.idx.msk [tilespmem:v4+s20+$0x0], $0xffff;
	_ =	sdelay $0x2  }
0x1fc: {  	v9 =	vld.idx.msk [tilespmem:v9+s20+$0x0], $0xffff;
	[tilespmem:$0x1FCE0] =	vst v0;
	v0 =	vor.u32 $0x2E, v6  }
0x1fd: {  	[tilespmem:$0x1FD20] =	vst v8;
	v8 =	vor.u32 $0x2A, v6;
	v7 =	vld.idx.msk [tilespmem:v7+s20+$0x0], $0xffff  }
0x1fe: {  	[tilespmem:$0x1FD60] =	vst v4;
	v4 =	vor.u32 $0x26, v6;
	v1 =	vld.idx.msk [tilespmem:v1+s20+$0x0], $0xffff;
	_ =	sdelay $0x2  }
0x1ff: {  	[tilespmem:$0x1FD30] =	vst v9;
	v9 =	vor.u32 $0x2B, v6;
	v0 =	vld.idx.msk [tilespmem:v0+s20+$0x0], $0xffff  }
0x200: {  	v8 =	vld.idx.msk [tilespmem:v8+s20+$0x0], $0xffff;
	[tilespmem:$0x1FD70] =	vst v7;
	v7 =	vor.u32 $0x27, v6  }
0x201: {  	[tilespmem:$0x1FDB0] =	vst v1;
	v1 =	vor.u32 $0x23, v6;
	v4 =	vld.idx.msk [tilespmem:v4+s20+$0x0], $0xffff;
	_ =	sdelay $0x2  }
0x202: {  	v9 =	vld.idx.msk [tilespmem:v9+s20+$0x0], $0xffff;
	[tilespmem:$0x1FD40] =	vst v0;
	v0 =	vor.u32 $0x24, v6  }
0x203: {  	[tilespmem:$0x1FD80] =	vst v8;
	v8 =	vor.u32 $0x20, v6;
	v7 =	vld.idx.msk [tilespmem:v7+s20+$0x0], $0xffff  }
0x204: {  	[tilespmem:$0x1FDC0] =	vst v4;
	v4 =	vor.u32 $0x1C, v6;
	v1 =	vld.idx.msk [tilespmem:v1+s20+$0x0], $0xffff;
	_ =	sdelay $0x2  }
0x205: {  	[tilespmem:$0x1FD90] =	vst v9;
	v9 =	vor.u32 $0x21, v6;
	v0 =	vld.idx.msk [tilespmem:v0+s20+$0x0], $0xffff  }
0x206: {  	v8 =	vld.idx.msk [tilespmem:v8+s20+$0x0], $0xffff;
	[tilespmem:$0x1FDD0] =	vst v7;
	v7 =	vor.u32 $0x1D, v6  }
0x207: {  	[tilespmem:$0x1FE10] =	vst v1;
	v1 =	vor.u32 $0x19, v6;
	v4 =	vld.idx.msk [tilespmem:v4+s20+$0x0], $0xffff;
	_ =	sdelay $0x2  }
0x208: {  	v9 =	vld.idx.msk [tilespmem:v9+s20+$0x0], $0xffff;
	[tilespmem:$0x1FDA0] =	vst v0;
	v0 =	vor.u32 $0x22, v6  }
0x209: {  	[tilespmem:$0x1FDE0] =	vst v8;
	v8 =	vor.u32 $0x1E, v6;
	v7 =	vld.idx.msk [tilespmem:v7+s20+$0x0], $0xffff  }
0x20a: {  	[tilespmem:$0x1FE20] =	vst v4;
	v4 =	vor.u32 $0x1A, v6;
	v1 =	vld.idx.msk [tilespmem:v1+s20+$0x0], $0xffff;
	_ =	sdelay $0x2  }
0x20b: {  	[tilespmem:$0x1FDF0] =	vst v9;
	v9 =	vor.u32 $0x1F, v6;
	v0 =	vld.idx.msk [tilespmem:v0+s20+$0x0], $0xffff  }
0x20c: {  	v8 =	vld.idx.msk [tilespmem:v8+s20+$0x0], $0xffff;
	[tilespmem:$0x1FE30] =	vst v7;
	v7 =	vor.u32 $0x1B, v6  }
0x20d: {  	[tilespmem:$0x1FE70] =	vst v1;
	v1 =	vor.u32 $0x17, v6;
	v4 =	vld.idx.msk [tilespmem:v4+s20+$0x0], $0xffff;
	_ =	sdelay $0x2  }
0x20e: {  	v9 =	vld.idx.msk [tilespmem:v9+s20+$0x0], $0xffff;
	[tilespmem:$0x1FE00] =	vst v0;
	v0 =	vor.u32 $0x18, v6  }
0x20f: {  	[tilespmem:$0x1FE40] =	vst v8;
	v8 =	vor.u32 $0x14, v6;
	v7 =	vld.idx.msk [tilespmem:v7+s20+$0x0], $0xffff  }
0x210: {  	[tilespmem:$0x1FE80] =	vst v4;
	v4 =	vor.u32 $0x10, v6;
	v1 =	vld.idx.msk [tilespmem:v1+s20+$0x0], $0xffff;
	_ =	sdelay $0x2  }
0x211: {  	[tilespmem:$0x1FE50] =	vst v9;
	v0 =	vld.idx.msk [tilespmem:v0+s20+$0x0], $0xffff  }
0x212: {  	v9 =	vor.u32 $0x15, v6;
	v8 =	vld.idx.msk [tilespmem:v8+s20+$0x0], $0xffff;
	[tilespmem:$0x1FE90] =	vst v7  }
0x213: {  	v7 =	vor.u32 $0x11, v6;
	[tilespmem:$0x1FED0] =	vst v1;
	v1 =	vld.idx.msk [tilespmem:v4+s20+$0x0], $0xffff;
	_ =	sdelay $0x2  }
0x214: {  	[tilespmem:$0x1FE60] =	vst v0  }
0x215: {  	v9 =	vld.idx.msk [tilespmem:v9+s20+$0x0], $0xffff;
	v0 =	vor.u32 $0x16, v6;
	[tilespmem:$0x1FEA0] =	vst v8  }
0x216: {  	v8 =	vor.u32 $0x12, v6;
	[tilespmem:$0x1FEE0] =	vst v1;
	v1 =	vld.idx.msk [tilespmem:v7+s20+$0x0], $0xffff;
	_ =	sdelay $0x3  }
0x217: {  	[tilespmem:$0x1FEB0] =	vst v9;
	v0 =	vld.idx.msk [tilespmem:v0+s20+$0x0], $0xffff  }
0x218: {  	v9 =	vor.u32 $0x13, v6;
	[tilespmem:$0x1FEF0] =	vst v1;
	v1 =	vld.idx.msk [tilespmem:v8+s20+$0x0], $0xffff;
	_ =	sdelay $0x3  }
0x219: {  	[tilespmem:$0x1FEC0] =	vst v0;
	v4 =	vor.u32 $0xE, v6  }
0x21a: {  	v0 =	vor.u32 $0xC, v6;
	[tilespmem:$0x1FF00] =	vst v1;
	v1 =	vld.idx.msk [tilespmem:v9+s20+$0x0], $0xffff  }
0x21b: {  	v10 =	vor.u32 $0xD, v6;
	_ =	sdelay $0x2  }
0x21c: {  	v7 =	vor.u32 $0xF, v6;
	v4 =	vld.idx.msk [tilespmem:v4+s20+$0x0], $0xffff  }
0x21d: {  	v8 =	vor.u32 $0x8, v6;
	[tilespmem:$0x1FF10] =	vst v1;
	v1 =	vld.idx.msk [tilespmem:v0+s20+$0x0], $0xffff  }
0x21e: {  	v0 =	vld.idx.msk [tilespmem:v10+s20+$0x0], $0xffff;
	v10 =	vor.u32 $0xA, v6;
	_ =	sdelay $0x2  }
0x21f: {  	[tilespmem:$0x1FF20] =	vst v4;
	v4 =	vld.idx.msk [tilespmem:v7+s20+$0x0], $0xffff  }
0x220: {  	v9 =	vor.u32 $0x9, v6;
	v7 =	vld.idx.msk [tilespmem:v8+s20+$0x0], $0xffff  }
0x221: {  	v11 =	vor.u32 $0xB, v6;
	v8 =	vld.idx.msk [tilespmem:v10+s20+$0x0], $0xffff  }
0x222: {  	v13 =	vor.u32 $0x4, v6  }
0x223: {  	s30 =	sadd.s32 $0x10, s30  }
0x224: {  	v12 =	vld [tilespmem:s30+$0x0]  }
0x225: {  	[tilespmem:$0x1FF30] =	vst v4;
	v4 =	vld.idx.msk [tilespmem:v9+s20+$0x0], $0xffff  }
0x226: {  	[tilespmem:$0x1FF40] =	vst v8;
	v8 =	vld.idx.msk [tilespmem:v11+s20+$0x0], $0xffff  }
0x227: {  	v9 =	vld.idx.msk [tilespmem:v13+s20+$0x0], $0xffff;
	v13 =	vor.u32 $0x3, v6  }
0x228: {  	s31 =	sadd.s32 $0x10, s31;
	v15 =	vor.u32 $0x6, v6  }
0x229: {  	s0 =	sadd.s32 $0x10, s0;
	v2 =	vld [tilespmem:s31+$0x0];
	v14 =	vor.u32 $0x5, v6  }
0x22a: {  	v3 =	vld [tilespmem:s0+$0x0];
	v10 =	vor.u32 $0x1, v6  }
0x22b: {  	v16 =	vor.u32 $0x7, v6;
	v58 =	vld.idx.msk [tilespmem:v6+s20+$0x0], $0xffff;
	[tilespmem:$0x1FF50] =	vst v8;
	v8 =	vshrl.u32 v12, $0x7  }
0x22c: {  	v13 =	vld.idx.msk [tilespmem:v13+s20+$0x0], $0xffff;
	v11 =	vor.u32 $0x2, v6;
	v12 =	vand.u32 $0x40, v8  }
0x22d: {  	v6 =	vld.idx.msk [tilespmem:v15+s20+$0x0], $0xffff;
	v62 =	vor.u32 v5, v12  }
0x22e: {  	v8 =	vld.idx.msk [tilespmem:v14+s20+$0x0], $0xffff;
	v15 =	vor.u32 $0x3C, v62  }
0x22f: {  	v14 =	vld.idx.msk [tilespmem:v10+s20+$0x0], $0xffff;
	v10 =	vor.u32 $0x3D, v62  }
0x230: {  	v5 =	vld.idx.msk [tilespmem:v16+s20+$0x0], $0xffff;
	v17 =	vor.u32 $0x34, v62  }
0x231: {  	v12 =	vld.idx.msk [tilespmem:v11+s20+$0x0], $0xffff;
	v11 =	vor.u32 $0x38, v62  }
0x232: {  	v16 =	vor.u32 $0x39, v62;
	v29 =	vld.idx.msk [tilespmem:v62+s22+$0x0], $0xffff  }
0x233: {  	v18 =	vor.u32 $0x35, v62;
	v22 =	vld.idx.msk [tilespmem:v15+s22+$0x0], $0xffff  }
0x234: {  	v2 =	vadd.f32 v3, v2;
	v3 =	vor.u32 $0x21, v62;
	v19 =	vld.idx.msk [tilespmem:v10+s22+$0x0], $0xffff  }
0x235: {  	v26 =	vld.idx.msk [tilespmem:v17+s22+$0x0], $0xffff;
	v17 =	vor.u32 $0x28, v62  }
0x236: {  	v24 =	vld.idx.msk [tilespmem:v11+s22+$0x0], $0xffff  }
0x237: {  	v15 =	vor.u32 $0x30, v62;
	v20 =	vld.idx.msk [tilespmem:v16+s22+$0x0], $0xffff  }
0x238: {  	v10 =	vor.u32 $0x31, v62;
	v21 =	vld.idx.msk [tilespmem:v18+s22+$0x0], $0xffff  }
0x239: {  	v11 =	vor.u32 $0x2C, v62;
	v36 =	vld.idx.msk [tilespmem:v3+s22+$0x0], $0xffff  }
0x23a: {  	v16 =	vor.u32 $0x2D, v62;
	v34 =	vld.idx.msk [tilespmem:v17+s22+$0x0], $0xffff  }
0x23b: {  	v18 =	vor.u32 $0x29, v62;
	v17 =	vld [tilespmem:$0x1FFE0]  }
0x23c: {  	v49 =	vor.u32 $0x19, v62;
	v27 =	vld.idx.msk [tilespmem:v15+s22+$0x0], $0xffff  }
0x23d: {  	v15 =	vor.u32 $0x24, v62;
	v23 =	vld.idx.msk [tilespmem:v10+s22+$0x0], $0xffff  }
0x23e: {  	v10 =	vor.u32 $0x25, v62;
	v32 =	vld.idx.msk [tilespmem:v11+s22+$0x0], $0xffff  }
0x23f: {  	v3 =	vor.u32 $0x33, v62;
	v11 =	vor.u32 $0x20, v62;
	v25 =	vld.idx.msk [tilespmem:v16+s22+$0x0], $0xffff  }
0x240: {  	[tilespmem:$0x1FFD0] =	vst v3;
	v16 =	vor.u32 $0x1C, v62;
	v30 =	vld.idx.msk [tilespmem:v18+s22+$0x0], $0xffff;
	v18 =	vadd.f32 v2, v17;
	v2 =	vor.u32 $0x3E, v62  }
0x241: {  	v42 =	vld.idx.msk [tilespmem:v49+s22+$0x0], $0xffff;
	v17 =	vor.u32 $0x1D, v62;
	[tilespmem:$0x1FF60] =	vst v2;
	v2 =	vor.u32 $0x3A, v62  }
0x242: {  	p0 =	sne.s32 s3, $0xF0;
	v39 =	vor.u32 $0x14, v62;
	v35 =	vld.idx.msk [tilespmem:v15+s22+$0x0], $0xffff;
	v15 =	vor.u32 $0x18, v62;
	[tilespmem:$0x1FF70] =	vst v2;
	v2 =	vor.u32 $0x3F, v62  }
.Ltmp1:
0x243: {  	v37 =	vor.u32 $0x15, v62;
	v33 =	vor.u32 $0x10, v62;
	v28 =	vld.idx.msk [tilespmem:v10+s22+$0x0], $0xffff;
	[tilespmem:$0x1FF80] =	vst v2;
	v2 =	vor.u32 $0x36, v62;
	(pc) =	sbr.rel @p0 .LBB2_4-.Ltmp1, $4  }
0x244: {  	v43 =	vor.u32 $0x11, v62;
	v44 =	vor.u32 $0xC, v62;
	v38 =	vld.idx.msk [tilespmem:v11+s22+$0x0], $0xffff;
	[tilespmem:$0x1FF90] =	vst v2;
	v2 =	vor.u32 $0x3B, v62  }
0x245: {  	v3 =	vor.u32 $0x2F, v62;
	v41 =	vld.idx.msk [tilespmem:v16+s22+$0x0], $0xffff;
	v10 =	vor.u32 $0x2A, v62;
	[tilespmem:$0x1FFA0] =	vst v2;
	v2 =	vor.u32 $0x32, v62  }
0x246: {  	v11 =	vor.u32 $0x2B, v62;
	v16 =	vor.u32 $0x27, v62;
	v40 =	vld.idx.msk [tilespmem:v17+s22+$0x0], $0xffff;
	[tilespmem:$0x1FFB0] =	vst v2;
	v2 =	vor.u32 $0x37, v62  }
0x247: {  	s3 =	sadd.s32 $0x10, s3;
	v31 =	vld.idx.msk [tilespmem:v15+s22+$0x0], $0xffff;
	v15 =	vor.u32 $0x26, v62;
	v17 =	vor.u32 $0x22, v62;
	[tilespmem:$0x1FFC0] =	vst v2;
	v2 =	vor.u32 $0x2E, v62  }
0x248: {  	_ =	sdelay $0x3  }
0x249: {  	v45 =	vld.idx.msk [tilespmem:v39+s22+$0x0], $0xffff;
	v47 =	vmul.f32 v29, v58;
	v22 =	vmul.f32 v22, v52  }
0x24a: {  	v58 =	vmul.f32 v24, v50;
	v24 =	vmul.f32 v19, v54;
	v54 =	vld [tilespmem:$0x1FCD0]  }
0x24b: {  	[tilespmem:$0x1FB10] =	vst v22;
	v22 =	vld [tilespmem:$0x1FCE0]  }
0x24c: {  	v37 =	vld.idx.msk [tilespmem:v37+s22+$0x0], $0xffff  }
0x24d: {  	v33 =	vld.idx.msk [tilespmem:v33+s22+$0x0], $0xffff  }
0x24e: {  	v43 =	vld.idx.msk [tilespmem:v43+s22+$0x0], $0xffff  }
0x24f: {  	v44 =	vld.idx.msk [tilespmem:v44+s22+$0x0], $0xffff;
	v39 =	vmul.f32 v26, v54  }
0x250: {  	v26 =	vmul.f32 v20, v51;
	v20 =	vmul.f32 v27, v22;
	v22 =	vld [tilespmem:$0x1FD70]  }
0x251: {  	v29 =	vld [tilespmem:$0x1FCF0]  }
0x252: {  	v52 =	vld [tilespmem:$0x1FD60]  }
0x253: {  	v19 =	vmul.f32 v21, v53;
	v53 =	vld [tilespmem:$0x1FD30]  }
0x254: {  	v10 =	vld.idx.msk [tilespmem:v10+s22+$0x0], $0xffff  }
0x255: {  	v30 =	vmul.f32 v30, v22;
	v22 =	vld [tilespmem:$0x1FDE0]  }
0x256: {  	v48 =	vor.u32 $0x8, v62;
	v11 =	vld.idx.msk [tilespmem:v11+s22+$0x0], $0xffff  }
0x257: {  	v50 =	vor.u32 $0x4, v62;
	v2 =	vld.idx.msk [tilespmem:v2+s22+$0x0], $0xffff  }
0x258: {  	v3 =	vld.idx.msk [tilespmem:v3+s22+$0x0], $0xffff  }
0x259: {  	v49 =	vor.u32 $0x9, v62;
	v54 =	vld [tilespmem:$0x1FDA0]  }
0x25a: {  	v38 =	vmul.f32 v38, v22;
	v22 =	vld [tilespmem:$0x1FDB0]  }
0x25b: {  	v51 =	vor.u32 $0x5, v62;
	v21 =	vmul.f32 v23, v29;
	v29 =	vmul.f32 v34, v52;
	v34 =	vld.idx.msk [tilespmem:v48+s22+$0x0], $0xffff  }
0x25c: {  	v50 =	vld.idx.msk [tilespmem:v50+s22+$0x0], $0xffff  }
0x25d: {  	v48 =	vor.u32 $0x2, v62;
	v27 =	vld [tilespmem:$0x1FD20]  }
0x25e: {  	v23 =	vmul.f32 v25, v53;
	v52 =	vor.u32 $0x6, v62;
	v25 =	vmul.f32 v35, v54;
	v35 =	vld.idx.msk [tilespmem:v49+s22+$0x0], $0xffff  }
0x25f: {  	v28 =	vmul.f32 v28, v22;
	v22 =	vld [tilespmem:$0x1FE20]  }
0x260: {  	v51 =	vld.idx.msk [tilespmem:v51+s22+$0x0], $0xffff  }
0x261: {  	v53 =	vor.u32 $0x7, v62;
	v54 =	vld [tilespmem:$0x1FEA0]  }
0x262: {  	v48 =	vld.idx.msk [tilespmem:v48+s22+$0x0], $0xffff  }
0x263: {  	v46 =	vor.u32 $0xD, v62;
	v1 =	vmul.f32 v44, v1;
	v44 =	vld.idx.msk [tilespmem:v52+s22+$0x0], $0xffff  }
0x264: {  	v41 =	vmul.f32 v41, v22;
	v22 =	vld [tilespmem:$0x1FDF0]  }
0x265: {  	v52 =	vld [tilespmem:$0x1FEF0]  }
0x266: {  	v49 =	vor.u32 $0x3, v62;
	v7 =	vmul.f32 v34, v7;
	v34 =	vld.idx.msk [tilespmem:v53+s22+$0x0], $0xffff  }
0x267: {  	v9 =	vmul.f32 v50, v9;
	v53 =	vor.u32 $0xE, v62;
	v50 =	vld [tilespmem:$0x1FF50]  }
0x268: {  	v27 =	vmul.f32 v32, v27;
	v32 =	vld.idx.msk [tilespmem:v46+s22+$0x0], $0xffff  }
0x269: {  	v36 =	vmul.f32 v36, v22;
	v22 =	vld [tilespmem:$0x1FE60]  }
0x26a: {  	v46 =	vor.u32 $0x1, v62;
	v45 =	vmul.f32 v45, v54;
	v54 =	vld [tilespmem:$0x1FEE0]  }
0x26b: {  	v49 =	vld.idx.msk [tilespmem:v49+s22+$0x0], $0xffff  }
0x26c: {  	v43 =	vmul.f32 v43, v52;
	v52 =	vor.u32 $0xB, v62;
	v53 =	vld.idx.msk [tilespmem:v53+s22+$0x0], $0xffff  }
0x26d: {  	v18 =	vadd.f32 v47, v18;
	v47 =	vor.u32 $0x13, v62;
	v6 =	vmul.f32 v44, v6;
	v44 =	vld [tilespmem:$0x1FF90]  }
0x26e: {  	v12 =	vmul.f32 v48, v12;
	v31 =	vmul.f32 v31, v22;
	v22 =	vld [tilespmem:$0x1FE30]  }
0x26f: {  	v8 =	vmul.f32 v51, v8;
	v51 =	vor.u32 $0x1F, v62;
	v46 =	vld.idx.msk [tilespmem:v46+s22+$0x0], $0xffff;
	v0 =	vmul.f32 v32, v0  }
0x270: {  	v12 =	vadd.f32 $0.0e+00, v12;
	v32 =	vld.idx.msk [tilespmem:v16+s22+$0x0], $0xffff;
	v33 =	vmul.f32 v33, v54;
	v54 =	vor.u32 $0xA, v62  }
0x271: {  	v9 =	vadd.f32 v9, v18;
	v5 =	vmul.f32 v34, v5;
	v34 =	vld.idx.msk [tilespmem:v52+s22+$0x0], $0xffff;
	v52 =	vor.u32 $0x16, v62  }
0x272: {  	v6 =	vadd.f32 v6, v12;
	v12 =	vld.idx.msk [tilespmem:v47+s22+$0x0], $0xffff  }
0x273: {  	v7 =	vadd.f32 v7, v9;
	v40 =	vmul.f32 v40, v22;
	v22 =	vld [tilespmem:$0x1FE70]  }
0x274: {  	v51 =	vld.idx.msk [tilespmem:v51+s22+$0x0], $0xffff  }
0x275: {  	v1 =	vadd.f32 v1, v7;
	v13 =	vmul.f32 v49, v13;
	v14 =	vmul.f32 v46, v14;
	v46 =	vld.idx.msk [tilespmem:v54+s22+$0x0], $0xffff  }
0x276: {  	v9 =	vld.idx.msk [tilespmem:v52+s22+$0x0], $0xffff  }
0x277: {  	v13 =	vadd.f32 $0.0e+00, v13;
	v1 =	vadd.f32 v33, v1;
	v52 =	vld [tilespmem:$0x1FF20]  }
0x278: {  	v14 =	vadd.f32 $0.0e+00, v14;
	v54 =	vor.u32 $0x17, v62;
	v42 =	vmul.f32 v42, v22;
	v22 =	vld [tilespmem:$0x1FEB0]  }
0x279: {  	v4 =	vmul.f32 v35, v4;
	v33 =	vld [tilespmem:$0x1FE50];
	v5 =	vadd.f32 v5, v13  }
0x27a: {  	v1 =	vadd.f32 v45, v1;
	v45 =	vld [tilespmem:$0x1FD40];
	v34 =	vmul.f32 v34, v50;
	v8 =	vadd.f32 v8, v14  }
0x27b: {  	v50 =	vld [tilespmem:$0x1FEC0]  }
0x27c: {  	v5 =	vadd.f32 v34, v5;
	v34 =	vld [tilespmem:$0x1FE00];
	v4 =	vadd.f32 v4, v8  }
0x27d: {  	v8 =	vmul.f32 v53, v52;
	v53 =	vld.idx.msk [tilespmem:v54+s22+$0x0], $0xffff;
	v37 =	vmul.f32 v37, v22;
	v22 =	vor.u32 $0xF, v62  }
0x27e: {  	v54 =	vld [tilespmem:$0x1FF30]  }
0x27f: {  	v0 =	vadd.f32 v0, v4;
	v52 =	vld [tilespmem:$0x1FED0]  }
0x280: {  	v9 =	vmul.f32 v9, v50;
	v50 =	vld [tilespmem:$0x1FFA0]  }
0x281: {  	v0 =	vadd.f32 v43, v0;
	v43 =	vld [tilespmem:$0x1FD90]  }
0x282: {  	v1 =	vadd.f32 v31, v1;
	v35 =	vld.idx.msk [tilespmem:v22+s22+$0x0], $0xffff  }
0x283: {  	v48 =	vor.u32 $0x12, v62;
	v22 =	vld [tilespmem:$0x1FF40]  }
0x284: {  	v31 =	vld [tilespmem:$0x1FE40];
	v1 =	vadd.f32 v41, v1  }
0x285: {  	v49 =	vor.u32 $0x1A, v62;
	v41 =	vld [tilespmem:$0x1FD80]  }
0x286: {  	v1 =	vadd.f32 v38, v1;
	v38 =	vld [tilespmem:$0x1FDD0]  }
0x287: {  	v0 =	vadd.f32 v37, v0;
	v37 =	vld [tilespmem:$0x1FDC0]  }
0x288: {  	v14 =	vmul.f32 v46, v22;
	v46 =	vld.idx.msk [tilespmem:v48+s22+$0x0], $0xffff;
	v48 =	vor.u32 $0x1B, v62  }
0x289: {  	v0 =	vadd.f32 v42, v0;
	v42 =	vld [tilespmem:$0x1FFD0]  }
0x28a: {  	v22 =	vld.idx.msk [tilespmem:v49+s22+$0x0], $0xffff  }
0x28b: {  	v13 =	vor.u32 $0x1E, v62;
	v18 =	vmul.f32 v35, v54;
	v35 =	vld [tilespmem:$0x1FF00]  }
0x28c: {  	v54 =	vld [tilespmem:$0x1FE80]  }
0x28d: {  	v62 =	vor.u32 $0x23, v62;
	v47 =	vld.idx.msk [tilespmem:v48+s22+$0x0], $0xffff  }
0x28e: {  	v48 =	vld [tilespmem:$0x1FF10]  }
0x28f: {  	v0 =	vadd.f32 v40, v0;
	v40 =	vld [tilespmem:$0x1FFB0]  }
0x290: {  	v49 =	vld.idx.msk [tilespmem:v13+s22+$0x0], $0xffff;
	v6 =	vadd.f32 v14, v6  }
0x291: {  	v5 =	vadd.f32 v18, v5;
	v18 =	vld [tilespmem:$0x1FE90]  }
0x292: {  	v6 =	vadd.f32 v8, v6;
	v4 =	vmul.f32 v46, v35;
	v62 =	vld.idx.msk [tilespmem:v62+s22+$0x0], $0xffff  }
0x293: {  	v14 =	vmul.f32 v22, v54;
	v22 =	vld.idx.msk [tilespmem:v15+s22+$0x0], $0xffff;
	v8 =	vmul.f32 v12, v48  }
0x294: {  	v35 =	vld [tilespmem:$0x1FE10];
	v4 =	vadd.f32 v4, v6  }
0x295: {  	v6 =	vmul.f32 v53, v52;
	v53 =	vld.idx.msk [tilespmem:v17+s22+$0x0], $0xffff;
	v5 =	vadd.f32 v8, v5  }
0x296: {  	v46 =	vld [tilespmem:$0x1FFC0];
	v4 =	vadd.f32 v9, v4  }
0x297: {  	v52 =	vld [tilespmem:$0x1FF60];
	v5 =	vadd.f32 v6, v5;
	v6 =	vmul.f32 v47, v18  }
0x298: {  	v9 =	vmul.f32 v49, v31;
	v49 =	vld [tilespmem:$0x1FD00];
	v4 =	vadd.f32 v14, v4  }
0x299: {  	v48 =	vld [tilespmem:$0x1FF70];
	v5 =	vadd.f32 v6, v5;
	v6 =	vmul.f32 v51, v33  }
0x29a: {  	v8 =	vmul.f32 v53, v34;
	v53 =	vld [tilespmem:$0x1FF80];
	v4 =	vadd.f32 v9, v4  }
0x29b: {  	v9 =	vmul.f32 v10, v41;
	v10 =	vld.idx.msk [tilespmem:v42+s22+$0x0], $0xffff;
	v5 =	vadd.f32 v6, v5;
	v6 =	vmul.f32 v62, v35  }
0x29c: {  	v0 =	vadd.f32 v36, v0;
	v7 =	vmul.f32 v22, v37;
	v47 =	vld [tilespmem:$0x1FD50];
	v4 =	vadd.f32 v8, v4  }
0x29d: {  	v1 =	vadd.f32 v25, v1;
	v8 =	vld.idx.msk [tilespmem:v40+s22+$0x0], $0xffff;
	v5 =	vadd.f32 v6, v5;
	v6 =	vmul.f32 v32, v38  }
0x29e: {  	v0 =	vadd.f32 v28, v0;
	v51 =	vld [tilespmem:$0x1FD10];
	v4 =	vadd.f32 v7, v4  }
0x29f: {  	v1 =	vadd.f32 v29, v1;
	v7 =	vld.idx.msk [tilespmem:v44+s22+$0x0], $0xffff;
	v5 =	vadd.f32 v6, v5;
	v6 =	vmul.f32 v11, v43  }
0x2a0: {  	v2 =	vmul.f32 v2, v45;
	v0 =	vadd.f32 v30, v0;
	v4 =	vadd.f32 v9, v4;
	v11 =	vld.idx.msk [tilespmem:v46+s22+$0x0], $0xffff  }
0x2a1: {  	v1 =	vadd.f32 v27, v1;
	v3 =	vmul.f32 v3, v47;
	v9 =	vld.idx.msk [tilespmem:v50+s22+$0x0], $0xffff;
	v5 =	vadd.f32 v6, v5  }
0x2a2: {  	v0 =	vadd.f32 v23, v0;
	v8 =	vmul.f32 v8, v49;
	v2 =	vadd.f32 v2, v4;
	v6 =	vld.idx.msk [tilespmem:v48+s22+$0x0], $0xffff  }
0x2a3: {  	v1 =	vadd.f32 v20, v1;
	v4 =	vmul.f32 v10, v51;
	v10 =	vld.idx.msk [tilespmem:v53+s22+$0x0], $0xffff;
	v3 =	vadd.f32 v3, v5  }
0x2a4: {  	v0 =	vadd.f32 v21, v0;
	v7 =	vmul.f32 v7, v63;
	v2 =	vadd.f32 v8, v2;
	v5 =	vld.idx.msk [tilespmem:v52+s22+$0x0], $0xffff  }
0x2a5: {  	v1 =	vadd.f32 v39, v1;
	v63 =	vld [tilespmem:$0x1FB10];
	v54 =	vmul.f32 v11, v61;
	v3 =	vadd.f32 v4, v3  }
0x2a6: {  	v0 =	vadd.f32 v19, v0;
	v2 =	vadd.f32 v7, v2  }
0x2a7: {  	v61 =	vmul.f32 v9, v59;
	v6 =	vmul.f32 v6, v60;
	v3 =	vadd.f32 v54, v3  }
0x2a8: {  	v1 =	vadd.f32 v58, v1;
	v0 =	vadd.f32 v26, v0;
	v62 =	vmul.f32 v10, v56  }
0x2a9: {  	v5 =	vmul.f32 v5, v57;
	v2 =	vadd.f32 v6, v2;
	v3 =	vadd.f32 v61, v3  }
0x2aa: {  	v0 =	vadd.f32 v24, v0;
	v1 =	vadd.f32 v63, v1  }
0x2ab: {  	v2 =	vadd.f32 v5, v2;
	v3 =	vadd.f32 v62, v3;
	_ =	sdelay $0x1  }
0x2ac: {  	v0 =	vadd.f32 v0, v1;
	v1 =	vadd.f32 v3, v2;
	_ =	sdelay $0x1  }
0x2ad: {  	v0 =	vadd.f32 v1, v0  }
0x2ae: {  	s0 =	sadd.s32 $0x10, s28  }
0x2af: {  	[tilespmem:s0+$0x0] =	vst v0;
	s0 =	simm.s32 $0x0  }
0x2b0: {  	v0 =	vld [tilespmem:s0+$0x300]  }
0x2b1: {  	v1 =	vld [tilespmem:s0+$0x100];
	_ =	sdelay $0x1  }
0x2b2: {  	s3 =	simm.s32 $0x40  }
.LBB2_6:
0x2b3: {  	p0 =	sne.s32 s3, $0x3C0  }
.Ltmp2:
0x2b4: {  	s28 =	sshra.s32 s3, $0x2;
	s3 =	sadd.s32 $0x40, s3;
	v2 =	vshrl.u32 v0, $0x1;
	(pc) =	sbr.rel @p0 .LBB2_6-.Ltmp2, $4  }
0x2b5: {  	v4 =	vand.u32 $0x1FFF, v0;
	v3 =	vshrl.u32 v1, $0x1;
	v2 =	vand.u32 $0x7FFFE000, v2;
	v0 =	vld [tilespmem:s28+$0x300]  }
0x2b6: {  	v5 =	vand.u32 $0x1FFF, v1;
	v3 =	vand.u32 $0x7FFFE000, v3;
	v1 =	vld [tilespmem:s28+$0x100];
	v2 =	vor.u32 v4, v2  }
0x2b7: {  	v3 =	vor.u32 v5, v3;
	[tilespmem:s0+$0x500] =	vst v2  }
0x2b8: {  	[tilespmem:s0+$0x400] =	vst v3;
	s0 =	smov.u32 s28  }
0x2b9: {  	_ = 	snop  }
0x2ba: {  	v2 =	vshrl.u32 v0, $0x1  }
0x2bb: {  	v0 =	vand.u32 $0x1FFF, v0;
	v3 =	vshrl.u32 v1, $0x1;
	v2 =	vand.u32 $0x7FFFE000, v2  }
0x2bc: {  	v1 =	vand.u32 $0x1FFF, v1;
	v3 =	vand.u32 $0x7FFFE000, v3;
	v0 =	vor.u32 v0, v2  }
0x2bd: {  	v1 =	vor.u32 v1, v3;
	[tilespmem:s0+$0x500] =	vst v0  }
0x2be: {  	s3 =	simm.s32 $0x100;
	[tilespmem:s0+$0x400] =	vst v1  }
0x2bf: {  	[tilespmem:s20], [sflag:$0x1] =	stream.indirect.gather [hbm4b:s4+s3], $0x80, s19, s3, $0xb8;
	[tilespmem:$0x10C80] =	vst v63  }
0x2c0: {  	_ = 	snop  }
0x2c1: {  	[tilespmem:s22], [sflag:$0x2] =	stream.indirect.gather [hbm4b:s5+s3], $0x80, s21, s3, $0xb8;
	[tilespmem:$0x10C80] =	vst v63  }
0x2c2: {  	_ =	swait.ge [sflag:s23], $0x8000  }
0x2c3: {  	[sflag:s23] =	ssyncset.done $0x0  }
0x2c4: {  	[sflag:s23] =	ssyncadd.s32 $0xFFFF8000  }
0x2c5: {  	_ =	swait.ge [sflag:s24], $0x8000  }
0x2c6: {  	[sflag:s24] =	ssyncset.done $0x0  }
0x2c7: {  	[sflag:s24] =	ssyncadd.s32 $0xFFFF8000  }
0x2c8: {  	v0 =	vld [tilespmem:s3+$0x0];
	_ =	sdelay $0x2  }
0x2c9: {  	s3 =	simm.s32 $0x0  }
0x2ca: {  	v1 =	vmov s3  }
0x2cb: {  	v1 =	vshll.u32 v1, $0x7;
	v0 =	vshrl.u32 v0, $0x7  }
0x2cc: {  	v22 =	vor.u32 v55, v1;
	v0 =	vand.u32 $0x40, v0  }
0x2cd: {  	v15 =	vor.u32 v22, v0  }
0x2ce: {  	v0 =	vor.u32 $0x3C, v15;
	_ =	sdelay $0x4  }
0x2cf: {  	v1 =	vor.u32 $0x3D, v15;
	v0 =	vld.idx.msk [tilespmem:v0+s20+$0x0], $0xffff;
	_ =	sdelay $0x4  }
0x2d0: {  	v1 =	vld.idx.msk [tilespmem:v1+s20+$0x0], $0xffff;
	[tilespmem:$0x1F6C0] =	vst v0;
	v0 =	vor.u32 $0x3A, v15;
	_ =	sdelay $0x4  }
0x2d1: {  	[tilespmem:$0x1F6D0] =	vst v1;
	v1 =	vor.u32 $0x3B, v15;
	v0 =	vld.idx.msk [tilespmem:v0+s20+$0x0], $0xffff;
	_ =	sdelay $0x3  }
0x2d2: {  	v6 =	vor.u32 $0x39, v15  }
0x2d3: {  	v9 =	vor.u32 $0x36, v15;
	[tilespmem:$0x1F7C0] =	vst v0;
	v0 =	vld.idx.msk [tilespmem:v1+s20+$0x0], $0xffff;
	_ =	sdelay $0x3  }
0x2d4: {  	v7 =	vor.u32 $0x34, v15;
	v23 =	vld.idx.msk [tilespmem:v6+s20+$0x0], $0xffff  }
0x2d5: {  	v6 =	vor.u32 $0x37, v15;
	[tilespmem:$0x1F7D0] =	vst v0;
	v0 =	vld.idx.msk [tilespmem:v9+s20+$0x0], $0xffff;
	_ =	sdelay $0x3  }
0x2d6: {  	v8 =	vor.u32 $0x35, v15;
	v24 =	vld.idx.msk [tilespmem:v7+s20+$0x0], $0xffff  }
0x2d7: {  	v7 =	vor.u32 $0x32, v15;
	[tilespmem:$0x1F7A0] =	vst v0;
	v0 =	vld.idx.msk [tilespmem:v6+s20+$0x0], $0xffff;
	_ =	sdelay $0x3  }
0x2d8: {  	v10 =	vor.u32 $0x30, v15;
	v25 =	vld.idx.msk [tilespmem:v8+s20+$0x0], $0xffff  }
0x2d9: {  	v8 =	vor.u32 $0x33, v15;
	[tilespmem:$0x1F7B0] =	vst v0;
	v0 =	vld.idx.msk [tilespmem:v7+s20+$0x0], $0xffff;
	_ =	sdelay $0x3  }
0x2da: {  	v11 =	vor.u32 $0x31, v15;
	v26 =	vld.idx.msk [tilespmem:v10+s20+$0x0], $0xffff  }
0x2db: {  	v10 =	vor.u32 $0x2E, v15;
	[tilespmem:$0x1F780] =	vst v0;
	v0 =	vld.idx.msk [tilespmem:v8+s20+$0x0], $0xffff;
	_ =	sdelay $0x3  }
0x2dc: {  	v27 =	vld.idx.msk [tilespmem:v11+s20+$0x0], $0xffff  }
0x2dd: {  	v11 =	vor.u32 $0x2F, v15;
	[tilespmem:$0x1F790] =	vst v0;
	v0 =	vld.idx.msk [tilespmem:v10+s20+$0x0], $0xffff;
	_ =	sdelay $0x3  }
0x2de: {  	v12 =	vor.u32 $0x2D, v15  }
0x2df: {  	v16 =	vor.u32 $0x2A, v15;
	[tilespmem:$0x1F760] =	vst v0;
	v0 =	vld.idx.msk [tilespmem:v11+s20+$0x0], $0xffff;
	_ =	sdelay $0x2  }
0x2e0: {  	v2 =	vor.u32 $0x3E, v15  }
0x2e1: {  	v13 =	vor.u32 $0x28, v15;
	v29 =	vld.idx.msk [tilespmem:v12+s20+$0x0], $0xffff  }
0x2e2: {  	v12 =	vor.u32 $0x2B, v15;
	[tilespmem:$0x1F770] =	vst v0;
	v0 =	vld.idx.msk [tilespmem:v16+s20+$0x0], $0xffff  }
0x2e3: {  	s3 =	simm.s32 $0x300;
	v5 =	vor.u32 $0x38, v15  }
0x2e4: {  	v48 =	vld [tilespmem:s3+$0x0];
	v14 =	vor.u32 $0x29, v15  }
0x2e5: {  	v17 =	vor.u32 $0x24, v15;
	v2 =	vld.idx.msk [tilespmem:v2+s20+$0x0], $0xffff  }
0x2e6: {  	v18 =	vor.u32 $0x25, v15;
	v30 =	vld.idx.msk [tilespmem:v13+s20+$0x0], $0xffff  }
0x2e7: {  	v13 =	vor.u32 $0x26, v15;
	[tilespmem:$0x1F740] =	vst v0;
	v0 =	vld.idx.msk [tilespmem:v12+s20+$0x0], $0xffff  }
0x2e8: {  	v35 =	vor.u32 $0x21, v15;
	v21 =	vld.idx.msk [tilespmem:v5+s20+$0x0], $0xffff  }
0x2e9: {  	v36 =	vor.u32 $0x1C, v15;
	v31 =	vld.idx.msk [tilespmem:v14+s20+$0x0], $0xffff  }
0x2ea: {  	v37 =	vor.u32 $0x1D, v15;
	v32 =	vld.idx.msk [tilespmem:v17+s20+$0x0], $0xffff  }
0x2eb: {  	v40 =	vor.u32 $0x18, v15;
	v33 =	vld.idx.msk [tilespmem:v18+s20+$0x0], $0xffff  }
0x2ec: {  	v14 =	vor.u32 $0x27, v15;
	[tilespmem:$0x1F750] =	vst v0;
	v0 =	vld.idx.msk [tilespmem:v13+s20+$0x0], $0xffff  }
0x2ed: {  	v41 =	vor.u32 $0x19, v15;
	v35 =	vld.idx.msk [tilespmem:v35+s20+$0x0], $0xffff  }
0x2ee: {  	v42 =	vor.u32 $0x14, v15;
	v36 =	vld.idx.msk [tilespmem:v36+s20+$0x0], $0xffff  }
0x2ef: {  	v57 =	vor.u32 $0x15, v15;
	v37 =	vld.idx.msk [tilespmem:v37+s20+$0x0], $0xffff  }
0x2f0: {  	v58 =	vor.u32 $0x10, v15;
	v40 =	vld.idx.msk [tilespmem:v40+s20+$0x0], $0xffff  }
0x2f1: {  	v17 =	vor.u32 $0x22, v15;
	[tilespmem:$0x1F720] =	vst v0;
	v0 =	vld.idx.msk [tilespmem:v14+s20+$0x0], $0xffff  }
0x2f2: {  	v43 =	vor.u32 $0x11, v15;
	v41 =	vld.idx.msk [tilespmem:v41+s20+$0x0], $0xffff  }
0x2f3: {  	v44 =	vor.u32 $0xC, v15;
	v42 =	vld.idx.msk [tilespmem:v42+s20+$0x0], $0xffff  }
0x2f4: {  	v59 =	vor.u32 $0xD, v15;
	v45 =	vld.idx.msk [tilespmem:v57+s20+$0x0], $0xffff  }
0x2f5: {  	v60 =	vor.u32 $0x8, v15;
	v46 =	vld.idx.msk [tilespmem:v58+s20+$0x0], $0xffff  }
0x2f6: {  	v18 =	vor.u32 $0x23, v15;
	[tilespmem:$0x1F730] =	vst v0;
	v0 =	vld.idx.msk [tilespmem:v17+s20+$0x0], $0xffff  }
0x2f7: {  	v47 =	vor.u32 $0x9, v15;
	v43 =	vld.idx.msk [tilespmem:v43+s20+$0x0], $0xffff  }
0x2f8: {  	v49 =	vor.u32 $0x4, v15;
	v44 =	vld.idx.msk [tilespmem:v44+s20+$0x0], $0xffff  }
0x2f9: {  	v50 =	vor.u32 $0x5, v15;
	v51 =	vld.idx.msk [tilespmem:v59+s20+$0x0], $0xffff  }
0x2fa: {  	v54 =	vor.u32 $0x1, v15;
	v52 =	vld.idx.msk [tilespmem:v60+s20+$0x0], $0xffff  }
0x2fb: {  	v38 =	vor.u32 $0x1E, v15;
	[tilespmem:$0x1F700] =	vst v0;
	v0 =	vld.idx.msk [tilespmem:v18+s20+$0x0], $0xffff  }
0x2fc: {  	v63 =	vor.u32 $0x2, v15;
	v47 =	vld.idx.msk [tilespmem:v47+s20+$0x0], $0xffff  }
0x2fd: {  	v4 =	vor.u32 $0x3F, v15;
	v49 =	vld.idx.msk [tilespmem:v49+s20+$0x0], $0xffff  }
0x2fe: {  	v60 =	vor.u32 $0x3, v15;
	v50 =	vld.idx.msk [tilespmem:v50+s20+$0x0], $0xffff  }
0x2ff: {  	v54 =	vld.idx.msk [tilespmem:v54+s20+$0x0], $0xffff;
	v9 =	vor.u32 $0x2C, v15  }
0x300: {  	v39 =	vor.u32 $0x1F, v15;
	[tilespmem:$0x1F710] =	vst v0;
	v0 =	vld.idx.msk [tilespmem:v38+s20+$0x0], $0xffff  }
0x301: {  	v62 =	vshrl.u32 v48, $0x7;
	v48 =	vld.idx.msk [tilespmem:v63+s20+$0x0], $0xffff  }
0x302: {  	[tilespmem:$0x1F7E0] =	vst v2;
	v2 =	vld.idx.msk [tilespmem:v4+s20+$0x0], $0xffff  }
0x303: {  	v53 =	vor.u32 $0x7, v15;
	v55 =	vld.idx.msk [tilespmem:v60+s20+$0x0], $0xffff  }
0x304: {  	v28 =	vld.idx.msk [tilespmem:v9+s20+$0x0], $0xffff  }
0x305: {  	v16 =	vor.u32 $0x20, v15;
	[tilespmem:$0x1F6E0] =	vst v0;
	v0 =	vld.idx.msk [tilespmem:v39+s20+$0x0], $0xffff;
	v39 =	vand.u32 $0x40, v62  }
0x306: {  	s3 =	simm.s32 $0x10900;
	v61 =	vor.u32 $0x6, v15;
	v6 =	vld.idx.msk [tilespmem:v15+s20+$0x0], $0xffff;
	v22 =	vor.u32 v22, v39  }
0x307: {  	v7 =	vld [tilespmem:s3+$0x0];
	v56 =	vor.u32 $0x3C, v22  }
0x308: {  	s0 =	simm.s32 $0x10700;
	v38 =	vld.idx.msk [tilespmem:v53+s20+$0x0], $0xffff;
	v53 =	vor.u32 $0x3D, v22  }
0x309: {  	v8 =	vld [tilespmem:s0+$0x0];
	v57 =	vor.u32 $0x38, v22  }
0x30a: {  	v34 =	vld.idx.msk [tilespmem:v16+s20+$0x0], $0xffff;
	v58 =	vor.u32 $0x39, v22  }
0x30b: {  	v39 =	vld.idx.msk [tilespmem:v61+s20+$0x0], $0xffff;
	v59 =	vor.u32 $0x34, v22  }
0x30c: {  	v60 =	vor.u32 $0x35, v22;
	v56 =	vld.idx.msk [tilespmem:v56+s22+$0x0], $0xffff  }
0x30d: {  	v61 =	vor.u32 $0x30, v22;
	v53 =	vld.idx.msk [tilespmem:v53+s22+$0x0], $0xffff  }
0x30e: {  	v62 =	vor.u32 $0x31, v22;
	v57 =	vld.idx.msk [tilespmem:v57+s22+$0x0], $0xffff  }
0x30f: {  	v63 =	vor.u32 $0x2C, v22;
	v58 =	vld.idx.msk [tilespmem:v58+s22+$0x0], $0xffff  }
0x310: {  	v4 =	vor.u32 $0x28, v22;
	v59 =	vld.idx.msk [tilespmem:v59+s22+$0x0], $0xffff  }
0x311: {  	v5 =	vor.u32 $0x29, v22;
	v60 =	vld.idx.msk [tilespmem:v60+s22+$0x0], $0xffff  }
0x312: {  	v3 =	vor.u32 $0x24, v22;
	v61 =	vld.idx.msk [tilespmem:v61+s22+$0x0], $0xffff  }
0x313: {  	[tilespmem:$0x1F7F0] =	vst v2;
	v2 =	vor.u32 $0x25, v22;
	v62 =	vld.idx.msk [tilespmem:v62+s22+$0x0], $0xffff  }
0x314: {  	v63 =	vld.idx.msk [tilespmem:v63+s22+$0x0], $0xffff  }
0x315: {  	v1 =	vor.u32 $0x21, v22;
	v13 =	vld.idx.msk [tilespmem:v4+s22+$0x0], $0xffff  }
0x316: {  	v7 =	vadd.f32 v7, v8;
	v8 =	vor.u32 $0xD, v22;
	v18 =	vld.idx.msk [tilespmem:v5+s22+$0x0], $0xffff  }
0x317: {  	[tilespmem:$0x1F6F0] =	vst v0;
	v0 =	vor.u32 $0x2D, v22;
	v14 =	vld.idx.msk [tilespmem:v3+s22+$0x0], $0xffff  }
0x318: {  	v19 =	vld.idx.msk [tilespmem:v2+s22+$0x0], $0xffff;
	v3 =	vor.u32 $0x1C, v22  }
0x319: {  	v4 =	vld.idx.msk [tilespmem:v22+s22+$0x0], $0xffff  }
0x31a: {  	v20 =	vld.idx.msk [tilespmem:v1+s22+$0x0], $0xffff;
	v1 =	vor.u32 $0x18, v22  }
0x31b: {  	v2 =	vor.u32 $0x19, v22;
	v8 =	vld.idx.msk [tilespmem:v8+s22+$0x0], $0xffff  }
0x31c: {  	v5 =	vor.u32 $0x14, v22;
	v17 =	vld.idx.msk [tilespmem:v0+s22+$0x0], $0xffff  }
0x31d: {  	v0 =	vor.u32 $0x20, v22;
	v9 =	vld.idx.msk [tilespmem:v3+s22+$0x0], $0xffff  }
0x31e: {  	v3 =	vor.u32 $0x15, v22;
	v6 =	vmul.f32 v4, v6;
	v4 =	vld [tilespmem:$0x1F6C0]  }
0x31f: {  	v10 =	vld.idx.msk [tilespmem:v1+s22+$0x0], $0xffff  }
0x320: {  	v1 =	vor.u32 $0x11, v22;
	v12 =	vld.idx.msk [tilespmem:v2+s22+$0x0], $0xffff  }
0x321: {  	v2 =	vor.u32 $0xC, v22;
	v5 =	vld.idx.msk [tilespmem:v5+s22+$0x0], $0xffff  }
0x322: {  	v21 =	vmul.f32 v57, v21;
	v57 =	vor.u32 $0x8, v22;
	v16 =	vld.idx.msk [tilespmem:v0+s22+$0x0], $0xffff  }
0x323: {  	v26 =	vmul.f32 v61, v26;
	v61 =	vor.u32 $0x4, v22;
	v4 =	vmul.f32 v56, v4;
	v56 =	vld.idx.msk [tilespmem:v3+s22+$0x0], $0xffff  }
0x324: {  	v25 =	vmul.f32 v60, v25;
	v60 =	vor.u32 $0x5, v22;
	v3 =	vld [tilespmem:$0x1F6D0]  }
0x325: {  	v31 =	vmul.f32 v18, v31;
	v18 =	vor.u32 $0x3, v22;
	v1 =	vld.idx.msk [tilespmem:v1+s22+$0x0], $0xffff  }
0x326: {  	v33 =	vmul.f32 v19, v33;
	v19 =	vor.u32 $0x6, v22;
	v2 =	vld.idx.msk [tilespmem:v2+s22+$0x0], $0xffff  }
0x327: {  	v32 =	vmul.f32 v14, v32;
	v0 =	vor.u32 $0x1D, v22;
	v14 =	vld.idx.msk [tilespmem:v57+s22+$0x0], $0xffff  }
0x328: {  	v27 =	vmul.f32 v62, v27;
	v62 =	vor.u32 $0xB, v15;
	v36 =	vmul.f32 v9, v36;
	v9 =	vld.idx.msk [tilespmem:v61+s22+$0x0], $0xffff  }
0x329: {  	v35 =	vmul.f32 v20, v35;
	v20 =	vld.idx.msk [tilespmem:v60+s22+$0x0], $0xffff  }
0x32a: {  	v29 =	vmul.f32 v17, v29;
	v17 =	vor.u32 $0x2, v22;
	v18 =	vld.idx.msk [tilespmem:v18+s22+$0x0], $0xffff  }
0x32b: {  	v24 =	vmul.f32 v59, v24;
	v23 =	vmul.f32 v58, v23;
	v61 =	vor.u32 $0x7, v22;
	v19 =	vld.idx.msk [tilespmem:v19+s22+$0x0], $0xffff  }
0x32c: {  	v28 =	vmul.f32 v63, v28;
	v30 =	vmul.f32 v13, v30;
	v13 =	vor.u32 $0x1, v22;
	v11 =	vld.idx.msk [tilespmem:v0+s22+$0x0], $0xffff  }
0x32d: {  	v63 =	vor.u32 $0xA, v22;
	v8 =	vmul.f32 v8, v51;
	v12 =	vmul.f32 v12, v41;
	v41 =	vld.idx.msk [tilespmem:v62+s20+$0x0], $0xffff  }
0x32e: {  	v3 =	vmul.f32 v53, v3;
	v53 =	vor.u32 $0x9, v22;
	v9 =	vmul.f32 v9, v49;
	v49 =	vld [tilespmem:$0x1FFE0]  }
0x32f: {  	v58 =	vor.u32 $0xF, v22;
	v59 =	vor.u32 $0x12, v15;
	v0 =	vor.u32 $0x10, v22;
	v17 =	vld.idx.msk [tilespmem:v17+s22+$0x0], $0xffff  }
0x330: {  	v51 =	vor.u32 $0x16, v22;
	v10 =	vmul.f32 v10, v40;
	v5 =	vmul.f32 v5, v42;
	v40 =	vld.idx.msk [tilespmem:v61+s22+$0x0], $0xffff  }
0x331: {  	v57 =	vor.u32 $0xF, v15;
	v37 =	vmul.f32 v11, v37;
	v11 =	vld.idx.msk [tilespmem:v13+s22+$0x0], $0xffff;
	v13 =	vor.u32 $0xA, v15  }
0x332: {  	v42 =	vmul.f32 v56, v45;
	v2 =	vmul.f32 v2, v44;
	v56 =	vor.u32 $0xE, v22;
	v44 =	vld.idx.msk [tilespmem:v63+s22+$0x0], $0xffff  }
0x333: {  	v34 =	vmul.f32 v16, v34;
	v16 =	vld.idx.msk [tilespmem:v53+s22+$0x0], $0xffff;
	v53 =	vor.u32 $0xE, v15;
	v7 =	vadd.f32 v7, v49  }
0x334: {  	v14 =	vmul.f32 v14, v52;
	v52 =	vor.u32 $0xB, v22;
	v63 =	vor.u32 $0x13, v22;
	v0 =	vld.idx.msk [tilespmem:v0+s22+$0x0], $0xffff  }
0x335: {  	v20 =	vmul.f32 v20, v50;
	v18 =	vmul.f32 v18, v55;
	v50 =	vld.idx.msk [tilespmem:v59+s20+$0x0], $0xffff;
	v6 =	vadd.f32 v6, v7  }
0x336: {  	v62 =	vor.u32 $0x13, v15;
	v61 =	vor.u32 $0x12, v22;
	v11 =	vmul.f32 v11, v54;
	v13 =	vld.idx.msk [tilespmem:v13+s20+$0x0], $0xffff  }
0x337: {  	v18 =	vadd.f32 $0.0e+00, v18;
	v17 =	vmul.f32 v17, v48;
	v6 =	vadd.f32 v9, v6;
	v9 =	vld.idx.msk [tilespmem:v56+s22+$0x0], $0xffff  }
0x338: {  	v48 =	vor.u32 $0x16, v15;
	v38 =	vmul.f32 v40, v38;
	v60 =	vld.idx.msk [tilespmem:v53+s20+$0x0], $0xffff;
	v11 =	vadd.f32 $0.0e+00, v11  }
0x339: {  	v17 =	vadd.f32 $0.0e+00, v17;
	v55 =	vld.idx.msk [tilespmem:v63+s22+$0x0], $0xffff;
	v7 =	vmul.f32 v19, v39;
	v0 =	vmul.f32 v0, v46  }
0x33a: {  	v19 =	vld.idx.msk [tilespmem:v52+s22+$0x0], $0xffff;
	v16 =	vmul.f32 v16, v47;
	v6 =	vadd.f32 v14, v6;
	v11 =	vadd.f32 v20, v11  }
0x33b: {  	v52 =	vld.idx.msk [tilespmem:v61+s22+$0x0], $0xffff;
	v54 =	vor.u32 $0x17, v22;
	v7 =	vadd.f32 v7, v17;
	v14 =	vor.u32 $0x17, v15  }
0x33c: {  	v17 =	vld.idx.msk [tilespmem:v58+s22+$0x0], $0xffff;
	v13 =	vmul.f32 v44, v13;
	v2 =	vadd.f32 v2, v6;
	v11 =	vadd.f32 v16, v11  }
0x33d: {  	v20 =	vld.idx.msk [tilespmem:v57+s20+$0x0], $0xffff;
	v16 =	vor.u32 $0x1A, v15;
	v15 =	vor.u32 $0x1B, v15;
	v9 =	vmul.f32 v9, v60  }
0x33e: {  	v53 =	vld.idx.msk [tilespmem:v62+s20+$0x0], $0xffff;
	v7 =	vadd.f32 v13, v7;
	v8 =	vadd.f32 v8, v11;
	v11 =	vor.u32 $0x1B, v22  }
0x33f: {  	v18 =	vadd.f32 v38, v18;
	v39 =	vld.idx.msk [tilespmem:v51+s22+$0x0], $0xffff;
	v19 =	vmul.f32 v19, v41  }
0x340: {  	v40 =	vld.idx.msk [tilespmem:v54+s22+$0x0], $0xffff;
	v0 =	vadd.f32 v0, v2;
	v7 =	vadd.f32 v9, v7;
	v9 =	vor.u32 $0x1E, v22  }
0x341: {  	v14 =	vld.idx.msk [tilespmem:v14+s20+$0x0], $0xffff  }
0x342: {  	v18 =	vadd.f32 v19, v18;
	v17 =	vmul.f32 v17, v20;
	v0 =	vadd.f32 v5, v0;
	v15 =	vld.idx.msk [tilespmem:v15+s20+$0x0], $0xffff  }
0x343: {  	v1 =	vmul.f32 v1, v43;
	v19 =	vor.u32 $0x1A, v22;
	v43 =	vmul.f32 v55, v53;
	v11 =	vld.idx.msk [tilespmem:v11+s22+$0x0], $0xffff  }
0x344: {  	v17 =	vadd.f32 v17, v18;
	v18 =	vor.u32 $0x1F, v22;
	v0 =	vadd.f32 v10, v0;
	v10 =	vld [tilespmem:$0x1F6E0]  }
0x345: {  	v9 =	vld.idx.msk [tilespmem:v9+s22+$0x0], $0xffff  }
0x346: {  	v44 =	vld.idx.msk [tilespmem:v48+s20+$0x0], $0xffff;
	v17 =	vadd.f32 v43, v17;
	v14 =	vmul.f32 v40, v14  }
0x347: {  	v16 =	vld.idx.msk [tilespmem:v16+s20+$0x0], $0xffff  }
0x348: {  	v19 =	vld.idx.msk [tilespmem:v19+s22+$0x0], $0xffff;
	v14 =	vadd.f32 v14, v17;
	v11 =	vmul.f32 v11, v15  }
0x349: {  	v38 =	vmul.f32 v52, v50;
	v2 =	vor.u32 $0x22, v22;
	v1 =	vadd.f32 v1, v8;
	v18 =	vld.idx.msk [tilespmem:v18+s22+$0x0], $0xffff  }
0x34a: {  	v8 =	vor.u32 $0x23, v22;
	v9 =	vmul.f32 v9, v10;
	v10 =	vadd.f32 v11, v14;
	v11 =	vld [tilespmem:$0x1F6F0]  }
0x34b: {  	v39 =	vmul.f32 v39, v44;
	v7 =	vadd.f32 v38, v7;
	_ =	sdelay $0x1  }
0x34c: {  	v7 =	vadd.f32 v39, v7;
	v16 =	vmul.f32 v19, v16  }
0x34d: {  	v2 =	vld.idx.msk [tilespmem:v2+s22+$0x0], $0xffff  }
0x34e: {  	v8 =	vld.idx.msk [tilespmem:v8+s22+$0x0], $0xffff;
	v7 =	vadd.f32 v16, v7;
	v11 =	vmul.f32 v18, v11  }
0x34f: {  	v14 =	vld [tilespmem:$0x1F700]  }
0x350: {  	v7 =	vadd.f32 v9, v7;
	v9 =	vadd.f32 v11, v10;
	v10 =	vld [tilespmem:$0x1F710]  }
0x351: {  	v60 =	vor.u32 $0x27, v22;
	_ =	sdelay $0x2  }
0x352: {  	v59 =	vor.u32 $0x26, v22  }
0x353: {  	v5 =	vor.u32 $0x2A, v22;
	v2 =	vmul.f32 v2, v14;
	v8 =	vmul.f32 v8, v10  }
0x354: {  	v62 =	vor.u32 $0x2B, v22;
	v15 =	vld.idx.msk [tilespmem:v60+s22+$0x0], $0xffff  }
0x355: {  	v2 =	vadd.f32 v2, v7;
	v7 =	vadd.f32 v8, v9;
	v8 =	vld [tilespmem:$0x1F730];
	_ =	sdelay $0x1  }
0x356: {  	v38 =	vld.idx.msk [tilespmem:v59+s22+$0x0], $0xffff;
	v1 =	vadd.f32 v42, v1  }
0x357: {  	v5 =	vld.idx.msk [tilespmem:v5+s22+$0x0], $0xffff  }
0x358: {  	v1 =	vadd.f32 v12, v1;
	v12 =	vld.idx.msk [tilespmem:v62+s22+$0x0], $0xffff  }
0x359: {  	v63 =	vor.u32 $0x33, v22;
	v61 =	vor.u32 $0x37, v22;
	v11 =	vld [tilespmem:$0x1F720];
	v8 =	vmul.f32 v15, v8  }
0x35a: {  	v56 =	vor.u32 $0x36, v22;
	v58 =	vor.u32 $0x32, v22;
	v57 =	vor.u32 $0x3B, v22;
	v15 =	vld [tilespmem:$0x1F740]  }
0x35b: {  	v6 =	vor.u32 $0x3F, v22;
	v13 =	vor.u32 $0x3E, v22;
	v7 =	vadd.f32 v8, v7;
	v8 =	vld [tilespmem:$0x1F750]  }
0x35c: {  	v20 =	vor.u32 $0x3A, v22;
	v19 =	vor.u32 $0x2E, v22;
	v22 =	vor.u32 $0x2F, v22;
	_ =	sdelay $0x1  }
0x35d: {  	v11 =	vmul.f32 v38, v11;
	_ =	sdelay $0x1  }
0x35e: {  	v2 =	vadd.f32 v11, v2;
	v5 =	vmul.f32 v5, v15;
	v8 =	vmul.f32 v12, v8  }
0x35f: {  	v10 =	vld.idx.msk [tilespmem:v22+s22+$0x0], $0xffff  }
0x360: {  	v2 =	vadd.f32 v5, v2;
	v5 =	vadd.f32 v8, v7;
	v7 =	vld [tilespmem:$0x1F770];
	_ =	sdelay $0x4  }
0x361: {  	v7 =	vmul.f32 v10, v7  }
0x362: {  	v9 =	vld.idx.msk [tilespmem:v63+s22+$0x0], $0xffff  }
0x363: {  	v5 =	vadd.f32 v7, v5;
	v7 =	vld [tilespmem:$0x1F790];
	_ =	sdelay $0x4  }
0x364: {  	v7 =	vmul.f32 v9, v7  }
0x365: {  	v11 =	vld.idx.msk [tilespmem:v61+s22+$0x0], $0xffff  }
0x366: {  	v5 =	vadd.f32 v7, v5;
	v7 =	vld [tilespmem:$0x1F7B0]  }
0x367: {  	v6 =	vld.idx.msk [tilespmem:v6+s22+$0x0], $0xffff  }
0x368: {  	v14 =	vld.idx.msk [tilespmem:v19+s22+$0x0], $0xffff  }
0x369: {  	v0 =	vadd.f32 v36, v0;
	v12 =	vld [tilespmem:$0x1F760]  }
0x36a: {  	v1 =	vadd.f32 v37, v1;
	v16 =	vld.idx.msk [tilespmem:v58+s22+$0x0], $0xffff  }
0x36b: {  	v0 =	vadd.f32 v34, v0;
	v10 =	vld [tilespmem:$0x1F780];
	v7 =	vmul.f32 v11, v7  }
0x36c: {  	v1 =	vadd.f32 v35, v1;
	v8 =	vld.idx.msk [tilespmem:v57+s22+$0x0], $0xffff  }
0x36d: {  	v0 =	vadd.f32 v32, v0;
	v5 =	vadd.f32 v7, v5;
	v7 =	vld [tilespmem:$0x1F7D0]  }
0x36e: {  	v13 =	vld.idx.msk [tilespmem:v13+s22+$0x0], $0xffff;
	v1 =	vadd.f32 v33, v1;
	v12 =	vmul.f32 v14, v12  }
0x36f: {  	v0 =	vadd.f32 v30, v0;
	v15 =	vld.idx.msk [tilespmem:v56+s22+$0x0], $0xffff  }
0x370: {  	v1 =	vadd.f32 v31, v1;
	v2 =	vadd.f32 v12, v2;
	v10 =	vmul.f32 v16, v10;
	v9 =	vld [tilespmem:$0x1F7A0]  }
0x371: {  	v0 =	vadd.f32 v28, v0;
	v14 =	vld.idx.msk [tilespmem:v20+s22+$0x0], $0xffff  }
0x372: {  	v1 =	vadd.f32 v29, v1;
	v2 =	vadd.f32 v10, v2;
	v10 =	vld [tilespmem:$0x1F7C0];
	v7 =	vmul.f32 v8, v7  }
0x373: {  	v0 =	vadd.f32 v26, v0;
	v8 =	vld [tilespmem:$0x1F7E0]  }
0x374: {  	v1 =	vadd.f32 v27, v1;
	v5 =	vadd.f32 v7, v5;
	v7 =	vld [tilespmem:$0x1F7F0]  }
0x375: {  	v9 =	vmul.f32 v15, v9  }
0x376: {  	v0 =	vadd.f32 v24, v0;
	v1 =	vadd.f32 v25, v1  }
0x377: {  	v10 =	vmul.f32 v14, v10;
	v2 =	vadd.f32 v9, v2  }
0x378: {  	v0 =	vadd.f32 v21, v0;
	v1 =	vadd.f32 v23, v1  }
0x379: {  	v2 =	vadd.f32 v10, v2;
	v8 =	vmul.f32 v13, v8;
	v6 =	vmul.f32 v6, v7  }
0x37a: {  	v0 =	vadd.f32 v4, v0;
	v1 =	vadd.f32 v3, v1  }
0x37b: {  	v2 =	vadd.f32 v8, v2;
	v3 =	vadd.f32 v6, v5;
	_ =	sdelay $0x1  }
0x37c: {  	v0 =	vadd.f32 v1, v0;
	v1 =	vadd.f32 v3, v2;
	_ =	sdelay $0x1  }
0x37d: {  	v0 =	vadd.f32 v1, v0  }
0x37e: {  	s28 =	simm.s32 $0x10B00  }
0x37f: {  	s29 =	simm.s32 $0x110;
	[tilespmem:s28+$0x0] =	vst v0  }
0x380: {  	v0 =	vld [tilespmem:s29+$0x0]  }
0x381: {  	v2 =	vld [tilespmem:$0x1FFF0];
	_ =	sdelay $0x1  }
0x382: {  	s3 =	simm.s32 $0x10  }
0x383: {  	v1 =	vmov s3  }
0x384: {  	v1 =	vshll.u32 v1, $0x7;
	v0 =	vshrl.u32 v0, $0x7  }
0x385: {  	v2 =	vor.u32 v2, v1;
	v0 =	vand.u32 $0x40, v0  }
0x386: {  	v3 =	vor.u32 v2, v0  }
0x387: {  	v1 =	vor.u32 $0x3D, v3  }
0x388: {  	v4 =	vor.u32 $0x3E, v3;
	_ =	sdelay $0x3  }
0x389: {  	v54 =	vld.idx.msk [tilespmem:v1+s20+$0x0], $0xffff;
	v1 =	vor.u32 $0x3B, v3  }
0x38a: {  	v57 =	vld.idx.msk [tilespmem:v4+s20+$0x0], $0xffff;
	v4 =	vor.u32 $0x34, v3;
	_ =	sdelay $0x3  }
0x38b: {  	v5 =	vor.u32 $0x3F, v3;
	v59 =	vld.idx.msk [tilespmem:v1+s20+$0x0], $0xffff  }
0x38c: {  	v1 =	vor.u32 $0x31, v3;
	v4 =	vld.idx.msk [tilespmem:v4+s20+$0x0], $0xffff;
	_ =	sdelay $0x1  }
0x38d: {  	v0 =	vor.u32 $0x3C, v3  }
0x38e: {  	v6 =	vor.u32 $0x38, v3  }
0x38f: {  	v56 =	vld.idx.msk [tilespmem:v5+s20+$0x0], $0xffff;
	v5 =	vor.u32 $0x35, v3  }
0x390: {  	[tilespmem:$0x1F800] =	vst v4;
	v4 =	vor.u32 $0x32, v3;
	v1 =	vld.idx.msk [tilespmem:v1+s20+$0x0], $0xffff  }
0x391: {  	v7 =	vor.u32 $0x39, v3  }
0x392: {  	v52 =	vld.idx.msk [tilespmem:v0+s20+$0x0], $0xffff;
	v0 =	vor.u32 $0x3A, v3  }
0x393: {  	v50 =	vld.idx.msk [tilespmem:v6+s20+$0x0], $0xffff;
	v6 =	vor.u32 $0x36, v3  }
0x394: {  	v53 =	vld.idx.msk [tilespmem:v5+s20+$0x0], $0xffff;
	v5 =	vor.u32 $0x33, v3  }
0x395: {  	[tilespmem:$0x1F820] =	vst v1;
	v1 =	vor.u32 $0x2F, v3;
	v4 =	vld.idx.msk [tilespmem:v4+s20+$0x0], $0xffff  }
0x396: {  	v51 =	vld.idx.msk [tilespmem:v7+s20+$0x0], $0xffff  }
0x397: {  	v7 =	vor.u32 $0x37, v3;
	v60 =	vld.idx.msk [tilespmem:v0+s20+$0x0], $0xffff  }
0x398: {  	v0 =	vor.u32 $0x30, v3;
	v63 =	vld.idx.msk [tilespmem:v6+s20+$0x0], $0xffff  }
0x399: {  	v6 =	vor.u32 $0x2C, v3;
	v5 =	vld.idx.msk [tilespmem:v5+s20+$0x0], $0xffff  }
0x39a: {  	[tilespmem:$0x1F830] =	vst v4;
	v4 =	vor.u32 $0x28, v3;
	v1 =	vld.idx.msk [tilespmem:v1+s20+$0x0], $0xffff;
	_ =	sdelay $0x1  }
0x39b: {  	v61 =	vld.idx.msk [tilespmem:v7+s20+$0x0], $0xffff  }
0x39c: {  	v7 =	vor.u32 $0x2D, v3;
	v0 =	vld.idx.msk [tilespmem:v0+s20+$0x0], $0xffff  }
0x39d: {  	v6 =	vld.idx.msk [tilespmem:v6+s20+$0x0], $0xffff;
	[tilespmem:$0x1F840] =	vst v5;
	v5 =	vor.u32 $0x29, v3  }
0x39e: {  	[tilespmem:$0x1F880] =	vst v1;
	v1 =	vor.u32 $0x25, v3;
	v4 =	vld.idx.msk [tilespmem:v4+s20+$0x0], $0xffff;
	_ =	sdelay $0x2  }
0x39f: {  	v7 =	vld.idx.msk [tilespmem:v7+s20+$0x0], $0xffff;
	[tilespmem:$0x1F810] =	vst v0;
	v0 =	vor.u32 $0x2E, v3  }
0x3a0: {  	[tilespmem:$0x1F850] =	vst v6;
	v6 =	vor.u32 $0x2A, v3;
	v5 =	vld.idx.msk [tilespmem:v5+s20+$0x0], $0xffff  }
0x3a1: {  	[tilespmem:$0x1F890] =	vst v4;
	v4 =	vor.u32 $0x26, v3;
	v1 =	vld.idx.msk [tilespmem:v1+s20+$0x0], $0xffff;
	_ =	sdelay $0x2  }
0x3a2: {  	[tilespmem:$0x1F860] =	vst v7;
	v7 =	vor.u32 $0x2B, v3;
	v0 =	vld.idx.msk [tilespmem:v0+s20+$0x0], $0xffff  }
0x3a3: {  	v6 =	vld.idx.msk [tilespmem:v6+s20+$0x0], $0xffff;
	[tilespmem:$0x1F8A0] =	vst v5;
	v5 =	vor.u32 $0x27, v3  }
0x3a4: {  	[tilespmem:$0x1F8E0] =	vst v1;
	v1 =	vor.u32 $0x23, v3;
	v4 =	vld.idx.msk [tilespmem:v4+s20+$0x0], $0xffff;
	_ =	sdelay $0x2  }
0x3a5: {  	v7 =	vld.idx.msk [tilespmem:v7+s20+$0x0], $0xffff;
	[tilespmem:$0x1F870] =	vst v0;
	v0 =	vor.u32 $0x24, v3  }
0x3a6: {  	[tilespmem:$0x1F8B0] =	vst v6;
	v6 =	vor.u32 $0x20, v3;
	v5 =	vld.idx.msk [tilespmem:v5+s20+$0x0], $0xffff  }
0x3a7: {  	[tilespmem:$0x1F8F0] =	vst v4;
	v4 =	vor.u32 $0x1C, v3;
	v1 =	vld.idx.msk [tilespmem:v1+s20+$0x0], $0xffff;
	_ =	sdelay $0x2  }
0x3a8: {  	[tilespmem:$0x1F8C0] =	vst v7;
	v7 =	vor.u32 $0x21, v3;
	v0 =	vld.idx.msk [tilespmem:v0+s20+$0x0], $0xffff  }
0x3a9: {  	v6 =	vld.idx.msk [tilespmem:v6+s20+$0x0], $0xffff;
	[tilespmem:$0x1F900] =	vst v5;
	v5 =	vor.u32 $0x1D, v3  }
0x3aa: {  	[tilespmem:$0x1F940] =	vst v1;
	v1 =	vor.u32 $0x19, v3;
	v4 =	vld.idx.msk [tilespmem:v4+s20+$0x0], $0xffff;
	_ =	sdelay $0x2  }
0x3ab: {  	v7 =	vld.idx.msk [tilespmem:v7+s20+$0x0], $0xffff;
	[tilespmem:$0x1F8D0] =	vst v0;
	v0 =	vor.u32 $0x22, v3  }
0x3ac: {  	[tilespmem:$0x1F910] =	vst v6;
	v6 =	vor.u32 $0x1E, v3;
	v5 =	vld.idx.msk [tilespmem:v5+s20+$0x0], $0xffff  }
0x3ad: {  	[tilespmem:$0x1F950] =	vst v4;
	v4 =	vor.u32 $0x1A, v3;
	v1 =	vld.idx.msk [tilespmem:v1+s20+$0x0], $0xffff;
	_ =	sdelay $0x2  }
0x3ae: {  	[tilespmem:$0x1F920] =	vst v7;
	v7 =	vor.u32 $0x1F, v3;
	v0 =	vld.idx.msk [tilespmem:v0+s20+$0x0], $0xffff  }
0x3af: {  	v6 =	vld.idx.msk [tilespmem:v6+s20+$0x0], $0xffff;
	[tilespmem:$0x1F960] =	vst v5;
	v5 =	vor.u32 $0x1B, v3  }
0x3b0: {  	[tilespmem:$0x1F9A0] =	vst v1;
	v1 =	vor.u32 $0x17, v3;
	v4 =	vld.idx.msk [tilespmem:v4+s20+$0x0], $0xffff;
	_ =	sdelay $0x2  }
0x3b1: {  	v7 =	vld.idx.msk [tilespmem:v7+s20+$0x0], $0xffff;
	[tilespmem:$0x1F930] =	vst v0;
	v0 =	vor.u32 $0x18, v3  }
0x3b2: {  	[tilespmem:$0x1F970] =	vst v6;
	v6 =	vor.u32 $0x14, v3;
	v5 =	vld.idx.msk [tilespmem:v5+s20+$0x0], $0xffff  }
0x3b3: {  	[tilespmem:$0x1F9B0] =	vst v4;
	v4 =	vor.u32 $0x10, v3;
	v1 =	vld.idx.msk [tilespmem:v1+s20+$0x0], $0xffff;
	_ =	sdelay $0x2  }
0x3b4: {  	[tilespmem:$0x1F980] =	vst v7;
	v0 =	vld.idx.msk [tilespmem:v0+s20+$0x0], $0xffff  }
0x3b5: {  	v7 =	vor.u32 $0x15, v3;
	v6 =	vld.idx.msk [tilespmem:v6+s20+$0x0], $0xffff;
	[tilespmem:$0x1F9C0] =	vst v5  }
0x3b6: {  	v5 =	vor.u32 $0x11, v3;
	[tilespmem:$0x1FA00] =	vst v1;
	v1 =	vld.idx.msk [tilespmem:v4+s20+$0x0], $0xffff;
	_ =	sdelay $0x2  }
0x3b7: {  	[tilespmem:$0x1F990] =	vst v0  }
0x3b8: {  	v7 =	vld.idx.msk [tilespmem:v7+s20+$0x0], $0xffff;
	v0 =	vor.u32 $0x16, v3;
	[tilespmem:$0x1F9D0] =	vst v6  }
0x3b9: {  	v6 =	vor.u32 $0x12, v3;
	[tilespmem:$0x1FA10] =	vst v1;
	v1 =	vld.idx.msk [tilespmem:v5+s20+$0x0], $0xffff;
	_ =	sdelay $0x1  }
0x3ba: {  	v4 =	vor.u32 $0xE, v3;
	_ =	sdelay $0x1  }
0x3bb: {  	[tilespmem:$0x1F9E0] =	vst v7;
	v0 =	vld.idx.msk [tilespmem:v0+s20+$0x0], $0xffff  }
0x3bc: {  	v7 =	vor.u32 $0x13, v3;
	[tilespmem:$0x1FA20] =	vst v1;
	v1 =	vld.idx.msk [tilespmem:v6+s20+$0x0], $0xffff;
	_ =	sdelay $0x1  }
0x3bd: {  	v5 =	vor.u32 $0xF, v3;
	v4 =	vld.idx.msk [tilespmem:v4+s20+$0x0], $0xffff;
	_ =	sdelay $0x1  }
0x3be: {  	[tilespmem:$0x1F9F0] =	vst v0  }
0x3bf: {  	v0 =	vor.u32 $0xC, v3;
	[tilespmem:$0x1FA30] =	vst v1;
	v1 =	vld.idx.msk [tilespmem:v7+s20+$0x0], $0xffff  }
0x3c0: {  	v8 =	vor.u32 $0xD, v3  }
0x3c1: {  	s30 =	simm.s32 $0x310;
	[tilespmem:$0x1FA50] =	vst v4;
	v4 =	vld.idx.msk [tilespmem:v5+s20+$0x0], $0xffff  }
0x3c2: {  	v5 =	vld [tilespmem:s30+$0x0];
	_ =	sdelay $0x1  }
0x3c3: {  	[tilespmem:$0x1FA40] =	vst v1;
	v1 =	vld.idx.msk [tilespmem:v0+s20+$0x0], $0xffff  }
0x3c4: {  	v0 =	vld.idx.msk [tilespmem:v8+s20+$0x0], $0xffff;
	v8 =	vor.u32 $0xA, v3;
	_ =	sdelay $0x1  }
0x3c5: {  	v6 =	vor.u32 $0x8, v3;
	v5 =	vshrl.u32 v5, $0x7  }
0x3c6: {  	s0 =	simm.s32 $0x10910;
	v13 =	vor.u32 $0x7, v3;
	v5 =	vand.u32 $0x40, v5  }
0x3c7: {  	v16 =	vld [tilespmem:s0+$0x0];
	v62 =	vor.u32 v2, v5;
	v2 =	vor.u32 $0x3, v3  }
0x3c8: {  	v10 =	vor.u32 $0xB, v3;
	v8 =	vld.idx.msk [tilespmem:v8+s20+$0x0], $0xffff  }
0x3c9: {  	v9 =	vor.u32 $0x9, v3;
	v58 =	vld.idx.msk [tilespmem:v3+s20+$0x0], $0xffff  }
0x3ca: {  	v11 =	vor.u32 $0x4, v3;
	v7 =	vld.idx.msk [tilespmem:v6+s20+$0x0], $0xffff  }
0x3cb: {  	v5 =	vld.idx.msk [tilespmem:v13+s20+$0x0], $0xffff;
	v15 =	vor.u32 $0x3D, v62  }
0x3cc: {  	v13 =	vld.idx.msk [tilespmem:v2+s20+$0x0], $0xffff;
	v2 =	vor.u32 $0x34, v62  }
0x3cd: {  	v6 =	vor.u32 $0x5, v3;
	[tilespmem:$0x1FA70] =	vst v8;
	v8 =	vld.idx.msk [tilespmem:v10+s20+$0x0], $0xffff  }
0x3ce: {  	[tilespmem:$0x1FA60] =	vst v4;
	v4 =	vld.idx.msk [tilespmem:v9+s20+$0x0], $0xffff;
	v10 =	vor.u32 $0x1, v3  }
0x3cf: {  	v12 =	vor.u32 $0x6, v3;
	v9 =	vld.idx.msk [tilespmem:v11+s20+$0x0], $0xffff  }
0x3d0: {  	v11 =	vor.u32 $0x2, v3;
	v19 =	vld.idx.msk [tilespmem:v15+s22+$0x0], $0xffff  }
0x3d1: {  	v26 =	vld.idx.msk [tilespmem:v2+s22+$0x0], $0xffff;
	v3 =	vor.u32 $0x3C, v62  }
0x3d2: {  	v15 =	vor.u32 $0x30, v62;
	[tilespmem:$0x1FA80] =	vst v8;
	v8 =	vld.idx.msk [tilespmem:v6+s20+$0x0], $0xffff  }
0x3d3: {  	v14 =	vld.idx.msk [tilespmem:v10+s20+$0x0], $0xffff;
	v10 =	vor.u32 $0x38, v62  }
0x3d4: {  	v2 =	vor.u32 $0x31, v62;
	v6 =	vld.idx.msk [tilespmem:v12+s20+$0x0], $0xffff  }
0x3d5: {  	v12 =	vld.idx.msk [tilespmem:v11+s20+$0x0], $0xffff;
	v11 =	vor.u32 $0x39, v62  }
0x3d6: {  	v22 =	vld.idx.msk [tilespmem:v3+s22+$0x0], $0xffff;
	v3 =	vor.u32 $0x35, v62  }
0x3d7: {  	v27 =	vld.idx.msk [tilespmem:v15+s22+$0x0], $0xffff  }
0x3d8: {  	v24 =	vld.idx.msk [tilespmem:v10+s22+$0x0], $0xffff;
	v10 =	vor.u32 $0x2D, v62  }
0x3d9: {  	v23 =	vld.idx.msk [tilespmem:v2+s22+$0x0], $0xffff  }
0x3da: {  	v15 =	vor.u32 $0x28, v62;
	v20 =	vld.idx.msk [tilespmem:v11+s22+$0x0], $0xffff  }
0x3db: {  	s31 =	simm.s32 $0x10710;
	v21 =	vld.idx.msk [tilespmem:v3+s22+$0x0], $0xffff;
	v3 =	vor.u32 $0x2C, v62  }
0x3dc: {  	v2 =	vor.u32 $0x24, v62;
	v11 =	vld [tilespmem:s31+$0x0]  }
0x3dd: {  	v25 =	vld.idx.msk [tilespmem:v10+s22+$0x0], $0xffff;
	v10 =	vor.u32 $0x20, v62;
	_ =	sdelay $0x1  }
0x3de: {  	v17 =	vor.u32 $0x29, v62;
	v34 =	vld.idx.msk [tilespmem:v15+s22+$0x0], $0xffff  }
0x3df: {  	v32 =	vld.idx.msk [tilespmem:v3+s22+$0x0], $0xffff;
	v3 =	vor.u32 $0x25, v62  }
0x3e0: {  	v15 =	vor.u32 $0x21, v62;
	v35 =	vld.idx.msk [tilespmem:v2+s22+$0x0], $0xffff  }
0x3e1: {  	v2 =	vor.u32 $0x1D, v62;
	v11 =	vadd.f32 v16, v11;
	v38 =	vld.idx.msk [tilespmem:v10+s22+$0x0], $0xffff;
	v10 =	vor.u32 $0x3E, v62  }
0x3e2: {  	v29 =	vld.idx.msk [tilespmem:v62+s22+$0x0], $0xffff;
	v16 =	vor.u32 $0x1C, v62;
	[tilespmem:$0x1FA90] =	vst v10;
	v10 =	vor.u32 $0x3A, v62  }
0x3e3: {  	v30 =	vld.idx.msk [tilespmem:v17+s22+$0x0], $0xffff;
	v18 =	vadd.f32 v11, v49;
	v11 =	vor.u32 $0x19, v62;
	[tilespmem:$0x1FAA0] =	vst v10;
	v10 =	vor.u32 $0x3F, v62  }
0x3e4: {  	v39 =	vor.u32 $0x14, v62;
	v28 =	vld.idx.msk [tilespmem:v3+s22+$0x0], $0xffff;
	v3 =	vor.u32 $0x18, v62;
	[tilespmem:$0x1FAB0] =	vst v10;
	v10 =	vor.u32 $0x36, v62  }
0x3e5: {  	v37 =	vor.u32 $0x15, v62;
	v33 =	vor.u32 $0x10, v62;
	v36 =	vld.idx.msk [tilespmem:v15+s22+$0x0], $0xffff;
	[tilespmem:$0x1FAC0] =	vst v10;
	v10 =	vor.u32 $0x3B, v62  }
0x3e6: {  	v43 =	vor.u32 $0x11, v62;
	v44 =	vor.u32 $0xC, v62;
	v40 =	vld.idx.msk [tilespmem:v2+s22+$0x0], $0xffff;
	[tilespmem:$0x1FAD0] =	vst v10;
	v10 =	vor.u32 $0x32, v62  }
0x3e7: {  	v17 =	vor.u32 $0x22, v62;
	v15 =	vor.u32 $0x26, v62;
	v41 =	vld.idx.msk [tilespmem:v16+s22+$0x0], $0xffff;
	[tilespmem:$0x1FAE0] =	vst v10;
	v10 =	vor.u32 $0x37, v62  }
0x3e8: {  	v2 =	vor.u32 $0x2E, v62;
	v16 =	vor.u32 $0x27, v62;
	v42 =	vld.idx.msk [tilespmem:v11+s22+$0x0], $0xffff;
	[tilespmem:$0x1FAF0] =	vst v10;
	v10 =	vor.u32 $0x33, v62  }
0x3e9: {  	s3 =	simm.s32 $0x20;
	v11 =	vor.u32 $0x2B, v62;
	v31 =	vld.idx.msk [tilespmem:v3+s22+$0x0], $0xffff;
	v3 =	vor.u32 $0x2F, v62;
	[tilespmem:$0x1FB00] =	vst v10;
	v10 =	vor.u32 $0x2A, v62  }
.LBB2_8:
0x3ea: {  	v19 =	vmul.f32 v19, v54;
	_ =	sdelay $0x1  }
0x3eb: {  	[tilespmem:$0x1F6B0] =	vst v19;
	v19 =	vld [tilespmem:$0x1F800];
	_ =	sdelay $0x4  }
0x3ec: {  	v19 =	vmul.f32 v26, v19  }
0x3ed: {  	v49 =	vld.idx.msk [tilespmem:v37+s22+$0x0], $0xffff;
	v37 =	vmov v51  }
0x3ee: {  	[tilespmem:$0x1F650] =	vst v19;
	v19 =	vmul.f32 v20, v37  }
0x3ef: {  	v45 =	vor.u32 $0xD, v62  }
0x3f0: {  	[tilespmem:$0x1F670] =	vst v19;
	v19 =	vld [tilespmem:$0x1F810];
	_ =	sdelay $0x3  }
0x3f1: {  	[tilespmem:$0x1F690] =	vst v56;
	v56 =	vld.idx.msk [tilespmem:v45+s22+$0x0], $0xffff  }
0x3f2: {  	v45 =	vmul.f32 v27, v19;
	v19 =	vld [tilespmem:$0x1F850];
	_ =	sdelay $0x4  }
0x3f3: {  	v37 =	vmul.f32 v32, v19;
	v19 =	vld [tilespmem:$0x1F820];
	_ =	sdelay $0x4  }
0x3f4: {  	v32 =	vmul.f32 v23, v19;
	v19 =	vld [tilespmem:$0x1F890];
	_ =	sdelay $0x3  }
0x3f5: {  	v52 =	vmul.f32 v22, v52;
	v22 =	vmov v53  }
0x3f6: {  	v27 =	vmul.f32 v21, v22;
	v22 =	vmul.f32 v34, v19;
	v19 =	vld [tilespmem:$0x1F860];
	_ =	sdelay $0x4  }
0x3f7: {  	v34 =	vmul.f32 v25, v19;
	v19 =	vld [tilespmem:$0x1F8D0];
	_ =	sdelay $0x4  }
0x3f8: {  	v21 =	vmul.f32 v35, v19;
	v19 =	vld [tilespmem:$0x1F8A0];
	_ =	sdelay $0x4  }
0x3f9: {  	v20 =	vmul.f32 v30, v19;
	v19 =	vld [tilespmem:$0x1F910];
	_ =	sdelay $0x4  }
0x3fa: {  	v38 =	vmul.f32 v38, v19;
	v19 =	vld [tilespmem:$0x1F8E0];
	_ =	sdelay $0x4  }
0x3fb: {  	v23 =	vmul.f32 v28, v19;
	v19 =	vld [tilespmem:$0x1F950];
	_ =	sdelay $0x4  }
0x3fc: {  	v41 =	vmul.f32 v41, v19;
	v19 =	vld [tilespmem:$0x1F920];
	_ =	sdelay $0x2  }
0x3fd: {  	v46 =	vld.idx.msk [tilespmem:v39+s22+$0x0], $0xffff;
	v48 =	vor.u32 $0x8, v62  }
0x3fe: {  	v53 =	vld.idx.msk [tilespmem:v43+s22+$0x0], $0xffff;
	v43 =	vor.u32 $0x1, v62  }
0x3ff: {  	v36 =	vmul.f32 v36, v19;
	v19 =	vld [tilespmem:$0x1F990]  }
0x400: {  	v33 =	vld.idx.msk [tilespmem:v33+s22+$0x0], $0xffff  }
0x401: {  	v44 =	vld.idx.msk [tilespmem:v44+s22+$0x0], $0xffff;
	[tilespmem:$0x1F6A0] =	vst v52;
	v52 =	vor.u32 $0x4, v62  }
0x402: {  	[tilespmem:$0x1F680] =	vst v57;
	v57 =	vor.u32 $0x2, v62;
	v48 =	vld.idx.msk [tilespmem:v48+s22+$0x0], $0xffff  }
0x403: {  	v58 =	vmul.f32 v29, v58;
	v29 =	vor.u32 $0x9, v62;
	v28 =	vld.idx.msk [tilespmem:v43+s22+$0x0], $0xffff  }
0x404: {  	v31 =	vmul.f32 v31, v19;
	v19 =	vld [tilespmem:$0x1F960]  }
0x405: {  	v43 =	vld [tilespmem:$0x1FA10]  }
0x406: {  	v55 =	vmov v50;
	v25 =	vld.idx.msk [tilespmem:v52+s22+$0x0], $0xffff;
	v52 =	vor.u32 $0x6, v62  }
0x407: {  	v54 =	vor.u32 $0x5, v62;
	v24 =	vmul.f32 v24, v55;
	v55 =	vld.idx.msk [tilespmem:v57+s22+$0x0], $0xffff  }
0x408: {  	v26 =	vmov v59;
	v59 =	vor.u32 $0x3, v62;
	v29 =	vld.idx.msk [tilespmem:v29+s22+$0x0], $0xffff  }
0x409: {  	v40 =	vmul.f32 v40, v19;
	v19 =	vld [tilespmem:$0x1F9D0]  }
0x40a: {  	v33 =	vmul.f32 v33, v43;
	v43 =	vld [tilespmem:$0x1F9E0]  }
0x40b: {  	v57 =	vor.u32 $0xB, v62;
	v52 =	vld.idx.msk [tilespmem:v52+s22+$0x0], $0xffff  }
0x40c: {  	v35 =	vor.u32 $0x7, v62;
	v30 =	vld.idx.msk [tilespmem:v54+s22+$0x0], $0xffff  }
0x40d: {  	v59 =	vld.idx.msk [tilespmem:v59+s22+$0x0], $0xffff  }
0x40e: {  	v12 =	vmul.f32 v55, v12;
	v54 =	vor.u32 $0xA, v62;
	v46 =	vmul.f32 v46, v19;
	v19 =	vld [tilespmem:$0x1F9A0]  }
0x40f: {  	[tilespmem:$0x1F660] =	vst v24;
	v24 =	vmovc v60;
	v60 =	vor.u32 $0xE, v62;
	v14 =	vmul.f32 v28, v14;
	v49 =	vmul.f32 v49, v43;
	v43 =	vld [tilespmem:$0x1FA20]  }
0x410: {  	v12 =	vadd.f32 $0.0e+00, v12;
	v9 =	vmul.f32 v25, v9;
	v25 =	vld.idx.msk [tilespmem:v57+s22+$0x0], $0xffff;
	v6 =	vmul.f32 v52, v6  }
0x411: {  	v35 =	vld.idx.msk [tilespmem:v35+s22+$0x0], $0xffff;
	v8 =	vmul.f32 v30, v8;
	v14 =	vadd.f32 $0.0e+00, v14  }
0x412: {  	v7 =	vmul.f32 v48, v7;
	v4 =	vmul.f32 v29, v4;
	v6 =	vadd.f32 v6, v12;
	v12 =	vld [tilespmem:$0x1FA80]  }
0x413: {  	v48 =	vld.idx.msk [tilespmem:v54+s22+$0x0], $0xffff;
	v8 =	vadd.f32 v8, v14;
	v42 =	vmul.f32 v42, v19;
	v19 =	vmovc v61;
	v61 =	vor.u32 $0xF, v62  }
0x414: {  	v1 =	vmul.f32 v44, v1;
	v14 =	vld [tilespmem:$0x1FA70];
	v44 =	vmul.f32 v53, v43;
	v53 =	vor.u32 $0x12, v62  }
0x415: {  	v47 =	vor.u32 $0x1E, v62;
	v0 =	vmul.f32 v56, v0;
	v28 =	vld.idx.msk [tilespmem:v60+s22+$0x0], $0xffff;
	v4 =	vadd.f32 v4, v8  }
0x416: {  	v39 =	vor.u32 $0x23, v62;
	v50 =	vor.u32 $0x1A, v62;
	v13 =	vmul.f32 v59, v13;
	v8 =	vld [tilespmem:$0x1FA50]  }
0x417: {  	v51 =	vor.u32 $0x1F, v62;
	v29 =	vor.u32 $0x16, v62;
	v0 =	vadd.f32 v0, v4;
	v4 =	vld [tilespmem:$0x1FA30]  }
0x418: {  	v13 =	vadd.f32 $0.0e+00, v13;
	v30 =	vor.u32 $0x17, v62;
	v5 =	vmul.f32 v35, v5;
	v60 =	vld.idx.msk [tilespmem:v61+s22+$0x0], $0xffff  }
0x419: {  	v14 =	vmul.f32 v48, v14;
	v43 =	vor.u32 $0x13, v62;
	v61 =	vor.u32 $0x1B, v62;
	v62 =	vld.idx.msk [tilespmem:v53+s22+$0x0], $0xffff  }
0x41a: {  	v5 =	vadd.f32 v5, v13;
	v12 =	vmul.f32 v25, v12  }
0x41b: {  	v8 =	vmul.f32 v28, v8;
	v6 =	vadd.f32 v14, v6  }
0x41c: {  	v5 =	vadd.f32 v12, v5;
	v12 =	vld [tilespmem:$0x1FA60]  }
0x41d: {  	v6 =	vadd.f32 v8, v6;
	v8 =	vld [tilespmem:$0x1FA40]  }
0x41e: {  	v43 =	vld.idx.msk [tilespmem:v43+s22+$0x0], $0xffff;
	v4 =	vmul.f32 v62, v4  }
0x41f: {  	v13 =	vld.idx.msk [tilespmem:v30+s22+$0x0], $0xffff  }
0x420: {  	v4 =	vadd.f32 v4, v6;
	v6 =	vld [tilespmem:$0x1FA00]  }
0x421: {  	v12 =	vmul.f32 v60, v12;
	_ =	sdelay $0x1  }
0x422: {  	v8 =	vmul.f32 v43, v8;
	v5 =	vadd.f32 v12, v5;
	_ =	sdelay $0x1  }
0x423: {  	v5 =	vadd.f32 v8, v5;
	v6 =	vmul.f32 v13, v6  }
0x424: {  	v14 =	vld.idx.msk [tilespmem:v61+s22+$0x0], $0xffff  }
0x425: {  	v5 =	vadd.f32 v6, v5;
	v6 =	vld [tilespmem:$0x1F9C0];
	_ =	sdelay $0x4  }
0x426: {  	v6 =	vmul.f32 v14, v6  }
0x427: {  	v12 =	vld.idx.msk [tilespmem:v51+s22+$0x0], $0xffff  }
0x428: {  	v18 =	vadd.f32 v58, v18;
	v5 =	vadd.f32 v6, v5;
	v6 =	vld [tilespmem:$0x1F980];
	_ =	sdelay $0x1  }
0x429: {  	v9 =	vadd.f32 v9, v18  }
0x42a: {  	v18 =	vld.idx.msk [tilespmem:v29+s22+$0x0], $0xffff  }
0x42b: {  	v7 =	vadd.f32 v7, v9;
	v9 =	vld.idx.msk [tilespmem:v50+s22+$0x0], $0xffff  }
0x42c: {  	v8 =	vld.idx.msk [tilespmem:v39+s22+$0x0], $0xffff;
	v6 =	vmul.f32 v12, v6  }
0x42d: {  	v13 =	vld [tilespmem:$0x1F9B0]  }
0x42e: {  	v5 =	vadd.f32 v6, v5;
	v6 =	vld [tilespmem:$0x1F940]  }
0x42f: {  	v25 =	vld [tilespmem:$0x1F9F0];
	_ =	sdelay $0x1  }
0x430: {  	v1 =	vadd.f32 v1, v7;
	v7 =	vld.idx.msk [tilespmem:v47+s22+$0x0], $0xffff  }
0x431: {  	v9 =	vmul.f32 v9, v13;
	v13 =	vld.idx.msk [tilespmem:v15+s22+$0x0], $0xffff  }
0x432: {  	v15 =	vld [tilespmem:$0x1F970];
	v6 =	vmul.f32 v8, v6  }
0x433: {  	v18 =	vmul.f32 v18, v25;
	v14 =	vld.idx.msk [tilespmem:v16+s22+$0x0], $0xffff  }
0x434: {  	v5 =	vadd.f32 v6, v5;
	v6 =	vld [tilespmem:$0x1F900]  }
0x435: {  	v4 =	vadd.f32 v18, v4  }
0x436: {  	v17 =	vld.idx.msk [tilespmem:v17+s22+$0x0], $0xffff  }
0x437: {  	v4 =	vadd.f32 v9, v4;
	v9 =	vld.idx.msk [tilespmem:v11+s22+$0x0], $0xffff  }
0x438: {  	v11 =	vld [tilespmem:$0x1F930];
	v7 =	vmul.f32 v7, v15  }
0x439: {  	v6 =	vmul.f32 v14, v6  }
0x43a: {  	v4 =	vadd.f32 v7, v4;
	v7 =	vld [tilespmem:$0x1F8F0]  }
0x43b: {  	v5 =	vadd.f32 v6, v5;
	v6 =	vld [tilespmem:$0x1F8C0]  }
0x43c: {  	v10 =	vld.idx.msk [tilespmem:v10+s22+$0x0], $0xffff  }
0x43d: {  	v2 =	vld.idx.msk [tilespmem:v2+s22+$0x0], $0xffff;
	v11 =	vmul.f32 v17, v11  }
0x43e: {  	v3 =	vld.idx.msk [tilespmem:v3+s22+$0x0], $0xffff  }
0x43f: {  	v4 =	vadd.f32 v11, v4;
	v11 =	vld [tilespmem:$0x1FB00];
	v7 =	vmul.f32 v13, v7  }
0x440: {  	v12 =	vld [tilespmem:$0x1F8B0];
	v6 =	vmul.f32 v9, v6  }
0x441: {  	v4 =	vadd.f32 v7, v4;
	v7 =	vld [tilespmem:$0x1FAF0]  }
0x442: {  	v5 =	vadd.f32 v6, v5;
	v6 =	vld [tilespmem:$0x1F880]  }
0x443: {  	v8 =	vld [tilespmem:$0x1FAE0]  }
0x444: {  	v9 =	vld [tilespmem:$0x1F870]  }
0x445: {  	v1 =	vadd.f32 v33, v1  }
0x446: {  	v10 =	vmul.f32 v10, v12  }
0x447: {  	v1 =	vadd.f32 v46, v1;
	v3 =	vmul.f32 v3, v6;
	v6 =	vld [tilespmem:$0x1FAD0]  }
0x448: {  	v4 =	vadd.f32 v10, v4;
	v10 =	vld [tilespmem:$0x1F830]  }
0x449: {  	v1 =	vadd.f32 v31, v1;
	v11 =	vld.idx.msk [tilespmem:v11+s22+$0x0], $0xffff;
	v2 =	vmul.f32 v2, v9  }
0x44a: {  	v0 =	vadd.f32 v44, v0;
	v7 =	vld.idx.msk [tilespmem:v7+s22+$0x0], $0xffff  }
0x44b: {  	v1 =	vadd.f32 v41, v1;
	v2 =	vadd.f32 v2, v4;
	v4 =	vld [tilespmem:$0x1F840]  }
0x44c: {  	v0 =	vadd.f32 v49, v0;
	v8 =	vld.idx.msk [tilespmem:v8+s22+$0x0], $0xffff  }
0x44d: {  	v1 =	vadd.f32 v38, v1;
	v3 =	vadd.f32 v3, v5;
	v5 =	vld [tilespmem:$0x1FAB0]  }
0x44e: {  	v0 =	vadd.f32 v42, v0  }
0x44f: {  	v1 =	vadd.f32 v21, v1;
	v6 =	vld.idx.msk [tilespmem:v6+s22+$0x0], $0xffff  }
0x450: {  	v0 =	vadd.f32 v40, v0;
	v12 =	vld [tilespmem:$0x1FAC0];
	v4 =	vmul.f32 v11, v4  }
0x451: {  	v1 =	vadd.f32 v22, v1;
	v8 =	vmul.f32 v8, v10;
	v10 =	vld [tilespmem:$0x1FA90]  }
0x452: {  	v0 =	vadd.f32 v36, v0;
	v3 =	vadd.f32 v4, v3;
	v4 =	vmul.f32 v7, v19;
	v7 =	vld [tilespmem:$0x1F650]  }
0x453: {  	v1 =	vadd.f32 v37, v1;
	v9 =	vld [tilespmem:$0x1FAA0]  }
0x454: {  	v0 =	vadd.f32 v23, v0;
	v3 =	vadd.f32 v4, v3;
	v4 =	vmul.f32 v6, v26;
	v6 =	vld [tilespmem:$0x1F660]  }
0x455: {  	v1 =	vadd.f32 v45, v1;
	v5 =	vld.idx.msk [tilespmem:v5+s22+$0x0], $0xffff  }
0x456: {  	v0 =	vadd.f32 v20, v0;
	v3 =	vadd.f32 v4, v3;
	v4 =	vld [tilespmem:$0x1F690]  }
0x457: {  	v1 =	vadd.f32 v7, v1  }
0x458: {  	v0 =	vadd.f32 v34, v0  }
0x459: {  	v1 =	vadd.f32 v6, v1;
	v6 =	vld [tilespmem:$0x1F670]  }
0x45a: {  	v0 =	vadd.f32 v32, v0;
	v12 =	vld.idx.msk [tilespmem:v12+s22+$0x0], $0xffff  }
0x45b: {  	v4 =	vmul.f32 v5, v4;
	v5 =	vld [tilespmem:$0x1F6A0]  }
0x45c: {  	v0 =	vadd.f32 v27, v0;
	v9 =	vld.idx.msk [tilespmem:v9+s22+$0x0], $0xffff  }
0x45d: {  	v10 =	vld.idx.msk [tilespmem:v10+s22+$0x0], $0xffff  }
0x45e: {  	v0 =	vadd.f32 v6, v0;
	v6 =	vld [tilespmem:$0x1F680]  }
0x45f: {  	v2 =	vadd.f32 v8, v2;
	v11 =	vmul.f32 v12, v63  }
0x460: {  	v1 =	vadd.f32 v5, v1;
	v5 =	vld [tilespmem:$0x1F6B0]  }
0x461: {  	v2 =	vadd.f32 v11, v2;
	v7 =	vmul.f32 v9, v24;
	_ =	sdelay $0x1  }
0x462: {  	v2 =	vadd.f32 v7, v2;
	v6 =	vmul.f32 v10, v6  }
0x463: {  	v3 =	vadd.f32 v4, v3  }
0x464: {  	v0 =	vadd.f32 v5, v0;
	v2 =	vadd.f32 v6, v2;
	_ =	sdelay $0x1  }
0x465: {  	v0 =	vadd.f32 v0, v1;
	v1 =	vadd.f32 v3, v2;
	_ =	sdelay $0x1  }
0x466: {  	v0 =	vadd.f32 v1, v0  }
0x467: {  	s28 =	sadd.s32 $0x10, s28  }
0x468: {  	s29 =	sadd.s32 $0x10, s29;
	[tilespmem:s28+$0x0] =	vst v0  }
0x469: {  	v0 =	vld [tilespmem:s29+$0x0]  }
0x46a: {  	v55 =	vld [tilespmem:$0x1FFF0];
	_ =	sdelay $0x2  }
0x46b: {  	v1 =	vmov s3  }
0x46c: {  	v1 =	vshll.u32 v1, $0x7;
	v0 =	vshrl.u32 v0, $0x7  }
0x46d: {  	v5 =	vor.u32 v55, v1;
	v0 =	vand.u32 $0x40, v0  }
0x46e: {  	v6 =	vor.u32 v5, v0  }
0x46f: {  	v1 =	vor.u32 $0x3D, v6  }
0x470: {  	v4 =	vor.u32 $0x3E, v6;
	_ =	sdelay $0x3  }
0x471: {  	v54 =	vld.idx.msk [tilespmem:v1+s20+$0x0], $0xffff;
	v1 =	vor.u32 $0x3B, v6  }
0x472: {  	v57 =	vld.idx.msk [tilespmem:v4+s20+$0x0], $0xffff;
	v4 =	vor.u32 $0x34, v6;
	_ =	sdelay $0x3  }
0x473: {  	v7 =	vor.u32 $0x3F, v6;
	v59 =	vld.idx.msk [tilespmem:v1+s20+$0x0], $0xffff  }
0x474: {  	v1 =	vor.u32 $0x31, v6;
	v4 =	vld.idx.msk [tilespmem:v4+s20+$0x0], $0xffff;
	_ =	sdelay $0x1  }
0x475: {  	v0 =	vor.u32 $0x3C, v6  }
0x476: {  	v8 =	vor.u32 $0x38, v6  }
0x477: {  	v56 =	vld.idx.msk [tilespmem:v7+s20+$0x0], $0xffff;
	v7 =	vor.u32 $0x35, v6  }
0x478: {  	[tilespmem:$0x1F800] =	vst v4;
	v4 =	vor.u32 $0x32, v6;
	v1 =	vld.idx.msk [tilespmem:v1+s20+$0x0], $0xffff  }
0x479: {  	v9 =	vor.u32 $0x39, v6  }
0x47a: {  	v52 =	vld.idx.msk [tilespmem:v0+s20+$0x0], $0xffff;
	v0 =	vor.u32 $0x3A, v6  }
0x47b: {  	v50 =	vld.idx.msk [tilespmem:v8+s20+$0x0], $0xffff;
	v8 =	vor.u32 $0x36, v6  }
0x47c: {  	v53 =	vld.idx.msk [tilespmem:v7+s20+$0x0], $0xffff;
	v7 =	vor.u32 $0x33, v6  }
0x47d: {  	[tilespmem:$0x1F820] =	vst v1;
	v1 =	vor.u32 $0x2F, v6;
	v4 =	vld.idx.msk [tilespmem:v4+s20+$0x0], $0xffff  }
0x47e: {  	v51 =	vld.idx.msk [tilespmem:v9+s20+$0x0], $0xffff  }
0x47f: {  	v9 =	vor.u32 $0x37, v6;
	v60 =	vld.idx.msk [tilespmem:v0+s20+$0x0], $0xffff  }
0x480: {  	v0 =	vor.u32 $0x30, v6;
	v63 =	vld.idx.msk [tilespmem:v8+s20+$0x0], $0xffff  }
0x481: {  	v8 =	vor.u32 $0x2C, v6;
	v7 =	vld.idx.msk [tilespmem:v7+s20+$0x0], $0xffff  }
0x482: {  	[tilespmem:$0x1F830] =	vst v4;
	v4 =	vor.u32 $0x28, v6;
	v1 =	vld.idx.msk [tilespmem:v1+s20+$0x0], $0xffff;
	_ =	sdelay $0x1  }
0x483: {  	v61 =	vld.idx.msk [tilespmem:v9+s20+$0x0], $0xffff  }
0x484: {  	v9 =	vor.u32 $0x2D, v6;
	v0 =	vld.idx.msk [tilespmem:v0+s20+$0x0], $0xffff  }
0x485: {  	v8 =	vld.idx.msk [tilespmem:v8+s20+$0x0], $0xffff;
	[tilespmem:$0x1F840] =	vst v7;
	v7 =	vor.u32 $0x29, v6  }
0x486: {  	[tilespmem:$0x1F880] =	vst v1;
	v1 =	vor.u32 $0x25, v6;
	v4 =	vld.idx.msk [tilespmem:v4+s20+$0x0], $0xffff;
	_ =	sdelay $0x2  }
0x487: {  	v9 =	vld.idx.msk [tilespmem:v9+s20+$0x0], $0xffff;
	[tilespmem:$0x1F810] =	vst v0;
	v0 =	vor.u32 $0x2E, v6  }
0x488: {  	[tilespmem:$0x1F850] =	vst v8;
	v8 =	vor.u32 $0x2A, v6;
	v7 =	vld.idx.msk [tilespmem:v7+s20+$0x0], $0xffff  }
0x489: {  	[tilespmem:$0x1F890] =	vst v4;
	v4 =	vor.u32 $0x26, v6;
	v1 =	vld.idx.msk [tilespmem:v1+s20+$0x0], $0xffff;
	_ =	sdelay $0x2  }
0x48a: {  	[tilespmem:$0x1F860] =	vst v9;
	v9 =	vor.u32 $0x2B, v6;
	v0 =	vld.idx.msk [tilespmem:v0+s20+$0x0], $0xffff  }
0x48b: {  	v8 =	vld.idx.msk [tilespmem:v8+s20+$0x0], $0xffff;
	[tilespmem:$0x1F8A0] =	vst v7;
	v7 =	vor.u32 $0x27, v6  }
0x48c: {  	[tilespmem:$0x1F8E0] =	vst v1;
	v1 =	vor.u32 $0x23, v6;
	v4 =	vld.idx.msk [tilespmem:v4+s20+$0x0], $0xffff;
	_ =	sdelay $0x2  }
0x48d: {  	v9 =	vld.idx.msk [tilespmem:v9+s20+$0x0], $0xffff;
	[tilespmem:$0x1F870] =	vst v0;
	v0 =	vor.u32 $0x24, v6  }
0x48e: {  	[tilespmem:$0x1F8B0] =	vst v8;
	v8 =	vor.u32 $0x20, v6;
	v7 =	vld.idx.msk [tilespmem:v7+s20+$0x0], $0xffff  }
0x48f: {  	[tilespmem:$0x1F8F0] =	vst v4;
	v4 =	vor.u32 $0x1C, v6;
	v1 =	vld.idx.msk [tilespmem:v1+s20+$0x0], $0xffff;
	_ =	sdelay $0x2  }
0x490: {  	[tilespmem:$0x1F8C0] =	vst v9;
	v9 =	vor.u32 $0x21, v6;
	v0 =	vld.idx.msk [tilespmem:v0+s20+$0x0], $0xffff  }
0x491: {  	v8 =	vld.idx.msk [tilespmem:v8+s20+$0x0], $0xffff;
	[tilespmem:$0x1F900] =	vst v7;
	v7 =	vor.u32 $0x1D, v6  }
0x492: {  	[tilespmem:$0x1F940] =	vst v1;
	v1 =	vor.u32 $0x19, v6;
	v4 =	vld.idx.msk [tilespmem:v4+s20+$0x0], $0xffff;
	_ =	sdelay $0x2  }
0x493: {  	v9 =	vld.idx.msk [tilespmem:v9+s20+$0x0], $0xffff;
	[tilespmem:$0x1F8D0] =	vst v0;
	v0 =	vor.u32 $0x22, v6  }
0x494: {  	[tilespmem:$0x1F910] =	vst v8;
	v8 =	vor.u32 $0x1E, v6;
	v7 =	vld.idx.msk [tilespmem:v7+s20+$0x0], $0xffff  }
0x495: {  	[tilespmem:$0x1F950] =	vst v4;
	v4 =	vor.u32 $0x1A, v6;
	v1 =	vld.idx.msk [tilespmem:v1+s20+$0x0], $0xffff;
	_ =	sdelay $0x2  }
0x496: {  	[tilespmem:$0x1F920] =	vst v9;
	v9 =	vor.u32 $0x1F, v6;
	v0 =	vld.idx.msk [tilespmem:v0+s20+$0x0], $0xffff  }
0x497: {  	v8 =	vld.idx.msk [tilespmem:v8+s20+$0x0], $0xffff;
	[tilespmem:$0x1F960] =	vst v7;
	v7 =	vor.u32 $0x1B, v6  }
0x498: {  	[tilespmem:$0x1F9A0] =	vst v1;
	v1 =	vor.u32 $0x17, v6;
	v4 =	vld.idx.msk [tilespmem:v4+s20+$0x0], $0xffff;
	_ =	sdelay $0x2  }
0x499: {  	v9 =	vld.idx.msk [tilespmem:v9+s20+$0x0], $0xffff;
	[tilespmem:$0x1F930] =	vst v0;
	v0 =	vor.u32 $0x18, v6  }
0x49a: {  	[tilespmem:$0x1F970] =	vst v8;
	v8 =	vor.u32 $0x14, v6;
	v7 =	vld.idx.msk [tilespmem:v7+s20+$0x0], $0xffff  }
0x49b: {  	[tilespmem:$0x1F9B0] =	vst v4;
	v4 =	vor.u32 $0x10, v6;
	v1 =	vld.idx.msk [tilespmem:v1+s20+$0x0], $0xffff;
	_ =	sdelay $0x2  }
0x49c: {  	[tilespmem:$0x1F980] =	vst v9;
	v0 =	vld.idx.msk [tilespmem:v0+s20+$0x0], $0xffff  }
0x49d: {  	v9 =	vor.u32 $0x15, v6;
	v8 =	vld.idx.msk [tilespmem:v8+s20+$0x0], $0xffff;
	[tilespmem:$0x1F9C0] =	vst v7  }
0x49e: {  	v7 =	vor.u32 $0x11, v6;
	[tilespmem:$0x1FA00] =	vst v1;
	v1 =	vld.idx.msk [tilespmem:v4+s20+$0x0], $0xffff;
	_ =	sdelay $0x2  }
0x49f: {  	[tilespmem:$0x1F990] =	vst v0  }
0x4a0: {  	v9 =	vld.idx.msk [tilespmem:v9+s20+$0x0], $0xffff;
	v0 =	vor.u32 $0x16, v6;
	[tilespmem:$0x1F9D0] =	vst v8  }
0x4a1: {  	v8 =	vor.u32 $0x12, v6;
	[tilespmem:$0x1FA10] =	vst v1;
	v1 =	vld.idx.msk [tilespmem:v7+s20+$0x0], $0xffff;
	_ =	sdelay $0x3  }
0x4a2: {  	[tilespmem:$0x1F9E0] =	vst v9;
	v0 =	vld.idx.msk [tilespmem:v0+s20+$0x0], $0xffff  }
0x4a3: {  	v9 =	vor.u32 $0x13, v6;
	[tilespmem:$0x1FA20] =	vst v1;
	v1 =	vld.idx.msk [tilespmem:v8+s20+$0x0], $0xffff;
	_ =	sdelay $0x3  }
0x4a4: {  	[tilespmem:$0x1F9F0] =	vst v0;
	v4 =	vor.u32 $0xE, v6  }
0x4a5: {  	v0 =	vor.u32 $0xC, v6;
	[tilespmem:$0x1FA30] =	vst v1;
	v1 =	vld.idx.msk [tilespmem:v9+s20+$0x0], $0xffff  }
0x4a6: {  	v10 =	vor.u32 $0xD, v6;
	_ =	sdelay $0x2  }
0x4a7: {  	v7 =	vor.u32 $0xF, v6;
	v4 =	vld.idx.msk [tilespmem:v4+s20+$0x0], $0xffff  }
0x4a8: {  	v8 =	vor.u32 $0x8, v6;
	[tilespmem:$0x1FA40] =	vst v1;
	v1 =	vld.idx.msk [tilespmem:v0+s20+$0x0], $0xffff  }
0x4a9: {  	v0 =	vld.idx.msk [tilespmem:v10+s20+$0x0], $0xffff;
	v10 =	vor.u32 $0xA, v6;
	_ =	sdelay $0x2  }
0x4aa: {  	[tilespmem:$0x1FA50] =	vst v4;
	v4 =	vld.idx.msk [tilespmem:v7+s20+$0x0], $0xffff  }
0x4ab: {  	v9 =	vor.u32 $0x9, v6;
	v7 =	vld.idx.msk [tilespmem:v8+s20+$0x0], $0xffff  }
0x4ac: {  	v11 =	vor.u32 $0xB, v6;
	v8 =	vld.idx.msk [tilespmem:v10+s20+$0x0], $0xffff  }
0x4ad: {  	v13 =	vor.u32 $0x4, v6  }
0x4ae: {  	s30 =	sadd.s32 $0x10, s30  }
0x4af: {  	v12 =	vld [tilespmem:s30+$0x0]  }
0x4b0: {  	[tilespmem:$0x1FA60] =	vst v4;
	v4 =	vld.idx.msk [tilespmem:v9+s20+$0x0], $0xffff  }
0x4b1: {  	[tilespmem:$0x1FA70] =	vst v8;
	v8 =	vld.idx.msk [tilespmem:v11+s20+$0x0], $0xffff  }
0x4b2: {  	v9 =	vld.idx.msk [tilespmem:v13+s20+$0x0], $0xffff;
	v13 =	vor.u32 $0x3, v6  }
0x4b3: {  	s31 =	sadd.s32 $0x10, s31;
	v15 =	vor.u32 $0x6, v6  }
0x4b4: {  	s0 =	sadd.s32 $0x10, s0;
	v2 =	vld [tilespmem:s31+$0x0];
	v14 =	vor.u32 $0x5, v6  }
0x4b5: {  	v3 =	vld [tilespmem:s0+$0x0];
	v10 =	vor.u32 $0x1, v6  }
0x4b6: {  	v16 =	vor.u32 $0x7, v6;
	v58 =	vld.idx.msk [tilespmem:v6+s20+$0x0], $0xffff;
	[tilespmem:$0x1FA80] =	vst v8;
	v8 =	vshrl.u32 v12, $0x7  }
0x4b7: {  	v13 =	vld.idx.msk [tilespmem:v13+s20+$0x0], $0xffff;
	v11 =	vor.u32 $0x2, v6;
	v12 =	vand.u32 $0x40, v8  }
0x4b8: {  	v6 =	vld.idx.msk [tilespmem:v15+s20+$0x0], $0xffff;
	v62 =	vor.u32 v5, v12  }
0x4b9: {  	v8 =	vld.idx.msk [tilespmem:v14+s20+$0x0], $0xffff;
	v15 =	vor.u32 $0x3C, v62  }
0x4ba: {  	v14 =	vld.idx.msk [tilespmem:v10+s20+$0x0], $0xffff;
	v10 =	vor.u32 $0x3D, v62  }
0x4bb: {  	v5 =	vld.idx.msk [tilespmem:v16+s20+$0x0], $0xffff;
	v17 =	vor.u32 $0x34, v62  }
0x4bc: {  	v12 =	vld.idx.msk [tilespmem:v11+s20+$0x0], $0xffff;
	v11 =	vor.u32 $0x38, v62  }
0x4bd: {  	v16 =	vor.u32 $0x39, v62;
	v29 =	vld.idx.msk [tilespmem:v62+s22+$0x0], $0xffff  }
0x4be: {  	v18 =	vor.u32 $0x35, v62;
	v22 =	vld.idx.msk [tilespmem:v15+s22+$0x0], $0xffff  }
0x4bf: {  	v2 =	vadd.f32 v3, v2;
	v3 =	vor.u32 $0x21, v62;
	v19 =	vld.idx.msk [tilespmem:v10+s22+$0x0], $0xffff  }
0x4c0: {  	v26 =	vld.idx.msk [tilespmem:v17+s22+$0x0], $0xffff;
	v17 =	vor.u32 $0x28, v62  }
0x4c1: {  	v24 =	vld.idx.msk [tilespmem:v11+s22+$0x0], $0xffff  }
0x4c2: {  	v15 =	vor.u32 $0x30, v62;
	v20 =	vld.idx.msk [tilespmem:v16+s22+$0x0], $0xffff  }
0x4c3: {  	v10 =	vor.u32 $0x31, v62;
	v21 =	vld.idx.msk [tilespmem:v18+s22+$0x0], $0xffff  }
0x4c4: {  	v11 =	vor.u32 $0x2C, v62;
	v36 =	vld.idx.msk [tilespmem:v3+s22+$0x0], $0xffff  }
0x4c5: {  	v16 =	vor.u32 $0x2D, v62;
	v34 =	vld.idx.msk [tilespmem:v17+s22+$0x0], $0xffff  }
0x4c6: {  	v18 =	vor.u32 $0x29, v62;
	v17 =	vld [tilespmem:$0x1FFE0]  }
0x4c7: {  	v49 =	vor.u32 $0x19, v62;
	v27 =	vld.idx.msk [tilespmem:v15+s22+$0x0], $0xffff  }
0x4c8: {  	v15 =	vor.u32 $0x24, v62;
	v23 =	vld.idx.msk [tilespmem:v10+s22+$0x0], $0xffff  }
0x4c9: {  	v10 =	vor.u32 $0x25, v62;
	v32 =	vld.idx.msk [tilespmem:v11+s22+$0x0], $0xffff  }
0x4ca: {  	v3 =	vor.u32 $0x33, v62;
	v11 =	vor.u32 $0x20, v62;
	v25 =	vld.idx.msk [tilespmem:v16+s22+$0x0], $0xffff  }
0x4cb: {  	[tilespmem:$0x1FB00] =	vst v3;
	v16 =	vor.u32 $0x1C, v62;
	v30 =	vld.idx.msk [tilespmem:v18+s22+$0x0], $0xffff;
	v18 =	vadd.f32 v2, v17;
	v2 =	vor.u32 $0x3E, v62  }
0x4cc: {  	v42 =	vld.idx.msk [tilespmem:v49+s22+$0x0], $0xffff;
	v17 =	vor.u32 $0x1D, v62;
	[tilespmem:$0x1FA90] =	vst v2;
	v2 =	vor.u32 $0x3A, v62  }
0x4cd: {  	p0 =	sne.s32 s3, $0xF0;
	v39 =	vor.u32 $0x14, v62;
	v35 =	vld.idx.msk [tilespmem:v15+s22+$0x0], $0xffff;
	v15 =	vor.u32 $0x18, v62;
	[tilespmem:$0x1FAA0] =	vst v2;
	v2 =	vor.u32 $0x3F, v62  }
.Ltmp3:
0x4ce: {  	v37 =	vor.u32 $0x15, v62;
	v33 =	vor.u32 $0x10, v62;
	v28 =	vld.idx.msk [tilespmem:v10+s22+$0x0], $0xffff;
	[tilespmem:$0x1FAB0] =	vst v2;
	v2 =	vor.u32 $0x36, v62;
	(pc) =	sbr.rel @p0 .LBB2_8-.Ltmp3, $4  }
0x4cf: {  	v43 =	vor.u32 $0x11, v62;
	v44 =	vor.u32 $0xC, v62;
	v38 =	vld.idx.msk [tilespmem:v11+s22+$0x0], $0xffff;
	[tilespmem:$0x1FAC0] =	vst v2;
	v2 =	vor.u32 $0x3B, v62  }
0x4d0: {  	v3 =	vor.u32 $0x2F, v62;
	v41 =	vld.idx.msk [tilespmem:v16+s22+$0x0], $0xffff;
	v10 =	vor.u32 $0x2A, v62;
	[tilespmem:$0x1FAD0] =	vst v2;
	v2 =	vor.u32 $0x32, v62  }
0x4d1: {  	v11 =	vor.u32 $0x2B, v62;
	v16 =	vor.u32 $0x27, v62;
	v40 =	vld.idx.msk [tilespmem:v17+s22+$0x0], $0xffff;
	[tilespmem:$0x1FAE0] =	vst v2;
	v2 =	vor.u32 $0x37, v62  }
0x4d2: {  	s3 =	sadd.s32 $0x10, s3;
	v31 =	vld.idx.msk [tilespmem:v15+s22+$0x0], $0xffff;
	v15 =	vor.u32 $0x26, v62;
	v17 =	vor.u32 $0x22, v62;
	[tilespmem:$0x1FAF0] =	vst v2;
	v2 =	vor.u32 $0x2E, v62  }
0x4d3: {  	_ =	sdelay $0x3  }
0x4d4: {  	v45 =	vld.idx.msk [tilespmem:v39+s22+$0x0], $0xffff;
	v47 =	vmul.f32 v29, v58;
	v22 =	vmul.f32 v22, v52  }
0x4d5: {  	v58 =	vmul.f32 v24, v50;
	v24 =	vmul.f32 v19, v54;
	v54 =	vld [tilespmem:$0x1F800]  }
0x4d6: {  	[tilespmem:$0x1F640] =	vst v22;
	v22 =	vld [tilespmem:$0x1F810]  }
0x4d7: {  	v37 =	vld.idx.msk [tilespmem:v37+s22+$0x0], $0xffff  }
0x4d8: {  	v33 =	vld.idx.msk [tilespmem:v33+s22+$0x0], $0xffff  }
0x4d9: {  	v43 =	vld.idx.msk [tilespmem:v43+s22+$0x0], $0xffff  }
0x4da: {  	v44 =	vld.idx.msk [tilespmem:v44+s22+$0x0], $0xffff;
	v39 =	vmul.f32 v26, v54  }
0x4db: {  	v26 =	vmul.f32 v20, v51;
	v20 =	vmul.f32 v27, v22;
	v22 =	vld [tilespmem:$0x1F8A0]  }
0x4dc: {  	v29 =	vld [tilespmem:$0x1F820]  }
0x4dd: {  	v52 =	vld [tilespmem:$0x1F890]  }
0x4de: {  	v19 =	vmul.f32 v21, v53;
	v53 =	vld [tilespmem:$0x1F860]  }
0x4df: {  	v10 =	vld.idx.msk [tilespmem:v10+s22+$0x0], $0xffff  }
0x4e0: {  	v30 =	vmul.f32 v30, v22;
	v22 =	vld [tilespmem:$0x1F910]  }
0x4e1: {  	v48 =	vor.u32 $0x8, v62;
	v11 =	vld.idx.msk [tilespmem:v11+s22+$0x0], $0xffff  }
0x4e2: {  	v50 =	vor.u32 $0x4, v62;
	v2 =	vld.idx.msk [tilespmem:v2+s22+$0x0], $0xffff  }
0x4e3: {  	v3 =	vld.idx.msk [tilespmem:v3+s22+$0x0], $0xffff  }
0x4e4: {  	v49 =	vor.u32 $0x9, v62;
	v54 =	vld [tilespmem:$0x1F8D0]  }
0x4e5: {  	v38 =	vmul.f32 v38, v22;
	v22 =	vld [tilespmem:$0x1F8E0]  }
0x4e6: {  	v51 =	vor.u32 $0x5, v62;
	v21 =	vmul.f32 v23, v29;
	v29 =	vmul.f32 v34, v52;
	v34 =	vld.idx.msk [tilespmem:v48+s22+$0x0], $0xffff  }
0x4e7: {  	v50 =	vld.idx.msk [tilespmem:v50+s22+$0x0], $0xffff  }
0x4e8: {  	v48 =	vor.u32 $0x2, v62;
	v27 =	vld [tilespmem:$0x1F850]  }
0x4e9: {  	v23 =	vmul.f32 v25, v53;
	v52 =	vor.u32 $0x6, v62;
	v25 =	vmul.f32 v35, v54;
	v35 =	vld.idx.msk [tilespmem:v49+s22+$0x0], $0xffff  }
0x4ea: {  	v28 =	vmul.f32 v28, v22;
	v22 =	vld [tilespmem:$0x1F950]  }
0x4eb: {  	v51 =	vld.idx.msk [tilespmem:v51+s22+$0x0], $0xffff  }
0x4ec: {  	v53 =	vor.u32 $0x7, v62;
	v54 =	vld [tilespmem:$0x1F9D0]  }
0x4ed: {  	v48 =	vld.idx.msk [tilespmem:v48+s22+$0x0], $0xffff  }
0x4ee: {  	v46 =	vor.u32 $0xD, v62;
	v1 =	vmul.f32 v44, v1;
	v44 =	vld.idx.msk [tilespmem:v52+s22+$0x0], $0xffff  }
0x4ef: {  	v41 =	vmul.f32 v41, v22;
	v22 =	vld [tilespmem:$0x1F920]  }
0x4f0: {  	v52 =	vld [tilespmem:$0x1FA20]  }
0x4f1: {  	v49 =	vor.u32 $0x3, v62;
	v7 =	vmul.f32 v34, v7;
	v34 =	vld.idx.msk [tilespmem:v53+s22+$0x0], $0xffff  }
0x4f2: {  	v9 =	vmul.f32 v50, v9;
	v53 =	vor.u32 $0xE, v62;
	v50 =	vld [tilespmem:$0x1FA80]  }
0x4f3: {  	v27 =	vmul.f32 v32, v27;
	v32 =	vld.idx.msk [tilespmem:v46+s22+$0x0], $0xffff  }
0x4f4: {  	v36 =	vmul.f32 v36, v22;
	v22 =	vld [tilespmem:$0x1F990]  }
0x4f5: {  	v46 =	vor.u32 $0x1, v62;
	v45 =	vmul.f32 v45, v54;
	v54 =	vld [tilespmem:$0x1FA10]  }
0x4f6: {  	v49 =	vld.idx.msk [tilespmem:v49+s22+$0x0], $0xffff  }
0x4f7: {  	v43 =	vmul.f32 v43, v52;
	v52 =	vor.u32 $0xB, v62;
	v53 =	vld.idx.msk [tilespmem:v53+s22+$0x0], $0xffff  }
0x4f8: {  	v18 =	vadd.f32 v47, v18;
	v47 =	vor.u32 $0x13, v62;
	v6 =	vmul.f32 v44, v6;
	v44 =	vld [tilespmem:$0x1FAC0]  }
0x4f9: {  	v12 =	vmul.f32 v48, v12;
	v31 =	vmul.f32 v31, v22;
	v22 =	vld [tilespmem:$0x1F960]  }
0x4fa: {  	v8 =	vmul.f32 v51, v8;
	v51 =	vor.u32 $0x1F, v62;
	v46 =	vld.idx.msk [tilespmem:v46+s22+$0x0], $0xffff;
	v0 =	vmul.f32 v32, v0  }
0x4fb: {  	v12 =	vadd.f32 $0.0e+00, v12;
	v32 =	vld.idx.msk [tilespmem:v16+s22+$0x0], $0xffff;
	v33 =	vmul.f32 v33, v54;
	v54 =	vor.u32 $0xA, v62  }
0x4fc: {  	v9 =	vadd.f32 v9, v18;
	v5 =	vmul.f32 v34, v5;
	v34 =	vld.idx.msk [tilespmem:v52+s22+$0x0], $0xffff;
	v52 =	vor.u32 $0x16, v62  }
0x4fd: {  	v6 =	vadd.f32 v6, v12;
	v12 =	vld.idx.msk [tilespmem:v47+s22+$0x0], $0xffff  }
0x4fe: {  	v7 =	vadd.f32 v7, v9;
	v40 =	vmul.f32 v40, v22;
	v22 =	vld [tilespmem:$0x1F9A0]  }
0x4ff: {  	v51 =	vld.idx.msk [tilespmem:v51+s22+$0x0], $0xffff  }
0x500: {  	v1 =	vadd.f32 v1, v7;
	v13 =	vmul.f32 v49, v13;
	v14 =	vmul.f32 v46, v14;
	v46 =	vld.idx.msk [tilespmem:v54+s22+$0x0], $0xffff  }
0x501: {  	v9 =	vld.idx.msk [tilespmem:v52+s22+$0x0], $0xffff  }
0x502: {  	v13 =	vadd.f32 $0.0e+00, v13;
	v1 =	vadd.f32 v33, v1;
	v52 =	vld [tilespmem:$0x1FA50]  }
0x503: {  	v14 =	vadd.f32 $0.0e+00, v14;
	v54 =	vor.u32 $0x17, v62;
	v42 =	vmul.f32 v42, v22;
	v22 =	vld [tilespmem:$0x1F9E0]  }
0x504: {  	v4 =	vmul.f32 v35, v4;
	v33 =	vld [tilespmem:$0x1F980];
	v5 =	vadd.f32 v5, v13  }
0x505: {  	v1 =	vadd.f32 v45, v1;
	v45 =	vld [tilespmem:$0x1F870];
	v34 =	vmul.f32 v34, v50;
	v8 =	vadd.f32 v8, v14  }
0x506: {  	v50 =	vld [tilespmem:$0x1F9F0]  }
0x507: {  	v5 =	vadd.f32 v34, v5;
	v34 =	vld [tilespmem:$0x1F930];
	v4 =	vadd.f32 v4, v8  }
0x508: {  	v8 =	vmul.f32 v53, v52;
	v53 =	vld.idx.msk [tilespmem:v54+s22+$0x0], $0xffff;
	v37 =	vmul.f32 v37, v22;
	v22 =	vor.u32 $0xF, v62  }
0x509: {  	v54 =	vld [tilespmem:$0x1FA60]  }
0x50a: {  	v0 =	vadd.f32 v0, v4;
	v52 =	vld [tilespmem:$0x1FA00]  }
0x50b: {  	v9 =	vmul.f32 v9, v50;
	v50 =	vld [tilespmem:$0x1FAD0]  }
0x50c: {  	v0 =	vadd.f32 v43, v0;
	v43 =	vld [tilespmem:$0x1F8C0]  }
0x50d: {  	v1 =	vadd.f32 v31, v1;
	v35 =	vld.idx.msk [tilespmem:v22+s22+$0x0], $0xffff  }
0x50e: {  	v48 =	vor.u32 $0x12, v62;
	v22 =	vld [tilespmem:$0x1FA70]  }
0x50f: {  	v31 =	vld [tilespmem:$0x1F970];
	v1 =	vadd.f32 v41, v1  }
0x510: {  	v49 =	vor.u32 $0x1A, v62;
	v41 =	vld [tilespmem:$0x1F8B0]  }
0x511: {  	v1 =	vadd.f32 v38, v1;
	v38 =	vld [tilespmem:$0x1F900]  }
0x512: {  	v0 =	vadd.f32 v37, v0;
	v37 =	vld [tilespmem:$0x1F8F0]  }
0x513: {  	v14 =	vmul.f32 v46, v22;
	v46 =	vld.idx.msk [tilespmem:v48+s22+$0x0], $0xffff;
	v48 =	vor.u32 $0x1B, v62  }
0x514: {  	v0 =	vadd.f32 v42, v0;
	v42 =	vld [tilespmem:$0x1FB00]  }
0x515: {  	v22 =	vld.idx.msk [tilespmem:v49+s22+$0x0], $0xffff  }
0x516: {  	v13 =	vor.u32 $0x1E, v62;
	v18 =	vmul.f32 v35, v54;
	v35 =	vld [tilespmem:$0x1FA30]  }
0x517: {  	v54 =	vld [tilespmem:$0x1F9B0]  }
0x518: {  	v62 =	vor.u32 $0x23, v62;
	v47 =	vld.idx.msk [tilespmem:v48+s22+$0x0], $0xffff  }
0x519: {  	v48 =	vld [tilespmem:$0x1FA40]  }
0x51a: {  	v0 =	vadd.f32 v40, v0;
	v40 =	vld [tilespmem:$0x1FAE0]  }
0x51b: {  	v49 =	vld.idx.msk [tilespmem:v13+s22+$0x0], $0xffff;
	v6 =	vadd.f32 v14, v6  }
0x51c: {  	v5 =	vadd.f32 v18, v5;
	v18 =	vld [tilespmem:$0x1F9C0]  }
0x51d: {  	v6 =	vadd.f32 v8, v6;
	v4 =	vmul.f32 v46, v35;
	v62 =	vld.idx.msk [tilespmem:v62+s22+$0x0], $0xffff  }
0x51e: {  	v14 =	vmul.f32 v22, v54;
	v22 =	vld.idx.msk [tilespmem:v15+s22+$0x0], $0xffff;
	v8 =	vmul.f32 v12, v48  }
0x51f: {  	v35 =	vld [tilespmem:$0x1F940];
	v4 =	vadd.f32 v4, v6  }
0x520: {  	v6 =	vmul.f32 v53, v52;
	v53 =	vld.idx.msk [tilespmem:v17+s22+$0x0], $0xffff;
	v5 =	vadd.f32 v8, v5  }
0x521: {  	v46 =	vld [tilespmem:$0x1FAF0];
	v4 =	vadd.f32 v9, v4  }
0x522: {  	v52 =	vld [tilespmem:$0x1FA90];
	v5 =	vadd.f32 v6, v5;
	v6 =	vmul.f32 v47, v18  }
0x523: {  	v9 =	vmul.f32 v49, v31;
	v49 =	vld [tilespmem:$0x1F830];
	v4 =	vadd.f32 v14, v4  }
0x524: {  	v48 =	vld [tilespmem:$0x1FAA0];
	v5 =	vadd.f32 v6, v5;
	v6 =	vmul.f32 v51, v33  }
0x525: {  	v8 =	vmul.f32 v53, v34;
	v53 =	vld [tilespmem:$0x1FAB0];
	v4 =	vadd.f32 v9, v4  }
0x526: {  	v9 =	vmul.f32 v10, v41;
	v10 =	vld.idx.msk [tilespmem:v42+s22+$0x0], $0xffff;
	v5 =	vadd.f32 v6, v5;
	v6 =	vmul.f32 v62, v35  }
0x527: {  	v0 =	vadd.f32 v36, v0;
	v7 =	vmul.f32 v22, v37;
	v47 =	vld [tilespmem:$0x1F880];
	v4 =	vadd.f32 v8, v4  }
0x528: {  	v1 =	vadd.f32 v25, v1;
	v8 =	vld.idx.msk [tilespmem:v40+s22+$0x0], $0xffff;
	v5 =	vadd.f32 v6, v5;
	v6 =	vmul.f32 v32, v38  }
0x529: {  	v0 =	vadd.f32 v28, v0;
	v51 =	vld [tilespmem:$0x1F840];
	v4 =	vadd.f32 v7, v4  }
0x52a: {  	v1 =	vadd.f32 v29, v1;
	v7 =	vld.idx.msk [tilespmem:v44+s22+$0x0], $0xffff;
	v5 =	vadd.f32 v6, v5;
	v6 =	vmul.f32 v11, v43  }
0x52b: {  	v2 =	vmul.f32 v2, v45;
	v0 =	vadd.f32 v30, v0;
	v4 =	vadd.f32 v9, v4;
	v11 =	vld.idx.msk [tilespmem:v46+s22+$0x0], $0xffff  }
0x52c: {  	v1 =	vadd.f32 v27, v1;
	v3 =	vmul.f32 v3, v47;
	v9 =	vld.idx.msk [tilespmem:v50+s22+$0x0], $0xffff;
	v5 =	vadd.f32 v6, v5  }
0x52d: {  	v0 =	vadd.f32 v23, v0;
	v8 =	vmul.f32 v8, v49;
	v2 =	vadd.f32 v2, v4;
	v6 =	vld.idx.msk [tilespmem:v48+s22+$0x0], $0xffff  }
0x52e: {  	v1 =	vadd.f32 v20, v1;
	v4 =	vmul.f32 v10, v51;
	v10 =	vld.idx.msk [tilespmem:v53+s22+$0x0], $0xffff;
	v3 =	vadd.f32 v3, v5  }
0x52f: {  	v0 =	vadd.f32 v21, v0;
	v7 =	vmul.f32 v7, v63;
	v2 =	vadd.f32 v8, v2;
	v5 =	vld.idx.msk [tilespmem:v52+s22+$0x0], $0xffff  }
0x530: {  	v1 =	vadd.f32 v39, v1;
	v62 =	vld [tilespmem:$0x1F640];
	v54 =	vmul.f32 v11, v61;
	v3 =	vadd.f32 v4, v3  }
0x531: {  	v0 =	vadd.f32 v19, v0;
	v2 =	vadd.f32 v7, v2  }
0x532: {  	v6 =	vmul.f32 v6, v60;
	v60 =	vmul.f32 v9, v59;
	v3 =	vadd.f32 v54, v3  }
0x533: {  	v1 =	vadd.f32 v58, v1;
	v0 =	vadd.f32 v26, v0;
	v61 =	vmul.f32 v10, v56  }
0x534: {  	v5 =	vmul.f32 v5, v57;
	v2 =	vadd.f32 v6, v2;
	v3 =	vadd.f32 v60, v3  }
0x535: {  	v0 =	vadd.f32 v24, v0;
	v1 =	vadd.f32 v62, v1  }
0x536: {  	v2 =	vadd.f32 v5, v2;
	v3 =	vadd.f32 v61, v3;
	_ =	sdelay $0x1  }
0x537: {  	v0 =	vadd.f32 v0, v1;
	v63 =	vadd.f32 v3, v2;
	_ =	sdelay $0x1  }
0x538: {  	s26 =	sadd.s32 $0x1, s26;
	v0 =	vadd.f32 v63, v0  }
0x539: {  	s0 =	sadd.s32 $0x10, s28;
	p0 =	sne.s32 s26, s11  }
.Ltmp4:
0x53a: {  	[tilespmem:s0+$0x0] =	vst v0;
	(pc) =	sbr.rel @p0 .LBB2_1-.Ltmp4, $4  }
0x53b: {  	[hbm4b:s10+s2] =	stream.linear.scatter [tilespmem:s25], [sflag:$0x4], $0x200, $0x38;
	[tilespmem:$0x10C80] =	vst v63  }
0x53c: {  	_ =	swait.ge [sflag:s12], $0x200  }
0x53d: {  	[sflag:s12] =	ssyncset.done $0x0  }
0x53e: {  	[sflag:s12] =	ssyncadd.s32 $0xFFFFFE00  }
0x53f: {  	_ =	sfence.sel $0x180000  }
0x540: {  	[bflag:$0x0] =	sbarrier.arrive $0xFFFF  }
0x541: {  	_ =	strace $0x90000047  }
0x542: {  	s0 =	stileid.u32;
	[bflag:$0x2] =	sbarrier.arrive $0xFFFF  }
0x543: {  	p0 =	sne.s32 s0, $0x0;
	s0 =	rddreg [dreg:$0x4]  }
0x544: {  	s0 =	sadd.s32 @!p0 $0x100000, s0  }
0x545: {  	[sflag:s0] =	ssyncadd.tile.s32 @!p0 $0x1;
	_ =	shalt  }
.Lfunc_end2:
_tile_overlayer_lowered:
.L_overlay_start_2:
0x546: {  	(tag) =	ssettag $0x2  }
0x547: {  	s0 =	rddreg [dreg:$0x0];
	s2 =	stileid.u32  }
0x548: {  	s1 =	rddreg [dreg:$0x1];
	p0 =	sne.s32 s2, $0x0  }
0x549: {  	s3 =	rddreg [dreg:$0x2];
	[bflag:$0x3] =	sbarrier.arrive $0xFFFF;
	s2 =	simm.s32 @!p0 $0x1C04  }
0x54a: {  	[timem:s3], [sflag:s2] =	dma.local @!p0 [hbm:s0], s1  }
0x54b: {  	s0 =	simm.s32 @!p0 $0x4  }
0x54c: {  	_ =	swait.ge @!p0 [sflag:s0], s1  }
0x54d: {  	s1 =	ssub.s32 @!p0 $0x0, s1;
	[sflag:s0] =	ssyncset.done @!p0 $0x0  }
0x54e: {  	[sflag:s0] =	ssyncadd.s32 @!p0 s1  }
0x54f: {  	[bflag:$0x3] =	sbarrier.arrive $0xFFFF  }
0x550: {  	_ =	shalt  }

</sc_bundles>
